<compile_context>
chip_gen: v7x
topology: tpu7x:2x2x1
jax: 0.10.2.dev20260603
libtpu: 0.0.44.dev20260713+nightly
codegen_flags: <defaults>
</compile_context>

<pallas_src>
import functools

import jax
import jax.numpy as jnp
from jax import lax
from jax.experimental import pallas as pl
from jax.experimental.pallas import tpu as pltpu
from jax.experimental.pallas import tpu_sc as plsc

BATCH = 128
N = 32768
K = 1024
NB = 2048
CAP = 4096
PER_LANE = CAP // 16
NV = N // 16
L = 16

_SC_INFO = plsc.get_sparse_core_info()
_NC = _SC_INFO.num_cores
_NS = _SC_INFO.num_subcores
_NW = _NC * _NS
_RPW = BATCH // _NW


def _sort_key(x):
    b = plsc.bitcast(x, jnp.int32)
    return jnp.where(b < 0, b, (~b) & jnp.int32(0x7FFFFFFF))


def _body(scores_hbm, out_hbm, x_v, hist_v, ck_v, ci_v, ck2_v, ci2_v,
          rhist_v, sem):
    wid = lax.axis_index("s") * _NC + lax.axis_index("c")
    iota = lax.iota(jnp.int32, L)
    occ_cal, _ = plsc.scan_count(jnp.zeros((L,), jnp.int32))
    occ_base = occ_cal - iota

    row0 = wid * _RPW
    pltpu.async_copy(scores_hbm.at[row0], x_v, sem)

    def do_row(r, _):
        row = row0 + r
        pltpu.make_async_copy(scores_hbm.at[row], x_v, sem).wait()

        @plsc.parallel_loop(0, NB // L, unroll=8)
        def _(i):
            hist_v[pl.ds(i * L, L)] = jnp.zeros((L,), jnp.int32)

        @plsc.parallel_loop(0, CAP // L, unroll=8)
        def _(i):
            ck_v[pl.ds(i * L, L)] = jnp.full((L,), -1, jnp.int32)
            ci_v[pl.ds(i * L, L)] = jnp.full((L,), 32767, jnp.int32)

        @plsc.parallel_loop(0, NV, unroll=8)
        def _(i):
            x = x_v[pl.ds(i * L, L)]
            bkt = lax.shift_right_logical(_sort_key(x), 21)
            occ, lastm = plsc.scan_count(bkt)
            plsc.addupdate_scatter(hist_v, [bkt], occ - occ_base + 1,
                                   mask=lastm)

        @plsc.parallel_loop(
            0, NB // L, unroll=4,
            carry=(jnp.int32(0), jnp.full((L,), 1 << 20, jnp.int32)))
        def bfinal(i, carry):
            tot, acc = carry
            h = hist_v[pl.ds(i * L, L)]
            c = plsc.cumsum(h) + tot
            cand = jnp.where(c >= K, i * L + iota, jnp.int32(1 << 20))
            return jnp.max(c), jnp.minimum(acc, cand)
        bstar = jnp.min(bfinal[1])

        @plsc.parallel_loop(0, NV, unroll=16,
                            carry=jnp.zeros((L,), jnp.int32))
        def off(j, off):
            x = x_v[pl.ds(j * L, L)]
            k = _sort_key(x)
            bkt = lax.shift_right_logical(k, 21)
            m = (bkt <= bstar) & (off < PER_LANE)
            dest = off * L + iota
            plsc.store_scatter(ck_v, [dest], k, mask=m)
            plsc.store_scatter(ci_v, [dest], j * L + iota, mask=m)
            return off + jnp.where(m, 1, 0).astype(jnp.int32)
        nv_sort = jnp.max(off)

        nxt = jnp.minimum(r + 1, _RPW - 1)
        pltpu.async_copy(scores_hbm.at[row0 + nxt], x_v, sem)

        bufs = ((ck_v, ci_v), (ck2_v, ci2_v))
        for p in range(6):
            src_k, src_i = bufs[p % 2]
            dst_k, dst_i = bufs[(p + 1) % 2]

            def digit_of(k, vi, _p=p):
                if _p == 0:
                    return vi & 0xFF
                if _p == 1:
                    return lax.shift_right_logical(vi, 8) & 0xFF
                return lax.shift_right_logical(k, 8 * (_p - 2)) & 0xFF

            @plsc.parallel_loop(0, 256 // L, unroll=8)
            def _(i):
                rhist_v[pl.ds(i * L, L)] = jnp.zeros((L,), jnp.int32)

            @plsc.parallel_loop(0, nv_sort, unroll=4)
            def _(i, _src_k=src_k, _src_i=src_i, _dig=digit_of):
                k = _src_k[pl.ds(i * L, L)]
                vi = _src_i[pl.ds(i * L, L)]
                d = _dig(k, vi)
                occ, lastm = plsc.scan_count(d)
                plsc.addupdate_scatter(rhist_v, [d], occ - occ_base + 1,
                                       mask=lastm)

            @plsc.parallel_loop(0, 256 // L, unroll=4, carry=jnp.int32(0))
            def _(i, tot):
                h = rhist_v[pl.ds(i * L, L)]
                c = plsc.cumsum(h)
                rhist_v[pl.ds(i * L, L)] = c - h + tot
                return tot + jnp.max(c)

            def rperm(i, _, _src_k=src_k, _src_i=src_i, _dst_k=dst_k,
                      _dst_i=dst_i, _dig=digit_of):
                k = _src_k[pl.ds(i * L, L)]
                vi = _src_i[pl.ds(i * L, L)]
                d = _dig(k, vi)
                offs = plsc.load_gather(rhist_v, [d])
                occ, lastm = plsc.scan_count(d)
                occ0 = occ - occ_base
                dest = offs + occ0
                plsc.store_scatter(_dst_k, [dest], k)
                plsc.store_scatter(_dst_i, [dest], vi)
                plsc.addupdate_scatter(rhist_v, [d], occ0 + 1, mask=lastm)
                return 0
            lax.fori_loop(0, nv_sort, rperm, 0)

        pltpu.sync_copy(ci_v.at[pl.ds(0, K)], out_hbm.at[row])
        return 0

    lax.fori_loop(0, _RPW, do_row, 0)
    pltpu.make_async_copy(scores_hbm.at[row0], x_v, sem).wait()


@functools.partial(
    pl.kernel,
    out_type=jax.ShapeDtypeStruct((BATCH, K), jnp.int32),
    mesh=plsc.VectorSubcoreMesh(core_axis_name="c", subcore_axis_name="s"),
    compiler_params=pltpu.CompilerParams(needs_layout_passes=False),
    scratch_types=[
        pltpu.VMEM((N,), jnp.float32),
        pltpu.VMEM((NB,), jnp.int32),
        pltpu.VMEM((CAP,), jnp.int32),
        pltpu.VMEM((CAP,), jnp.int32),
        pltpu.VMEM((CAP,), jnp.int32),
        pltpu.VMEM((CAP,), jnp.int32),
        pltpu.VMEM((256,), jnp.int32),
        pltpu.SemaphoreType.DMA,
    ],
)
def _topk_sc(scores_hbm, out_hbm, *rest):
    _body(scores_hbm, out_hbm, *rest)


@jax.jit
def kernel(input):
    scores = jnp.squeeze(input, axis=-1)
    return _topk_sc(scores)

# --- scband reference (transcript-rebuilt; emitter-appended) ---
"""Pipeline reference for scband-pruning-39848706572522 (READ-ONLY COPY).

The authoritative reference and input builder live on the scoring server;
editing this copy changes nothing except your own understanding.
"""

import jax, jax.numpy as jnp
import numpy as np

MAX_K = 1024

def setup_inputs(seed: int = 0) -> dict:
    key = jax.random.key(seed)
    scores = jax.random.normal(key, (128, 32768, 1), dtype=jnp.float32)
    return {"input": scores}

def reference(input) -> jnp.ndarray:
    scores = input  # [B, N, 1]
    # tf.argsort(direction='DESCENDING', axis=1) -> argsort of negated scores along axis 1
    sorted_scores = jnp.argsort(-scores, axis=1)  # [B, N, 1] int indices
    sorted_index = jnp.squeeze(sorted_scores, axis=-1)  # [B, N]
    # tf.gather(sorted_index, tf.range(max), axis=1)
    filtered_idx = sorted_index[:, :MAX_K]  # [B, MAX_K]
    return filtered_idx

if __name__ == "__main__":
    import jax
    _d = setup_inputs()
    print(jax.jit(kernel)(*tuple(_d.values())))

</pallas_src>

<mosaic_0001>
#map = affine_map<(d0, d1) -> (0, 0)>
module attributes {stable_mosaic.version = 14 : i64} {
  func.func @_topk_sc(%arg0: i32, %arg1: i32, %arg2: memref<128x32768xf32, #tpu.memory_space<hbm>>, %arg3: memref<128x1024xi32, #tpu.memory_space<hbm>>, %arg4: memref<32768xf32, #tpu.memory_space<vmem>>, %arg5: memref<2048xi32, #tpu.memory_space<vmem>>, %arg6: memref<4096xi32, #tpu.memory_space<vmem>>, %arg7: memref<4096xi32, #tpu.memory_space<vmem>>, %arg8: memref<4096xi32, #tpu.memory_space<vmem>>, %arg9: memref<4096xi32, #tpu.memory_space<vmem>>, %arg10: memref<256xi32, #tpu.memory_space<vmem>>, %arg11: memref<!tpu.dma_semaphore, #tpu.memory_space<semaphore_mem>>) attributes {dimension_semantics = [#tpu.dimension_semantics<core_parallel>, #tpu.dimension_semantics<subcore_parallel>], iteration_bounds = array<i64: 2, 16>, scalar_prefetch = 0 : i64, scratch_operands = 8 : i64, tpu.core_type = #tpu.core_type<sc_vector_subcore>, window_params = [{transform_indices = #map}, {transform_indices = #map}]} {
    %mul3A = arith.constant 2 : i32
    %mul3A_0 = arith.muli %arg1, %mul3A : i32
    %add3A = arith.addi %mul3A_0, %arg0 : i32
    %iota3A = tpu.iota {dimensions = array<i32: 0>} : vector<16xi32>
    %broadcast_in_dim3A = arith.constant 0 : i32
    %broadcast_in_dim3A_1 = vector.broadcast %broadcast_in_dim3A : i32 to vector<16xi32>
    %broadcast_in_dim3A_2 = arith.constant true
    %broadcast_in_dim3A_3 = vector.broadcast %broadcast_in_dim3A_2 : i1 to vector<16xi1>
    %unique3A, %unique3A_4 = tpu.scan_count mask(%broadcast_in_dim3A_3 : vector<16xi1>) value(%broadcast_in_dim3A_1 : vector<16xi32>) : vector<16xi1>, vector<16xi32>
    %sub3A = arith.subi %unique3A_4, %iota3A : vector<16xi32>
    %mul3A_5 = arith.constant 4 : i32
    %mul3A_6 = arith.muli %add3A, %mul3A_5 : i32
    %dma_start3A = arith.constant 0 : i32
    %dma_start3A_7 = tpu.memref_slice %arg2[%mul3A_6, %dma_start3A] : memref<128x32768xf32, #tpu.memory_space<hbm>> -> memref<1x32768xf32, #tpu.memory_space<hbm>>
    %dma_start3A_8 = tpu.memref_squeeze %dma_start3A_7 : memref<1x32768xf32, #tpu.memory_space<hbm>> -> memref<32768xf32, #tpu.memory_space<hbm>>
    %dma_start3A_9 = arith.constant 0 : i32
    %dma_start3A_10 = tpu.memref_slice %arg2[%mul3A_6, %dma_start3A_9] : memref<128x32768xf32, #tpu.memory_space<hbm>> -> memref<1x32768xf32, #tpu.memory_space<hbm>>
    %dma_start3A_11 = tpu.memref_squeeze %dma_start3A_10 : memref<1x32768xf32, #tpu.memory_space<hbm>> -> memref<32768xf32, #tpu.memory_space<hbm>>
    tpu.enqueue_dma source(%dma_start3A_11 : memref<32768xf32, #tpu.memory_space<hbm>>) target(%arg4 : memref<32768xf32, #tpu.memory_space<vmem>>) target_semaphore(%arg11 : memref<!tpu.dma_semaphore, #tpu.memory_space<semaphore_mem>>)
    %scan3A = arith.constant 0 : i32
    %scan3A_12 = arith.constant 0 : i32
    %scan3A_13 = arith.constant 4 : i32
    %scan3A_14 = arith.addi %scan3A_12, %scan3A_13 : i32
    %scan3A_15 = arith.constant 1 : i32
    %scan3A_16 = scf.for %scan3A_23 = %scan3A_12 to %scan3A_14 step %scan3A_15 iter_args(%scan3A_24 = %scan3A) -> (i32)  : i32 {
      %add3A_25 = arith.addi %mul3A_6, %scan3A_23 : i32
      %dma_wait3A_26 = arith.constant 0 : i32
      %dma_wait3A_27 = tpu.memref_slice %arg2[%add3A_25, %dma_wait3A_26] : memref<128x32768xf32, #tpu.memory_space<hbm>> -> memref<1x32768xf32, #tpu.memory_space<hbm>>
      %dma_wait3A_28 = tpu.memref_squeeze %dma_wait3A_27 : memref<1x32768xf32, #tpu.memory_space<hbm>> -> memref<32768xf32, #tpu.memory_space<hbm>>
      %dma_wait3A_29 = arith.constant 0 : i32
      %dma_wait3A_30 = tpu.memref_slice %arg2[%add3A_25, %dma_wait3A_29] : memref<128x32768xf32, #tpu.memory_space<hbm>> -> memref<1x32768xf32, #tpu.memory_space<hbm>>
      %dma_wait3A_31 = tpu.memref_squeeze %dma_wait3A_30 : memref<1x32768xf32, #tpu.memory_space<hbm>> -> memref<32768xf32, #tpu.memory_space<hbm>>
      tpu.wait_dma2 semaphore(%arg11 : memref<!tpu.dma_semaphore, #tpu.memory_space<semaphore_mem>>) src(%dma_wait3A_31 : memref<32768xf32, #tpu.memory_space<hbm>>) dst(%arg4 : memref<32768xf32, #tpu.memory_space<vmem>>)
      %parallel_loop3A = arith.constant 0 : i32
      %parallel_loop3A_32 = arith.constant 128 : i32
      %parallel_loop3A_33 = arith.constant 1 : i32
      scf.for %parallel_loop3A_209 = %parallel_loop3A to %parallel_loop3A_32 step %parallel_loop3A_33  : i32 {
        %parallel_loop3A_210 = arith.constant 0 : i32
        %parallel_loop3A_211 = vector.broadcast %parallel_loop3A_210 : i32 to vector<16xi32>
        %parallel_loop3A_212 = arith.constant 16 : i32
        %parallel_loop3A_213 = arith.muli %parallel_loop3A_209, %parallel_loop3A_212 : i32
        %parallel_loop3A_214 = arith.index_cast %parallel_loop3A_213 : i32 to index
        %parallel_loop3A_215 = tpu.vector_load %arg5[%parallel_loop3A_214] {strides = array<i32>} : memref<2048xi32, #tpu.memory_space<vmem>>, vector<16xi32>,
        tpu.vector_store %arg5[%parallel_loop3A_214], %parallel_loop3A_211 {strides = array<i32>} : memref<2048xi32, #tpu.memory_space<vmem>>, vector<16xi32>,
      } {sc.loop_unroll_factor = 8 : i64, sc.parallel_access}
      %parallel_loop3A_34 = arith.constant 0 : i32
      %parallel_loop3A_35 = arith.constant 256 : i32
      %parallel_loop3A_36 = arith.constant 1 : i32
      scf.for %parallel_loop3A_209 = %parallel_loop3A_34 to %parallel_loop3A_35 step %parallel_loop3A_36  : i32 {
        %parallel_loop3A_210 = arith.constant -1 : i32
        %parallel_loop3A_211 = vector.broadcast %parallel_loop3A_210 : i32 to vector<16xi32>
        %parallel_loop3A_212 = arith.constant 16 : i32
        %parallel_loop3A_213 = arith.muli %parallel_loop3A_209, %parallel_loop3A_212 : i32
        %parallel_loop3A_214 = arith.index_cast %parallel_loop3A_213 : i32 to index
        %parallel_loop3A_215 = tpu.vector_load %arg6[%parallel_loop3A_214] {strides = array<i32>} : memref<4096xi32, #tpu.memory_space<vmem>>, vector<16xi32>,
        tpu.vector_store %arg6[%parallel_loop3A_214], %parallel_loop3A_211 {strides = array<i32>} : memref<4096xi32, #tpu.memory_space<vmem>>, vector<16xi32>,
        %parallel_loop3A_216 = arith.constant 32767 : i32
        %parallel_loop3A_217 = vector.broadcast %parallel_loop3A_216 : i32 to vector<16xi32>
        %parallel_loop3A_218 = arith.constant 16 : i32
        %parallel_loop3A_219 = arith.muli %parallel_loop3A_209, %parallel_loop3A_218 : i32
        %parallel_loop3A_220 = arith.index_cast %parallel_loop3A_219 : i32 to index
        %parallel_loop3A_221 = tpu.vector_load %arg7[%parallel_loop3A_220] {strides = array<i32>} : memref<4096xi32, #tpu.memory_space<vmem>>, vector<16xi32>,
        tpu.vector_store %arg7[%parallel_loop3A_220], %parallel_loop3A_217 {strides = array<i32>} : memref<4096xi32, #tpu.memory_space<vmem>>, vector<16xi32>,
      } {sc.loop_unroll_factor = 8 : i64, sc.parallel_access}
      %parallel_loop3A_37 = arith.constant 0 : i32
      %parallel_loop3A_38 = arith.constant 2048 : i32
      %parallel_loop3A_39 = arith.constant 1 : i32
      scf.for %parallel_loop3A_209 = %parallel_loop3A_37 to %parallel_loop3A_38 step %parallel_loop3A_39  : i32 {
        %parallel_loop3A_210 = arith.constant 16 : i32
        %parallel_loop3A_211 = arith.muli %parallel_loop3A_209, %parallel_loop3A_210 : i32
        %parallel_loop3A_212 = arith.index_cast %parallel_loop3A_211 : i32 to index
        %parallel_loop3A_213 = tpu.vector_load %arg4[%parallel_loop3A_212] {strides = array<i32>} : memref<32768xf32, #tpu.memory_space<vmem>>, vector<16xf32>,
        %parallel_loop3A_214 = vector.bitcast %parallel_loop3A_213 : vector<16xf32> to vector<16xi32>
        %parallel_loop3A_215 = arith.constant 0 : i32
        %parallel_loop3A_216 = vector.broadcast %parallel_loop3A_215 : i32 to vector<16xi32>
        %parallel_loop3A_217 = arith.cmpi slt, %parallel_loop3A_214, %parallel_loop3A_216 : vector<16xi32>
        %parallel_loop3A_218 = arith.constant dense<-1> : vector<16xi32>
        %parallel_loop3A_219 = arith.xori %parallel_loop3A_214, %parallel_loop3A_218 : vector<16xi32>
        %parallel_loop3A_220 = arith.constant 2147483647 : i32
        %parallel_loop3A_221 = vector.broadcast %parallel_loop3A_220 : i32 to vector<16xi32>
        %parallel_loop3A_222 = arith.andi %parallel_loop3A_219, %parallel_loop3A_221 : vector<16xi32>
        %parallel_loop3A_223 = arith.select %parallel_loop3A_217, %parallel_loop3A_214, %parallel_loop3A_222 : vector<16xi1>, vector<16xi32>
        %parallel_loop3A_224 = arith.constant 21 : i32
        %parallel_loop3A_225 = vector.broadcast %parallel_loop3A_224 : i32 to vector<16xi32>
        %parallel_loop3A_226 = arith.shrui %parallel_loop3A_223, %parallel_loop3A_225 : vector<16xi32>
        %parallel_loop3A_227 = arith.constant true
        %parallel_loop3A_228 = vector.broadcast %parallel_loop3A_227 : i1 to vector<16xi1>
        %parallel_loop3A_229, %parallel_loop3A_230 = tpu.scan_count mask(%parallel_loop3A_228 : vector<16xi1>) value(%parallel_loop3A_226 : vector<16xi32>) : vector<16xi1>, vector<16xi32>
        %parallel_loop3A_231 = arith.subi %parallel_loop3A_230, %sub3A : vector<16xi32>
        %parallel_loop3A_232 = arith.constant 1 : i32
        %parallel_loop3A_233 = vector.broadcast %parallel_loop3A_232 : i32 to vector<16xi32>
        %parallel_loop3A_234 = arith.addi %parallel_loop3A_231, %parallel_loop3A_233 : vector<16xi32>
        tpu.vector_store_idx %arg5[%parallel_loop3A_226], %parallel_loop3A_234 masked %parallel_loop3A_229 {add = true} : memref<2048xi32, #tpu.memory_space<vmem>>[vector<16xi32>], vector<16xi32>, vector<16xi1>
      } {sc.loop_unroll_factor = 8 : i64, sc.parallel_access}
      %broadcast_in_dim3A_40 = arith.constant 1048576 : i32
      %broadcast_in_dim3A_41 = vector.broadcast %broadcast_in_dim3A_40 : i32 to vector<16xi32>
      %parallel_loop3A_42 = arith.constant 0 : i32
      %parallel_loop3A_43 = arith.constant 128 : i32
      %parallel_loop3A_44 = arith.constant 1 : i32
      %parallel_loop3A_45 = arith.constant 0 : i32
      %parallel_loop3A_46:2 = scf.for %parallel_loop3A_209 = %parallel_loop3A_42 to %parallel_loop3A_43 step %parallel_loop3A_44 iter_args(%parallel_loop3A_210 = %parallel_loop3A_45, %parallel_loop3A_211 = %broadcast_in_dim3A_41) -> (i32, vector<16xi32>)  : i32 {
        %parallel_loop3A_212 = arith.constant 16 : i32
        %parallel_loop3A_213 = arith.muli %parallel_loop3A_209, %parallel_loop3A_212 : i32
        %parallel_loop3A_214 = arith.index_cast %parallel_loop3A_213 : i32 to index
        %parallel_loop3A_215 = tpu.vector_load %arg5[%parallel_loop3A_214] {strides = array<i32>} : memref<2048xi32, #tpu.memory_space<vmem>>, vector<16xi32>,
        %parallel_loop3A_216 = arith.constant true
        %parallel_loop3A_217 = vector.broadcast %parallel_loop3A_216 : i1 to vector<16xi1>
        %parallel_loop3A_218 = tpu.scan <sum>, %parallel_loop3A_215 masked %parallel_loop3A_217 : vector<16xi32>, vector<16xi1> -> vector<16xi32>
        %parallel_loop3A_219 = vector.broadcast %parallel_loop3A_210 : i32 to vector<16xi32>
        %parallel_loop3A_220 = arith.addi %parallel_loop3A_218, %parallel_loop3A_219 : vector<16xi32>
        %parallel_loop3A_221 = arith.constant 1024 : i32
        %parallel_loop3A_222 = vector.broadcast %parallel_loop3A_221 : i32 to vector<16xi32>
        %parallel_loop3A_223 = arith.cmpi sge, %parallel_loop3A_220, %parallel_loop3A_222 : vector<16xi32>
        %parallel_loop3A_224 = arith.constant 16 : i32
        %parallel_loop3A_225 = arith.muli %parallel_loop3A_209, %parallel_loop3A_224 : i32
        %parallel_loop3A_226 = vector.broadcast %parallel_loop3A_225 : i32 to vector<16xi32>
        %parallel_loop3A_227 = arith.addi %parallel_loop3A_226, %iota3A : vector<16xi32>
        %parallel_loop3A_228 = arith.constant 1048576 : i32
        %parallel_loop3A_229 = vector.broadcast %parallel_loop3A_228 : i32 to vector<16xi32>
        %parallel_loop3A_230 = arith.select %parallel_loop3A_223, %parallel_loop3A_227, %parallel_loop3A_229 : vector<16xi1>, vector<16xi32>
        %parallel_loop3A_231 = arith.constant true
        %parallel_loop3A_232 = vector.broadcast %parallel_loop3A_231 : i1 to vector<16xi1>
        %parallel_loop3A_233 = arith.constant -2147483648 : i32
        %parallel_loop3A_234 = vector.broadcast %parallel_loop3A_233 : i32 to vector<16xi32>
        %parallel_loop3A_235 = arith.xori %parallel_loop3A_220, %parallel_loop3A_234 : vector<16xi32>
        %parallel_loop3A_236 = tpu.scan <max>, %parallel_loop3A_235 masked %parallel_loop3A_232 : vector<16xi32>, vector<16xi1> -> vector<16xi32>
        %parallel_loop3A_237 = arith.xori %parallel_loop3A_236, %parallel_loop3A_234 : vector<16xi32>
        %parallel_loop3A_238 = vector.extract %parallel_loop3A_237[15] : i32 from vector<16xi32>
        %parallel_loop3A_239 = arith.minsi %parallel_loop3A_211, %parallel_loop3A_230 : vector<16xi32>
        scf.yield %parallel_loop3A_238, %parallel_loop3A_239 : i32, vector<16xi32>
      } {sc.loop_unroll_factor = 4 : i64, sc.parallel_access}
      %reduce_min3A = arith.constant true
      %reduce_min3A_47 = vector.broadcast %reduce_min3A : i1 to vector<16xi1>
      %reduce_min3A_48 = arith.constant -2147483648 : i32
      %reduce_min3A_49 = vector.broadcast %reduce_min3A_48 : i32 to vector<16xi32>
      %reduce_min3A_50 = arith.xori %parallel_loop3A_46#1, %reduce_min3A_49 : vector<16xi32>
      %reduce_min3A_51 = tpu.scan <min>, %reduce_min3A_50 masked %reduce_min3A_47 : vector<16xi32>, vector<16xi1> -> vector<16xi32>
      %reduce_min3A_52 = arith.xori %reduce_min3A_51, %reduce_min3A_49 : vector<16xi32>
      %reduce_min3A_53 = vector.extract %reduce_min3A_52[15] : i32 from vector<16xi32>
      %broadcast_in_dim3A_54 = arith.constant 0 : i32
      %broadcast_in_dim3A_55 = vector.broadcast %broadcast_in_dim3A_54 : i32 to vector<16xi32>
      %parallel_loop3A_56 = arith.constant 0 : i32
      %parallel_loop3A_57 = arith.constant 2048 : i32
      %parallel_loop3A_58 = arith.constant 1 : i32
      %parallel_loop3A_59 = scf.for %parallel_loop3A_209 = %parallel_loop3A_56 to %parallel_loop3A_57 step %parallel_loop3A_58 iter_args(%parallel_loop3A_210 = %broadcast_in_dim3A_55) -> (vector<16xi32>)  : i32 {
        %parallel_loop3A_211 = arith.constant 16 : i32
        %parallel_loop3A_212 = arith.muli %parallel_loop3A_209, %parallel_loop3A_211 : i32
        %parallel_loop3A_213 = arith.index_cast %parallel_loop3A_212 : i32 to index
        %parallel_loop3A_214 = tpu.vector_load %arg4[%parallel_loop3A_213] {strides = array<i32>} : memref<32768xf32, #tpu.memory_space<vmem>>, vector<16xf32>,
        %parallel_loop3A_215 = vector.bitcast %parallel_loop3A_214 : vector<16xf32> to vector<16xi32>
        %parallel_loop3A_216 = arith.constant 0 : i32
        %parallel_loop3A_217 = vector.broadcast %parallel_loop3A_216 : i32 to vector<16xi32>
        %parallel_loop3A_218 = arith.cmpi slt, %parallel_loop3A_215, %parallel_loop3A_217 : vector<16xi32>
        %parallel_loop3A_219 = arith.constant dense<-1> : vector<16xi32>
        %parallel_loop3A_220 = arith.xori %parallel_loop3A_215, %parallel_loop3A_219 : vector<16xi32>
        %parallel_loop3A_221 = arith.constant 2147483647 : i32
        %parallel_loop3A_222 = vector.broadcast %parallel_loop3A_221 : i32 to vector<16xi32>
        %parallel_loop3A_223 = arith.andi %parallel_loop3A_220, %parallel_loop3A_222 : vector<16xi32>
        %parallel_loop3A_224 = arith.select %parallel_loop3A_218, %parallel_loop3A_215, %parallel_loop3A_223 : vector<16xi1>, vector<16xi32>
        %parallel_loop3A_225 = arith.constant 21 : i32
        %parallel_loop3A_226 = vector.broadcast %parallel_loop3A_225 : i32 to vector<16xi32>
        %parallel_loop3A_227 = arith.shrui %parallel_loop3A_224, %parallel_loop3A_226 : vector<16xi32>
        %parallel_loop3A_228 = vector.broadcast %reduce_min3A_53 : i32 to vector<16xi32>
        %parallel_loop3A_229 = arith.cmpi sle, %parallel_loop3A_227, %parallel_loop3A_228 : vector<16xi32>
        %parallel_loop3A_230 = arith.constant 256 : i32
        %parallel_loop3A_231 = vector.broadcast %parallel_loop3A_230 : i32 to vector<16xi32>
        %parallel_loop3A_232 = arith.cmpi slt, %parallel_loop3A_210, %parallel_loop3A_231 : vector<16xi32>
        %parallel_loop3A_233 = arith.andi %parallel_loop3A_229, %parallel_loop3A_232 : vector<16xi1>
        %parallel_loop3A_234 = arith.constant 16 : i32
        %parallel_loop3A_235 = vector.broadcast %parallel_loop3A_234 : i32 to vector<16xi32>
        %parallel_loop3A_236 = arith.muli %parallel_loop3A_210, %parallel_loop3A_235 : vector<16xi32>
        %parallel_loop3A_237 = arith.addi %parallel_loop3A_236, %iota3A : vector<16xi32>
        tpu.vector_store_idx %arg6[%parallel_loop3A_237], %parallel_loop3A_224 masked %parallel_loop3A_233 : memref<4096xi32, #tpu.memory_space<vmem>>[vector<16xi32>], vector<16xi32>, vector<16xi1>
        %parallel_loop3A_238 = arith.constant 16 : i32
        %parallel_loop3A_239 = arith.muli %parallel_loop3A_209, %parallel_loop3A_238 : i32
        %parallel_loop3A_240 = vector.broadcast %parallel_loop3A_239 : i32 to vector<16xi32>
        %parallel_loop3A_241 = arith.addi %parallel_loop3A_240, %iota3A : vector<16xi32>
        tpu.vector_store_idx %arg7[%parallel_loop3A_237], %parallel_loop3A_241 masked %parallel_loop3A_233 : memref<4096xi32, #tpu.memory_space<vmem>>[vector<16xi32>], vector<16xi32>, vector<16xi1>
        %parallel_loop3A_242 = arith.constant 1 : i32
        %parallel_loop3A_243 = arith.constant 0 : i32
        %parallel_loop3A_244 = vector.broadcast %parallel_loop3A_242 : i32 to vector<16xi32>
        %parallel_loop3A_245 = vector.broadcast %parallel_loop3A_243 : i32 to vector<16xi32>
        %parallel_loop3A_246 = arith.select %parallel_loop3A_233, %parallel_loop3A_244, %parallel_loop3A_245 : vector<16xi1>, vector<16xi32>
        %parallel_loop3A_247 = arith.addi %parallel_loop3A_210, %parallel_loop3A_246 : vector<16xi32>
        scf.yield %parallel_loop3A_247 : vector<16xi32>
      } {sc.loop_unroll_factor = 16 : i64, sc.parallel_access}
      %reduce_max3A = arith.constant true
      %reduce_max3A_60 = vector.broadcast %reduce_max3A : i1 to vector<16xi1>
      %reduce_max3A_61 = arith.constant -2147483648 : i32
      %reduce_max3A_62 = vector.broadcast %reduce_max3A_61 : i32 to vector<16xi32>
      %reduce_max3A_63 = arith.xori %parallel_loop3A_59, %reduce_max3A_62 : vector<16xi32>
      %reduce_max3A_64 = tpu.scan <max>, %reduce_max3A_63 masked %reduce_max3A_60 : vector<16xi32>, vector<16xi1> -> vector<16xi32>
      %reduce_max3A_65 = arith.xori %reduce_max3A_64, %reduce_max3A_62 : vector<16xi32>
      %reduce_max3A_66 = vector.extract %reduce_max3A_65[15] : i32 from vector<16xi32>
      %add3A_67 = arith.constant 1 : i32
      %add3A_68 = arith.addi %scan3A_23, %add3A_67 : i32
      %min3A = arith.constant 3 : i32
      %min3A_69 = arith.minsi %add3A_68, %min3A : i32
      %add3A_70 = arith.addi %mul3A_6, %min3A_69 : i32
      %dma_start3A_71 = arith.constant 0 : i32
      %dma_start3A_72 = tpu.memref_slice %arg2[%add3A_70, %dma_start3A_71] : memref<128x32768xf32, #tpu.memory_space<hbm>> -> memref<1x32768xf32, #tpu.memory_space<hbm>>
      %dma_start3A_73 = tpu.memref_squeeze %dma_start3A_72 : memref<1x32768xf32, #tpu.memory_space<hbm>> -> memref<32768xf32, #tpu.memory_space<hbm>>
      %dma_start3A_74 = arith.constant 0 : i32
      %dma_start3A_75 = tpu.memref_slice %arg2[%add3A_70, %dma_start3A_74] : memref<128x32768xf32, #tpu.memory_space<hbm>> -> memref<1x32768xf32, #tpu.memory_space<hbm>>
      %dma_start3A_76 = tpu.memref_squeeze %dma_start3A_75 : memref<1x32768xf32, #tpu.memory_space<hbm>> -> memref<32768xf32, #tpu.memory_space<hbm>>
      tpu.enqueue_dma source(%dma_start3A_76 : memref<32768xf32, #tpu.memory_space<hbm>>) target(%arg4 : memref<32768xf32, #tpu.memory_space<vmem>>) target_semaphore(%arg11 : memref<!tpu.dma_semaphore, #tpu.memory_space<semaphore_mem>>)
      %parallel_loop3A_77 = arith.constant 0 : i32
      %parallel_loop3A_78 = arith.constant 16 : i32
      %parallel_loop3A_79 = arith.constant 1 : i32
      scf.for %parallel_loop3A_209 = %parallel_loop3A_77 to %parallel_loop3A_78 step %parallel_loop3A_79  : i32 {
        %parallel_loop3A_210 = arith.constant 0 : i32
        %parallel_loop3A_211 = vector.broadcast %parallel_loop3A_210 : i32 to vector<16xi32>
        %parallel_loop3A_212 = arith.constant 16 : i32
        %parallel_loop3A_213 = arith.muli %parallel_loop3A_209, %parallel_loop3A_212 : i32
        %parallel_loop3A_214 = arith.index_cast %parallel_loop3A_213 : i32 to index
        %parallel_loop3A_215 = tpu.vector_load %arg10[%parallel_loop3A_214] {strides = array<i32>} : memref<256xi32, #tpu.memory_space<vmem>>, vector<16xi32>,
        tpu.vector_store %arg10[%parallel_loop3A_214], %parallel_loop3A_211 {strides = array<i32>} : memref<256xi32, #tpu.memory_space<vmem>>, vector<16xi32>,
      } {sc.loop_unroll_factor = 8 : i64, sc.parallel_access}
      %parallel_loop3A_80 = arith.constant 0 : i32
      %parallel_loop3A_81 = arith.constant 1 : i32
      scf.for %parallel_loop3A_209 = %parallel_loop3A_80 to %reduce_max3A_66 step %parallel_loop3A_81  : i32 {
        %parallel_loop3A_210 = arith.constant 16 : i32
        %parallel_loop3A_211 = arith.muli %parallel_loop3A_209, %parallel_loop3A_210 : i32
        %parallel_loop3A_212 = arith.index_cast %parallel_loop3A_211 : i32 to index
        %parallel_loop3A_213 = tpu.vector_load %arg6[%parallel_loop3A_212] {strides = array<i32>} : memref<4096xi32, #tpu.memory_space<vmem>>, vector<16xi32>,
        %parallel_loop3A_214 = arith.constant 16 : i32
        %parallel_loop3A_215 = arith.muli %parallel_loop3A_209, %parallel_loop3A_214 : i32
        %parallel_loop3A_216 = arith.index_cast %parallel_loop3A_215 : i32 to index
        %parallel_loop3A_217 = tpu.vector_load %arg7[%parallel_loop3A_216] {strides = array<i32>} : memref<4096xi32, #tpu.memory_space<vmem>>, vector<16xi32>,
        %parallel_loop3A_218 = arith.constant 255 : i32
        %parallel_loop3A_219 = vector.broadcast %parallel_loop3A_218 : i32 to vector<16xi32>
        %parallel_loop3A_220 = arith.andi %parallel_loop3A_217, %parallel_loop3A_219 : vector<16xi32>
        %parallel_loop3A_221 = arith.constant true
        %parallel_loop3A_222 = vector.broadcast %parallel_loop3A_221 : i1 to vector<16xi1>
        %parallel_loop3A_223, %parallel_loop3A_224 = tpu.scan_count mask(%parallel_loop3A_222 : vector<16xi1>) value(%parallel_loop3A_220 : vector<16xi32>) : vector<16xi1>, vector<16xi32>
        %parallel_loop3A_225 = arith.subi %parallel_loop3A_224, %sub3A : vector<16xi32>
        %parallel_loop3A_226 = arith.constant 1 : i32
        %parallel_loop3A_227 = vector.broadcast %parallel_loop3A_226 : i32 to vector<16xi32>
        %parallel_loop3A_228 = arith.addi %parallel_loop3A_225, %parallel_loop3A_227 : vector<16xi32>
        tpu.vector_store_idx %arg10[%parallel_loop3A_220], %parallel_loop3A_228 masked %parallel_loop3A_223 {add = true} : memref<256xi32, #tpu.memory_space<vmem>>[vector<16xi32>], vector<16xi32>, vector<16xi1>
      } {sc.loop_unroll_factor = 4 : i64, sc.parallel_access}
      %parallel_loop3A_82 = arith.constant 0 : i32
      %parallel_loop3A_83 = arith.constant 16 : i32
      %parallel_loop3A_84 = arith.constant 1 : i32
      %parallel_loop3A_85 = arith.constant 0 : i32
      %parallel_loop3A_86 = scf.for %parallel_loop3A_209 = %parallel_loop3A_82 to %parallel_loop3A_83 step %parallel_loop3A_84 iter_args(%parallel_loop3A_210 = %parallel_loop3A_85) -> (i32)  : i32 {
        %parallel_loop3A_211 = arith.constant 16 : i32
        %parallel_loop3A_212 = arith.muli %parallel_loop3A_209, %parallel_loop3A_211 : i32
        %parallel_loop3A_213 = arith.index_cast %parallel_loop3A_212 : i32 to index
        %parallel_loop3A_214 = tpu.vector_load %arg10[%parallel_loop3A_213] {strides = array<i32>} : memref<256xi32, #tpu.memory_space<vmem>>, vector<16xi32>,
        %parallel_loop3A_215 = arith.constant true
        %parallel_loop3A_216 = vector.broadcast %parallel_loop3A_215 : i1 to vector<16xi1>
        %parallel_loop3A_217 = tpu.scan <sum>, %parallel_loop3A_214 masked %parallel_loop3A_216 : vector<16xi32>, vector<16xi1> -> vector<16xi32>
        %parallel_loop3A_218 = arith.subi %parallel_loop3A_217, %parallel_loop3A_214 : vector<16xi32>
        %parallel_loop3A_219 = vector.broadcast %parallel_loop3A_210 : i32 to vector<16xi32>
        %parallel_loop3A_220 = arith.addi %parallel_loop3A_218, %parallel_loop3A_219 : vector<16xi32>
        %parallel_loop3A_221 = arith.constant 16 : i32
        %parallel_loop3A_222 = arith.muli %parallel_loop3A_209, %parallel_loop3A_221 : i32
        %parallel_loop3A_223 = arith.index_cast %parallel_loop3A_222 : i32 to index
        %parallel_loop3A_224 = tpu.vector_load %arg10[%parallel_loop3A_223] {strides = array<i32>} : memref<256xi32, #tpu.memory_space<vmem>>, vector<16xi32>,
        tpu.vector_store %arg10[%parallel_loop3A_223], %parallel_loop3A_220 {strides = array<i32>} : memref<256xi32, #tpu.memory_space<vmem>>, vector<16xi32>,
        %parallel_loop3A_225 = arith.constant true
        %parallel_loop3A_226 = vector.broadcast %parallel_loop3A_225 : i1 to vector<16xi1>
        %parallel_loop3A_227 = arith.constant -2147483648 : i32
        %parallel_loop3A_228 = vector.broadcast %parallel_loop3A_227 : i32 to vector<16xi32>
        %parallel_loop3A_229 = arith.xori %parallel_loop3A_217, %parallel_loop3A_228 : vector<16xi32>
        %parallel_loop3A_230 = tpu.scan <max>, %parallel_loop3A_229 masked %parallel_loop3A_226 : vector<16xi32>, vector<16xi1> -> vector<16xi32>
        %parallel_loop3A_231 = arith.xori %parallel_loop3A_230, %parallel_loop3A_228 : vector<16xi32>
        %parallel_loop3A_232 = vector.extract %parallel_loop3A_231[15] : i32 from vector<16xi32>
        %parallel_loop3A_233 = arith.addi %parallel_loop3A_210, %parallel_loop3A_232 : i32
        scf.yield %parallel_loop3A_233 : i32
      } {sc.loop_unroll_factor = 4 : i64, sc.parallel_access}
      %while3A = arith.constant 0 : i32
      %while3A_87 = arith.constant 0 : i32
      %while3A_88 = arith.subi %reduce_max3A_66, %while3A : i32
      %while3A_89 = arith.addi %while3A, %while3A_88 : i32
      %while3A_90 = arith.constant 1 : i32
      %while3A_91 = arith.divsi %while3A_88, %while3A_90 : i32
      %while3A_92 = arith.muli %while3A_91, %while3A_90 : i32
      %while3A_93 = arith.addi %while3A, %while3A_92 : i32
      %while3A_94 = arith.constant 1 : i32
      %while3A_95 = scf.for %while3A_209 = %while3A to %while3A_93 step %while3A_94 iter_args(%while3A_210 = %while3A_87) -> (i32)  : i32 {
        %mul3A_211 = arith.constant 16 : i32
        %mul3A_212 = arith.muli %while3A_209, %mul3A_211 : i32
        %get3A = arith.index_cast %mul3A_212 : i32 to index
        %get3A_213 = tpu.vector_load %arg6[%get3A] {strides = array<i32>} : memref<4096xi32, #tpu.memory_space<vmem>>, vector<16xi32>,
        %mul3A_214 = arith.constant 16 : i32
        %mul3A_215 = arith.muli %while3A_209, %mul3A_214 : i32
        %get3A_216 = arith.index_cast %mul3A_215 : i32 to index
        %get3A_217 = tpu.vector_load %arg7[%get3A_216] {strides = array<i32>} : memref<4096xi32, #tpu.memory_space<vmem>>, vector<16xi32>,
        %and3A = arith.constant 255 : i32
        %and3A_218 = vector.broadcast %and3A : i32 to vector<16xi32>
        %and3A_219 = arith.andi %get3A_217, %and3A_218 : vector<16xi32>
        %gather3A = tpu.vector_load_idx %arg10[%and3A_219] : memref<256xi32, #tpu.memory_space<vmem>>[vector<16xi32>], vector<16xi32>,
        %broadcast_in_dim3A_220 = arith.constant true
        %broadcast_in_dim3A_221 = vector.broadcast %broadcast_in_dim3A_220 : i1 to vector<16xi1>
        %unique3A_222, %unique3A_223 = tpu.scan_count mask(%broadcast_in_dim3A_221 : vector<16xi1>) value(%and3A_219 : vector<16xi32>) : vector<16xi1>, vector<16xi32>
        %sub3A_224 = arith.subi %unique3A_223, %sub3A : vector<16xi32>
        %add3A_225 = arith.addi %gather3A, %sub3A_224 : vector<16xi32>
        tpu.vector_store_idx %arg8[%add3A_225], %get3A_213 : memref<4096xi32, #tpu.memory_space<vmem>>[vector<16xi32>], vector<16xi32>,
        tpu.vector_store_idx %arg9[%add3A_225], %get3A_217 : memref<4096xi32, #tpu.memory_space<vmem>>[vector<16xi32>], vector<16xi32>,
        %add3A_226 = arith.constant 1 : i32
        %add3A_227 = vector.broadcast %add3A_226 : i32 to vector<16xi32>
        %add3A_228 = arith.addi %sub3A_224, %add3A_227 : vector<16xi32>
        tpu.vector_store_idx %arg10[%and3A_219], %add3A_228 masked %unique3A_222 {add = true} : memref<256xi32, #tpu.memory_space<vmem>>[vector<16xi32>], vector<16xi32>, vector<16xi1>
        %while3A_229 = arith.constant 0 : i32
        scf.yield %while3A_229 : i32
      }
      %while3A_96 = arith.constant 1 : i32
      %while3A_97 = scf.for %while3A_209 = %while3A_93 to %while3A_89 step %while3A_96 iter_args(%while3A_210 = %while3A_95) -> (i32)  : i32 {
        %mul3A_211 = arith.constant 16 : i32
        %mul3A_212 = arith.muli %while3A_209, %mul3A_211 : i32
        %get3A = arith.index_cast %mul3A_212 : i32 to index
        %get3A_213 = tpu.vector_load %arg6[%get3A] {strides = array<i32>} : memref<4096xi32, #tpu.memory_space<vmem>>, vector<16xi32>,
        %mul3A_214 = arith.constant 16 : i32
        %mul3A_215 = arith.muli %while3A_209, %mul3A_214 : i32
        %get3A_216 = arith.index_cast %mul3A_215 : i32 to index
        %get3A_217 = tpu.vector_load %arg7[%get3A_216] {strides = array<i32>} : memref<4096xi32, #tpu.memory_space<vmem>>, vector<16xi32>,
        %and3A = arith.constant 255 : i32
        %and3A_218 = vector.broadcast %and3A : i32 to vector<16xi32>
        %and3A_219 = arith.andi %get3A_217, %and3A_218 : vector<16xi32>
        %gather3A = tpu.vector_load_idx %arg10[%and3A_219] : memref<256xi32, #tpu.memory_space<vmem>>[vector<16xi32>], vector<16xi32>,
        %broadcast_in_dim3A_220 = arith.constant true
        %broadcast_in_dim3A_221 = vector.broadcast %broadcast_in_dim3A_220 : i1 to vector<16xi1>
        %unique3A_222, %unique3A_223 = tpu.scan_count mask(%broadcast_in_dim3A_221 : vector<16xi1>) value(%and3A_219 : vector<16xi32>) : vector<16xi1>, vector<16xi32>
        %sub3A_224 = arith.subi %unique3A_223, %sub3A : vector<16xi32>
        %add3A_225 = arith.addi %gather3A, %sub3A_224 : vector<16xi32>
        tpu.vector_store_idx %arg8[%add3A_225], %get3A_213 : memref<4096xi32, #tpu.memory_space<vmem>>[vector<16xi32>], vector<16xi32>,
        tpu.vector_store_idx %arg9[%add3A_225], %get3A_217 : memref<4096xi32, #tpu.memory_space<vmem>>[vector<16xi32>], vector<16xi32>,
        %add3A_226 = arith.constant 1 : i32
        %add3A_227 = vector.broadcast %add3A_226 : i32 to vector<16xi32>
        %add3A_228 = arith.addi %sub3A_224, %add3A_227 : vector<16xi32>
        tpu.vector_store_idx %arg10[%and3A_219], %add3A_228 masked %unique3A_222 {add = true} : memref<256xi32, #tpu.memory_space<vmem>>[vector<16xi32>], vector<16xi32>, vector<16xi1>
        %while3A_229 = arith.constant 0 : i32
        scf.yield %while3A_229 : i32
      }
      %parallel_loop3A_98 = arith.constant 0 : i32
      %parallel_loop3A_99 = arith.constant 16 : i32
      %parallel_loop3A_100 = arith.constant 1 : i32
      scf.for %parallel_loop3A_209 = %parallel_loop3A_98 to %parallel_loop3A_99 step %parallel_loop3A_100  : i32 {
        %parallel_loop3A_210 = arith.constant 0 : i32
        %parallel_loop3A_211 = vector.broadcast %parallel_loop3A_210 : i32 to vector<16xi32>
        %parallel_loop3A_212 = arith.constant 16 : i32
        %parallel_loop3A_213 = arith.muli %parallel_loop3A_209, %parallel_loop3A_212 : i32
        %parallel_loop3A_214 = arith.index_cast %parallel_loop3A_213 : i32 to index
        %parallel_loop3A_215 = tpu.vector_load %arg10[%parallel_loop3A_214] {strides = array<i32>} : memref<256xi32, #tpu.memory_space<vmem>>, vector<16xi32>,
        tpu.vector_store %arg10[%parallel_loop3A_214], %parallel_loop3A_211 {strides = array<i32>} : memref<256xi32, #tpu.memory_space<vmem>>, vector<16xi32>,
      } {sc.loop_unroll_factor = 8 : i64, sc.parallel_access}
      %parallel_loop3A_101 = arith.constant 0 : i32
      %parallel_loop3A_102 = arith.constant 1 : i32
      scf.for %parallel_loop3A_209 = %parallel_loop3A_101 to %reduce_max3A_66 step %parallel_loop3A_102  : i32 {
        %parallel_loop3A_210 = arith.constant 16 : i32
        %parallel_loop3A_211 = arith.muli %parallel_loop3A_209, %parallel_loop3A_210 : i32
        %parallel_loop3A_212 = arith.index_cast %parallel_loop3A_211 : i32 to index
        %parallel_loop3A_213 = tpu.vector_load %arg8[%parallel_loop3A_212] {strides = array<i32>} : memref<4096xi32, #tpu.memory_space<vmem>>, vector<16xi32>,
        %parallel_loop3A_214 = arith.constant 16 : i32
        %parallel_loop3A_215 = arith.muli %parallel_loop3A_209, %parallel_loop3A_214 : i32
        %parallel_loop3A_216 = arith.index_cast %parallel_loop3A_215 : i32 to index
        %parallel_loop3A_217 = tpu.vector_load %arg9[%parallel_loop3A_216] {strides = array<i32>} : memref<4096xi32, #tpu.memory_space<vmem>>, vector<16xi32>,
        %parallel_loop3A_218 = arith.constant 8 : i32
        %parallel_loop3A_219 = vector.broadcast %parallel_loop3A_218 : i32 to vector<16xi32>
        %parallel_loop3A_220 = arith.shrui %parallel_loop3A_217, %parallel_loop3A_219 : vector<16xi32>
        %parallel_loop3A_221 = arith.constant 255 : i32
        %parallel_loop3A_222 = vector.broadcast %parallel_loop3A_221 : i32 to vector<16xi32>
        %parallel_loop3A_223 = arith.andi %parallel_loop3A_220, %parallel_loop3A_222 : vector<16xi32>
        %parallel_loop3A_224 = arith.constant true
        %parallel_loop3A_225 = vector.broadcast %parallel_loop3A_224 : i1 to vector<16xi1>
        %parallel_loop3A_226, %parallel_loop3A_227 = tpu.scan_count mask(%parallel_loop3A_225 : vector<16xi1>) value(%parallel_loop3A_223 : vector<16xi32>) : vector<16xi1>, vector<16xi32>
        %parallel_loop3A_228 = arith.subi %parallel_loop3A_227, %sub3A : vector<16xi32>
        %parallel_loop3A_229 = arith.constant 1 : i32
        %parallel_loop3A_230 = vector.broadcast %parallel_loop3A_229 : i32 to vector<16xi32>
        %parallel_loop3A_231 = arith.addi %parallel_loop3A_228, %parallel_loop3A_230 : vector<16xi32>
        tpu.vector_store_idx %arg10[%parallel_loop3A_223], %parallel_loop3A_231 masked %parallel_loop3A_226 {add = true} : memref<256xi32, #tpu.memory_space<vmem>>[vector<16xi32>], vector<16xi32>, vector<16xi1>
      } {sc.loop_unroll_factor = 4 : i64, sc.parallel_access}
      %parallel_loop3A_103 = arith.constant 0 : i32
      %parallel_loop3A_104 = arith.constant 16 : i32
      %parallel_loop3A_105 = arith.constant 1 : i32
      %parallel_loop3A_106 = arith.constant 0 : i32
      %parallel_loop3A_107 = scf.for %parallel_loop3A_209 = %parallel_loop3A_103 to %parallel_loop3A_104 step %parallel_loop3A_105 iter_args(%parallel_loop3A_210 = %parallel_loop3A_106) -> (i32)  : i32 {
        %parallel_loop3A_211 = arith.constant 16 : i32
        %parallel_loop3A_212 = arith.muli %parallel_loop3A_209, %parallel_loop3A_211 : i32
        %parallel_loop3A_213 = arith.index_cast %parallel_loop3A_212 : i32 to index
        %parallel_loop3A_214 = tpu.vector_load %arg10[%parallel_loop3A_213] {strides = array<i32>} : memref<256xi32, #tpu.memory_space<vmem>>, vector<16xi32>,
        %parallel_loop3A_215 = arith.constant true
        %parallel_loop3A_216 = vector.broadcast %parallel_loop3A_215 : i1 to vector<16xi1>
        %parallel_loop3A_217 = tpu.scan <sum>, %parallel_loop3A_214 masked %parallel_loop3A_216 : vector<16xi32>, vector<16xi1> -> vector<16xi32>
        %parallel_loop3A_218 = arith.subi %parallel_loop3A_217, %parallel_loop3A_214 : vector<16xi32>
        %parallel_loop3A_219 = vector.broadcast %parallel_loop3A_210 : i32 to vector<16xi32>
        %parallel_loop3A_220 = arith.addi %parallel_loop3A_218, %parallel_loop3A_219 : vector<16xi32>
        %parallel_loop3A_221 = arith.constant 16 : i32
        %parallel_loop3A_222 = arith.muli %parallel_loop3A_209, %parallel_loop3A_221 : i32
        %parallel_loop3A_223 = arith.index_cast %parallel_loop3A_222 : i32 to index
        %parallel_loop3A_224 = tpu.vector_load %arg10[%parallel_loop3A_223] {strides = array<i32>} : memref<256xi32, #tpu.memory_space<vmem>>, vector<16xi32>,
        tpu.vector_store %arg10[%parallel_loop3A_223], %parallel_loop3A_220 {strides = array<i32>} : memref<256xi32, #tpu.memory_space<vmem>>, vector<16xi32>,
        %parallel_loop3A_225 = arith.constant true
        %parallel_loop3A_226 = vector.broadcast %parallel_loop3A_225 : i1 to vector<16xi1>
        %parallel_loop3A_227 = arith.constant -2147483648 : i32
        %parallel_loop3A_228 = vector.broadcast %parallel_loop3A_227 : i32 to vector<16xi32>
        %parallel_loop3A_229 = arith.xori %parallel_loop3A_217, %parallel_loop3A_228 : vector<16xi32>
        %parallel_loop3A_230 = tpu.scan <max>, %parallel_loop3A_229 masked %parallel_loop3A_226 : vector<16xi32>, vector<16xi1> -> vector<16xi32>
        %parallel_loop3A_231 = arith.xori %parallel_loop3A_230, %parallel_loop3A_228 : vector<16xi32>
        %parallel_loop3A_232 = vector.extract %parallel_loop3A_231[15] : i32 from vector<16xi32>
        %parallel_loop3A_233 = arith.addi %parallel_loop3A_210, %parallel_loop3A_232 : i32
        scf.yield %parallel_loop3A_233 : i32
      } {sc.loop_unroll_factor = 4 : i64, sc.parallel_access}
      %while3A_108 = arith.constant 0 : i32
      %while3A_109 = arith.constant 0 : i32
      %while3A_110 = arith.subi %reduce_max3A_66, %while3A_108 : i32
      %while3A_111 = arith.addi %while3A_108, %while3A_110 : i32
      %while3A_112 = arith.constant 1 : i32
      %while3A_113 = arith.divsi %while3A_110, %while3A_112 : i32
      %while3A_114 = arith.muli %while3A_113, %while3A_112 : i32
      %while3A_115 = arith.addi %while3A_108, %while3A_114 : i32
      %while3A_116 = arith.constant 1 : i32
      %while3A_117 = scf.for %while3A_209 = %while3A_108 to %while3A_115 step %while3A_116 iter_args(%while3A_210 = %while3A_109) -> (i32)  : i32 {
        %mul3A_211 = arith.constant 16 : i32
        %mul3A_212 = arith.muli %while3A_209, %mul3A_211 : i32
        %get3A = arith.index_cast %mul3A_212 : i32 to index
        %get3A_213 = tpu.vector_load %arg8[%get3A] {strides = array<i32>} : memref<4096xi32, #tpu.memory_space<vmem>>, vector<16xi32>,
        %mul3A_214 = arith.constant 16 : i32
        %mul3A_215 = arith.muli %while3A_209, %mul3A_214 : i32
        %get3A_216 = arith.index_cast %mul3A_215 : i32 to index
        %get3A_217 = tpu.vector_load %arg9[%get3A_216] {strides = array<i32>} : memref<4096xi32, #tpu.memory_space<vmem>>, vector<16xi32>,
        %shift_right_logical3A = arith.constant 8 : i32
        %shift_right_logical3A_218 = vector.broadcast %shift_right_logical3A : i32 to vector<16xi32>
        %shift_right_logical3A_219 = arith.shrui %get3A_217, %shift_right_logical3A_218 : vector<16xi32>
        %and3A = arith.constant 255 : i32
        %and3A_220 = vector.broadcast %and3A : i32 to vector<16xi32>
        %and3A_221 = arith.andi %shift_right_logical3A_219, %and3A_220 : vector<16xi32>
        %gather3A = tpu.vector_load_idx %arg10[%and3A_221] : memref<256xi32, #tpu.memory_space<vmem>>[vector<16xi32>], vector<16xi32>,
        %broadcast_in_dim3A_222 = arith.constant true
        %broadcast_in_dim3A_223 = vector.broadcast %broadcast_in_dim3A_222 : i1 to vector<16xi1>
        %unique3A_224, %unique3A_225 = tpu.scan_count mask(%broadcast_in_dim3A_223 : vector<16xi1>) value(%and3A_221 : vector<16xi32>) : vector<16xi1>, vector<16xi32>
        %sub3A_226 = arith.subi %unique3A_225, %sub3A : vector<16xi32>
        %add3A_227 = arith.addi %gather3A, %sub3A_226 : vector<16xi32>
        tpu.vector_store_idx %arg6[%add3A_227], %get3A_213 : memref<4096xi32, #tpu.memory_space<vmem>>[vector<16xi32>], vector<16xi32>,
        tpu.vector_store_idx %arg7[%add3A_227], %get3A_217 : memref<4096xi32, #tpu.memory_space<vmem>>[vector<16xi32>], vector<16xi32>,
        %add3A_228 = arith.constant 1 : i32
        %add3A_229 = vector.broadcast %add3A_228 : i32 to vector<16xi32>
        %add3A_230 = arith.addi %sub3A_226, %add3A_229 : vector<16xi32>
        tpu.vector_store_idx %arg10[%and3A_221], %add3A_230 masked %unique3A_224 {add = true} : memref<256xi32, #tpu.memory_space<vmem>>[vector<16xi32>], vector<16xi32>, vector<16xi1>
        %while3A_231 = arith.constant 0 : i32
        scf.yield %while3A_231 : i32
      }
      %while3A_118 = arith.constant 1 : i32
      %while3A_119 = scf.for %while3A_209 = %while3A_115 to %while3A_111 step %while3A_118 iter_args(%while3A_210 = %while3A_117) -> (i32)  : i32 {
        %mul3A_211 = arith.constant 16 : i32
        %mul3A_212 = arith.muli %while3A_209, %mul3A_211 : i32
        %get3A = arith.index_cast %mul3A_212 : i32 to index
        %get3A_213 = tpu.vector_load %arg8[%get3A] {strides = array<i32>} : memref<4096xi32, #tpu.memory_space<vmem>>, vector<16xi32>,
        %mul3A_214 = arith.constant 16 : i32
        %mul3A_215 = arith.muli %while3A_209, %mul3A_214 : i32
        %get3A_216 = arith.index_cast %mul3A_215 : i32 to index
        %get3A_217 = tpu.vector_load %arg9[%get3A_216] {strides = array<i32>} : memref<4096xi32, #tpu.memory_space<vmem>>, vector<16xi32>,
        %shift_right_logical3A = arith.constant 8 : i32
        %shift_right_logical3A_218 = vector.broadcast %shift_right_logical3A : i32 to vector<16xi32>
        %shift_right_logical3A_219 = arith.shrui %get3A_217, %shift_right_logical3A_218 : vector<16xi32>
        %and3A = arith.constant 255 : i32
        %and3A_220 = vector.broadcast %and3A : i32 to vector<16xi32>
        %and3A_221 = arith.andi %shift_right_logical3A_219, %and3A_220 : vector<16xi32>
        %gather3A = tpu.vector_load_idx %arg10[%and3A_221] : memref<256xi32, #tpu.memory_space<vmem>>[vector<16xi32>], vector<16xi32>,
        %broadcast_in_dim3A_222 = arith.constant true
        %broadcast_in_dim3A_223 = vector.broadcast %broadcast_in_dim3A_222 : i1 to vector<16xi1>
        %unique3A_224, %unique3A_225 = tpu.scan_count mask(%broadcast_in_dim3A_223 : vector<16xi1>) value(%and3A_221 : vector<16xi32>) : vector<16xi1>, vector<16xi32>
        %sub3A_226 = arith.subi %unique3A_225, %sub3A : vector<16xi32>
        %add3A_227 = arith.addi %gather3A, %sub3A_226 : vector<16xi32>
        tpu.vector_store_idx %arg6[%add3A_227], %get3A_213 : memref<4096xi32, #tpu.memory_space<vmem>>[vector<16xi32>], vector<16xi32>,
        tpu.vector_store_idx %arg7[%add3A_227], %get3A_217 : memref<4096xi32, #tpu.memory_space<vmem>>[vector<16xi32>], vector<16xi32>,
        %add3A_228 = arith.constant 1 : i32
        %add3A_229 = vector.broadcast %add3A_228 : i32 to vector<16xi32>
        %add3A_230 = arith.addi %sub3A_226, %add3A_229 : vector<16xi32>
        tpu.vector_store_idx %arg10[%and3A_221], %add3A_230 masked %unique3A_224 {add = true} : memref<256xi32, #tpu.memory_space<vmem>>[vector<16xi32>], vector<16xi32>, vector<16xi1>
        %while3A_231 = arith.constant 0 : i32
        scf.yield %while3A_231 : i32
      }
      %parallel_loop3A_120 = arith.constant 0 : i32
      %parallel_loop3A_121 = arith.constant 16 : i32
      %parallel_loop3A_122 = arith.constant 1 : i32
      scf.for %parallel_loop3A_209 = %parallel_loop3A_120 to %parallel_loop3A_121 step %parallel_loop3A_122  : i32 {
        %parallel_loop3A_210 = arith.constant 0 : i32
        %parallel_loop3A_211 = vector.broadcast %parallel_loop3A_210 : i32 to vector<16xi32>
        %parallel_loop3A_212 = arith.constant 16 : i32
        %parallel_loop3A_213 = arith.muli %parallel_loop3A_209, %parallel_loop3A_212 : i32
        %parallel_loop3A_214 = arith.index_cast %parallel_loop3A_213 : i32 to index
        %parallel_loop3A_215 = tpu.vector_load %arg10[%parallel_loop3A_214] {strides = array<i32>} : memref<256xi32, #tpu.memory_space<vmem>>, vector<16xi32>,
        tpu.vector_store %arg10[%parallel_loop3A_214], %parallel_loop3A_211 {strides = array<i32>} : memref<256xi32, #tpu.memory_space<vmem>>, vector<16xi32>,
      } {sc.loop_unroll_factor = 8 : i64, sc.parallel_access}
      %parallel_loop3A_123 = arith.constant 0 : i32
      %parallel_loop3A_124 = arith.constant 1 : i32
      scf.for %parallel_loop3A_209 = %parallel_loop3A_123 to %reduce_max3A_66 step %parallel_loop3A_124  : i32 {
        %parallel_loop3A_210 = arith.constant 16 : i32
        %parallel_loop3A_211 = arith.muli %parallel_loop3A_209, %parallel_loop3A_210 : i32
        %parallel_loop3A_212 = arith.index_cast %parallel_loop3A_211 : i32 to index
        %parallel_loop3A_213 = tpu.vector_load %arg6[%parallel_loop3A_212] {strides = array<i32>} : memref<4096xi32, #tpu.memory_space<vmem>>, vector<16xi32>,
        %parallel_loop3A_214 = arith.constant 16 : i32
        %parallel_loop3A_215 = arith.muli %parallel_loop3A_209, %parallel_loop3A_214 : i32
        %parallel_loop3A_216 = arith.index_cast %parallel_loop3A_215 : i32 to index
        %parallel_loop3A_217 = tpu.vector_load %arg7[%parallel_loop3A_216] {strides = array<i32>} : memref<4096xi32, #tpu.memory_space<vmem>>, vector<16xi32>,
        %parallel_loop3A_218 = arith.constant 0 : i32
        %parallel_loop3A_219 = vector.broadcast %parallel_loop3A_218 : i32 to vector<16xi32>
        %parallel_loop3A_220 = arith.shrui %parallel_loop3A_213, %parallel_loop3A_219 : vector<16xi32>
        %parallel_loop3A_221 = arith.constant 255 : i32
        %parallel_loop3A_222 = vector.broadcast %parallel_loop3A_221 : i32 to vector<16xi32>
        %parallel_loop3A_223 = arith.andi %parallel_loop3A_220, %parallel_loop3A_222 : vector<16xi32>
        %parallel_loop3A_224 = arith.constant true
        %parallel_loop3A_225 = vector.broadcast %parallel_loop3A_224 : i1 to vector<16xi1>
        %parallel_loop3A_226, %parallel_loop3A_227 = tpu.scan_count mask(%parallel_loop3A_225 : vector<16xi1>) value(%parallel_loop3A_223 : vector<16xi32>) : vector<16xi1>, vector<16xi32>
        %parallel_loop3A_228 = arith.subi %parallel_loop3A_227, %sub3A : vector<16xi32>
        %parallel_loop3A_229 = arith.constant 1 : i32
        %parallel_loop3A_230 = vector.broadcast %parallel_loop3A_229 : i32 to vector<16xi32>
        %parallel_loop3A_231 = arith.addi %parallel_loop3A_228, %parallel_loop3A_230 : vector<16xi32>
        tpu.vector_store_idx %arg10[%parallel_loop3A_223], %parallel_loop3A_231 masked %parallel_loop3A_226 {add = true} : memref<256xi32, #tpu.memory_space<vmem>>[vector<16xi32>], vector<16xi32>, vector<16xi1>
      } {sc.loop_unroll_factor = 4 : i64, sc.parallel_access}
      %parallel_loop3A_125 = arith.constant 0 : i32
      %parallel_loop3A_126 = arith.constant 16 : i32
      %parallel_loop3A_127 = arith.constant 1 : i32
      %parallel_loop3A_128 = arith.constant 0 : i32
      %parallel_loop3A_129 = scf.for %parallel_loop3A_209 = %parallel_loop3A_125 to %parallel_loop3A_126 step %parallel_loop3A_127 iter_args(%parallel_loop3A_210 = %parallel_loop3A_128) -> (i32)  : i32 {
        %parallel_loop3A_211 = arith.constant 16 : i32
        %parallel_loop3A_212 = arith.muli %parallel_loop3A_209, %parallel_loop3A_211 : i32
        %parallel_loop3A_213 = arith.index_cast %parallel_loop3A_212 : i32 to index
        %parallel_loop3A_214 = tpu.vector_load %arg10[%parallel_loop3A_213] {strides = array<i32>} : memref<256xi32, #tpu.memory_space<vmem>>, vector<16xi32>,
        %parallel_loop3A_215 = arith.constant true
        %parallel_loop3A_216 = vector.broadcast %parallel_loop3A_215 : i1 to vector<16xi1>
        %parallel_loop3A_217 = tpu.scan <sum>, %parallel_loop3A_214 masked %parallel_loop3A_216 : vector<16xi32>, vector<16xi1> -> vector<16xi32>
        %parallel_loop3A_218 = arith.subi %parallel_loop3A_217, %parallel_loop3A_214 : vector<16xi32>
        %parallel_loop3A_219 = vector.broadcast %parallel_loop3A_210 : i32 to vector<16xi32>
        %parallel_loop3A_220 = arith.addi %parallel_loop3A_218, %parallel_loop3A_219 : vector<16xi32>
        %parallel_loop3A_221 = arith.constant 16 : i32
        %parallel_loop3A_222 = arith.muli %parallel_loop3A_209, %parallel_loop3A_221 : i32
        %parallel_loop3A_223 = arith.index_cast %parallel_loop3A_222 : i32 to index
        %parallel_loop3A_224 = tpu.vector_load %arg10[%parallel_loop3A_223] {strides = array<i32>} : memref<256xi32, #tpu.memory_space<vmem>>, vector<16xi32>,
        tpu.vector_store %arg10[%parallel_loop3A_223], %parallel_loop3A_220 {strides = array<i32>} : memref<256xi32, #tpu.memory_space<vmem>>, vector<16xi32>,
        %parallel_loop3A_225 = arith.constant true
        %parallel_loop3A_226 = vector.broadcast %parallel_loop3A_225 : i1 to vector<16xi1>
        %parallel_loop3A_227 = arith.constant -2147483648 : i32
        %parallel_loop3A_228 = vector.broadcast %parallel_loop3A_227 : i32 to vector<16xi32>
        %parallel_loop3A_229 = arith.xori %parallel_loop3A_217, %parallel_loop3A_228 : vector<16xi32>
        %parallel_loop3A_230 = tpu.scan <max>, %parallel_loop3A_229 masked %parallel_loop3A_226 : vector<16xi32>, vector<16xi1> -> vector<16xi32>
        %parallel_loop3A_231 = arith.xori %parallel_loop3A_230, %parallel_loop3A_228 : vector<16xi32>
        %parallel_loop3A_232 = vector.extract %parallel_loop3A_231[15] : i32 from vector<16xi32>
        %parallel_loop3A_233 = arith.addi %parallel_loop3A_210, %parallel_loop3A_232 : i32
        scf.yield %parallel_loop3A_233 : i32
      } {sc.loop_unroll_factor = 4 : i64, sc.parallel_access}
      %while3A_130 = arith.constant 0 : i32
      %while3A_131 = arith.constant 0 : i32
      %while3A_132 = arith.subi %reduce_max3A_66, %while3A_130 : i32
      %while3A_133 = arith.addi %while3A_130, %while3A_132 : i32
      %while3A_134 = arith.constant 1 : i32
      %while3A_135 = arith.divsi %while3A_132, %while3A_134 : i32
      %while3A_136 = arith.muli %while3A_135, %while3A_134 : i32
      %while3A_137 = arith.addi %while3A_130, %while3A_136 : i32
      %while3A_138 = arith.constant 1 : i32
      %while3A_139 = scf.for %while3A_209 = %while3A_130 to %while3A_137 step %while3A_138 iter_args(%while3A_210 = %while3A_131) -> (i32)  : i32 {
        %mul3A_211 = arith.constant 16 : i32
        %mul3A_212 = arith.muli %while3A_209, %mul3A_211 : i32
        %get3A = arith.index_cast %mul3A_212 : i32 to index
        %get3A_213 = tpu.vector_load %arg6[%get3A] {strides = array<i32>} : memref<4096xi32, #tpu.memory_space<vmem>>, vector<16xi32>,
        %mul3A_214 = arith.constant 16 : i32
        %mul3A_215 = arith.muli %while3A_209, %mul3A_214 : i32
        %get3A_216 = arith.index_cast %mul3A_215 : i32 to index
        %get3A_217 = tpu.vector_load %arg7[%get3A_216] {strides = array<i32>} : memref<4096xi32, #tpu.memory_space<vmem>>, vector<16xi32>,
        %shift_right_logical3A = arith.constant 0 : i32
        %shift_right_logical3A_218 = vector.broadcast %shift_right_logical3A : i32 to vector<16xi32>
        %shift_right_logical3A_219 = arith.shrui %get3A_213, %shift_right_logical3A_218 : vector<16xi32>
        %and3A = arith.constant 255 : i32
        %and3A_220 = vector.broadcast %and3A : i32 to vector<16xi32>
        %and3A_221 = arith.andi %shift_right_logical3A_219, %and3A_220 : vector<16xi32>
        %gather3A = tpu.vector_load_idx %arg10[%and3A_221] : memref<256xi32, #tpu.memory_space<vmem>>[vector<16xi32>], vector<16xi32>,
        %broadcast_in_dim3A_222 = arith.constant true
        %broadcast_in_dim3A_223 = vector.broadcast %broadcast_in_dim3A_222 : i1 to vector<16xi1>
        %unique3A_224, %unique3A_225 = tpu.scan_count mask(%broadcast_in_dim3A_223 : vector<16xi1>) value(%and3A_221 : vector<16xi32>) : vector<16xi1>, vector<16xi32>
        %sub3A_226 = arith.subi %unique3A_225, %sub3A : vector<16xi32>
        %add3A_227 = arith.addi %gather3A, %sub3A_226 : vector<16xi32>
        tpu.vector_store_idx %arg8[%add3A_227], %get3A_213 : memref<4096xi32, #tpu.memory_space<vmem>>[vector<16xi32>], vector<16xi32>,
        tpu.vector_store_idx %arg9[%add3A_227], %get3A_217 : memref<4096xi32, #tpu.memory_space<vmem>>[vector<16xi32>], vector<16xi32>,
        %add3A_228 = arith.constant 1 : i32
        %add3A_229 = vector.broadcast %add3A_228 : i32 to vector<16xi32>
        %add3A_230 = arith.addi %sub3A_226, %add3A_229 : vector<16xi32>
        tpu.vector_store_idx %arg10[%and3A_221], %add3A_230 masked %unique3A_224 {add = true} : memref<256xi32, #tpu.memory_space<vmem>>[vector<16xi32>], vector<16xi32>, vector<16xi1>
        %while3A_231 = arith.constant 0 : i32
        scf.yield %while3A_231 : i32
      }
      %while3A_140 = arith.constant 1 : i32
      %while3A_141 = scf.for %while3A_209 = %while3A_137 to %while3A_133 step %while3A_140 iter_args(%while3A_210 = %while3A_139) -> (i32)  : i32 {
        %mul3A_211 = arith.constant 16 : i32
        %mul3A_212 = arith.muli %while3A_209, %mul3A_211 : i32
        %get3A = arith.index_cast %mul3A_212 : i32 to index
        %get3A_213 = tpu.vector_load %arg6[%get3A] {strides = array<i32>} : memref<4096xi32, #tpu.memory_space<vmem>>, vector<16xi32>,
        %mul3A_214 = arith.constant 16 : i32
        %mul3A_215 = arith.muli %while3A_209, %mul3A_214 : i32
        %get3A_216 = arith.index_cast %mul3A_215 : i32 to index
        %get3A_217 = tpu.vector_load %arg7[%get3A_216] {strides = array<i32>} : memref<4096xi32, #tpu.memory_space<vmem>>, vector<16xi32>,
        %shift_right_logical3A = arith.constant 0 : i32
        %shift_right_logical3A_218 = vector.broadcast %shift_right_logical3A : i32 to vector<16xi32>
        %shift_right_logical3A_219 = arith.shrui %get3A_213, %shift_right_logical3A_218 : vector<16xi32>
        %and3A = arith.constant 255 : i32
        %and3A_220 = vector.broadcast %and3A : i32 to vector<16xi32>
        %and3A_221 = arith.andi %shift_right_logical3A_219, %and3A_220 : vector<16xi32>
        %gather3A = tpu.vector_load_idx %arg10[%and3A_221] : memref<256xi32, #tpu.memory_space<vmem>>[vector<16xi32>], vector<16xi32>,
        %broadcast_in_dim3A_222 = arith.constant true
        %broadcast_in_dim3A_223 = vector.broadcast %broadcast_in_dim3A_222 : i1 to vector<16xi1>
        %unique3A_224, %unique3A_225 = tpu.scan_count mask(%broadcast_in_dim3A_223 : vector<16xi1>) value(%and3A_221 : vector<16xi32>) : vector<16xi1>, vector<16xi32>
        %sub3A_226 = arith.subi %unique3A_225, %sub3A : vector<16xi32>
        %add3A_227 = arith.addi %gather3A, %sub3A_226 : vector<16xi32>
        tpu.vector_store_idx %arg8[%add3A_227], %get3A_213 : memref<4096xi32, #tpu.memory_space<vmem>>[vector<16xi32>], vector<16xi32>,
        tpu.vector_store_idx %arg9[%add3A_227], %get3A_217 : memref<4096xi32, #tpu.memory_space<vmem>>[vector<16xi32>], vector<16xi32>,
        %add3A_228 = arith.constant 1 : i32
        %add3A_229 = vector.broadcast %add3A_228 : i32 to vector<16xi32>
        %add3A_230 = arith.addi %sub3A_226, %add3A_229 : vector<16xi32>
        tpu.vector_store_idx %arg10[%and3A_221], %add3A_230 masked %unique3A_224 {add = true} : memref<256xi32, #tpu.memory_space<vmem>>[vector<16xi32>], vector<16xi32>, vector<16xi1>
        %while3A_231 = arith.constant 0 : i32
        scf.yield %while3A_231 : i32
      }
      %parallel_loop3A_142 = arith.constant 0 : i32
      %parallel_loop3A_143 = arith.constant 16 : i32
      %parallel_loop3A_144 = arith.constant 1 : i32
      scf.for %parallel_loop3A_209 = %parallel_loop3A_142 to %parallel_loop3A_143 step %parallel_loop3A_144  : i32 {
        %parallel_loop3A_210 = arith.constant 0 : i32
        %parallel_loop3A_211 = vector.broadcast %parallel_loop3A_210 : i32 to vector<16xi32>
        %parallel_loop3A_212 = arith.constant 16 : i32
        %parallel_loop3A_213 = arith.muli %parallel_loop3A_209, %parallel_loop3A_212 : i32
        %parallel_loop3A_214 = arith.index_cast %parallel_loop3A_213 : i32 to index
        %parallel_loop3A_215 = tpu.vector_load %arg10[%parallel_loop3A_214] {strides = array<i32>} : memref<256xi32, #tpu.memory_space<vmem>>, vector<16xi32>,
        tpu.vector_store %arg10[%parallel_loop3A_214], %parallel_loop3A_211 {strides = array<i32>} : memref<256xi32, #tpu.memory_space<vmem>>, vector<16xi32>,
      } {sc.loop_unroll_factor = 8 : i64, sc.parallel_access}
      %parallel_loop3A_145 = arith.constant 0 : i32
      %parallel_loop3A_146 = arith.constant 1 : i32
      scf.for %parallel_loop3A_209 = %parallel_loop3A_145 to %reduce_max3A_66 step %parallel_loop3A_146  : i32 {
        %parallel_loop3A_210 = arith.constant 16 : i32
        %parallel_loop3A_211 = arith.muli %parallel_loop3A_209, %parallel_loop3A_210 : i32
        %parallel_loop3A_212 = arith.index_cast %parallel_loop3A_211 : i32 to index
        %parallel_loop3A_213 = tpu.vector_load %arg8[%parallel_loop3A_212] {strides = array<i32>} : memref<4096xi32, #tpu.memory_space<vmem>>, vector<16xi32>,
        %parallel_loop3A_214 = arith.constant 16 : i32
        %parallel_loop3A_215 = arith.muli %parallel_loop3A_209, %parallel_loop3A_214 : i32
        %parallel_loop3A_216 = arith.index_cast %parallel_loop3A_215 : i32 to index
        %parallel_loop3A_217 = tpu.vector_load %arg9[%parallel_loop3A_216] {strides = array<i32>} : memref<4096xi32, #tpu.memory_space<vmem>>, vector<16xi32>,
        %parallel_loop3A_218 = arith.constant 8 : i32
        %parallel_loop3A_219 = vector.broadcast %parallel_loop3A_218 : i32 to vector<16xi32>
        %parallel_loop3A_220 = arith.shrui %parallel_loop3A_213, %parallel_loop3A_219 : vector<16xi32>
        %parallel_loop3A_221 = arith.constant 255 : i32
        %parallel_loop3A_222 = vector.broadcast %parallel_loop3A_221 : i32 to vector<16xi32>
        %parallel_loop3A_223 = arith.andi %parallel_loop3A_220, %parallel_loop3A_222 : vector<16xi32>
        %parallel_loop3A_224 = arith.constant true
        %parallel_loop3A_225 = vector.broadcast %parallel_loop3A_224 : i1 to vector<16xi1>
        %parallel_loop3A_226, %parallel_loop3A_227 = tpu.scan_count mask(%parallel_loop3A_225 : vector<16xi1>) value(%parallel_loop3A_223 : vector<16xi32>) : vector<16xi1>, vector<16xi32>
        %parallel_loop3A_228 = arith.subi %parallel_loop3A_227, %sub3A : vector<16xi32>
        %parallel_loop3A_229 = arith.constant 1 : i32
        %parallel_loop3A_230 = vector.broadcast %parallel_loop3A_229 : i32 to vector<16xi32>
        %parallel_loop3A_231 = arith.addi %parallel_loop3A_228, %parallel_loop3A_230 : vector<16xi32>
        tpu.vector_store_idx %arg10[%parallel_loop3A_223], %parallel_loop3A_231 masked %parallel_loop3A_226 {add = true} : memref<256xi32, #tpu.memory_space<vmem>>[vector<16xi32>], vector<16xi32>, vector<16xi1>
      } {sc.loop_unroll_factor = 4 : i64, sc.parallel_access}
      %parallel_loop3A_147 = arith.constant 0 : i32
      %parallel_loop3A_148 = arith.constant 16 : i32
      %parallel_loop3A_149 = arith.constant 1 : i32
      %parallel_loop3A_150 = arith.constant 0 : i32
      %parallel_loop3A_151 = scf.for %parallel_loop3A_209 = %parallel_loop3A_147 to %parallel_loop3A_148 step %parallel_loop3A_149 iter_args(%parallel_loop3A_210 = %parallel_loop3A_150) -> (i32)  : i32 {
        %parallel_loop3A_211 = arith.constant 16 : i32
        %parallel_loop3A_212 = arith.muli %parallel_loop3A_209, %parallel_loop3A_211 : i32
        %parallel_loop3A_213 = arith.index_cast %parallel_loop3A_212 : i32 to index
        %parallel_loop3A_214 = tpu.vector_load %arg10[%parallel_loop3A_213] {strides = array<i32>} : memref<256xi32, #tpu.memory_space<vmem>>, vector<16xi32>,
        %parallel_loop3A_215 = arith.constant true
        %parallel_loop3A_216 = vector.broadcast %parallel_loop3A_215 : i1 to vector<16xi1>
        %parallel_loop3A_217 = tpu.scan <sum>, %parallel_loop3A_214 masked %parallel_loop3A_216 : vector<16xi32>, vector<16xi1> -> vector<16xi32>
        %parallel_loop3A_218 = arith.subi %parallel_loop3A_217, %parallel_loop3A_214 : vector<16xi32>
        %parallel_loop3A_219 = vector.broadcast %parallel_loop3A_210 : i32 to vector<16xi32>
        %parallel_loop3A_220 = arith.addi %parallel_loop3A_218, %parallel_loop3A_219 : vector<16xi32>
        %parallel_loop3A_221 = arith.constant 16 : i32
        %parallel_loop3A_222 = arith.muli %parallel_loop3A_209, %parallel_loop3A_221 : i32
        %parallel_loop3A_223 = arith.index_cast %parallel_loop3A_222 : i32 to index
        %parallel_loop3A_224 = tpu.vector_load %arg10[%parallel_loop3A_223] {strides = array<i32>} : memref<256xi32, #tpu.memory_space<vmem>>, vector<16xi32>,
        tpu.vector_store %arg10[%parallel_loop3A_223], %parallel_loop3A_220 {strides = array<i32>} : memref<256xi32, #tpu.memory_space<vmem>>, vector<16xi32>,
        %parallel_loop3A_225 = arith.constant true
        %parallel_loop3A_226 = vector.broadcast %parallel_loop3A_225 : i1 to vector<16xi1>
        %parallel_loop3A_227 = arith.constant -2147483648 : i32
        %parallel_loop3A_228 = vector.broadcast %parallel_loop3A_227 : i32 to vector<16xi32>
        %parallel_loop3A_229 = arith.xori %parallel_loop3A_217, %parallel_loop3A_228 : vector<16xi32>
        %parallel_loop3A_230 = tpu.scan <max>, %parallel_loop3A_229 masked %parallel_loop3A_226 : vector<16xi32>, vector<16xi1> -> vector<16xi32>
        %parallel_loop3A_231 = arith.xori %parallel_loop3A_230, %parallel_loop3A_228 : vector<16xi32>
        %parallel_loop3A_232 = vector.extract %parallel_loop3A_231[15] : i32 from vector<16xi32>
        %parallel_loop3A_233 = arith.addi %parallel_loop3A_210, %parallel_loop3A_232 : i32
        scf.yield %parallel_loop3A_233 : i32
      } {sc.loop_unroll_factor = 4 : i64, sc.parallel_access}
      %while3A_152 = arith.constant 0 : i32
      %while3A_153 = arith.constant 0 : i32
      %while3A_154 = arith.subi %reduce_max3A_66, %while3A_152 : i32
      %while3A_155 = arith.addi %while3A_152, %while3A_154 : i32
      %while3A_156 = arith.constant 1 : i32
      %while3A_157 = arith.divsi %while3A_154, %while3A_156 : i32
      %while3A_158 = arith.muli %while3A_157, %while3A_156 : i32
      %while3A_159 = arith.addi %while3A_152, %while3A_158 : i32
      %while3A_160 = arith.constant 1 : i32
      %while3A_161 = scf.for %while3A_209 = %while3A_152 to %while3A_159 step %while3A_160 iter_args(%while3A_210 = %while3A_153) -> (i32)  : i32 {
        %mul3A_211 = arith.constant 16 : i32
        %mul3A_212 = arith.muli %while3A_209, %mul3A_211 : i32
        %get3A = arith.index_cast %mul3A_212 : i32 to index
        %get3A_213 = tpu.vector_load %arg8[%get3A] {strides = array<i32>} : memref<4096xi32, #tpu.memory_space<vmem>>, vector<16xi32>,
        %mul3A_214 = arith.constant 16 : i32
        %mul3A_215 = arith.muli %while3A_209, %mul3A_214 : i32
        %get3A_216 = arith.index_cast %mul3A_215 : i32 to index
        %get3A_217 = tpu.vector_load %arg9[%get3A_216] {strides = array<i32>} : memref<4096xi32, #tpu.memory_space<vmem>>, vector<16xi32>,
        %shift_right_logical3A = arith.constant 8 : i32
        %shift_right_logical3A_218 = vector.broadcast %shift_right_logical3A : i32 to vector<16xi32>
        %shift_right_logical3A_219 = arith.shrui %get3A_213, %shift_right_logical3A_218 : vector<16xi32>
        %and3A = arith.constant 255 : i32
        %and3A_220 = vector.broadcast %and3A : i32 to vector<16xi32>
        %and3A_221 = arith.andi %shift_right_logical3A_219, %and3A_220 : vector<16xi32>
        %gather3A = tpu.vector_load_idx %arg10[%and3A_221] : memref<256xi32, #tpu.memory_space<vmem>>[vector<16xi32>], vector<16xi32>,
        %broadcast_in_dim3A_222 = arith.constant true
        %broadcast_in_dim3A_223 = vector.broadcast %broadcast_in_dim3A_222 : i1 to vector<16xi1>
        %unique3A_224, %unique3A_225 = tpu.scan_count mask(%broadcast_in_dim3A_223 : vector<16xi1>) value(%and3A_221 : vector<16xi32>) : vector<16xi1>, vector<16xi32>
        %sub3A_226 = arith.subi %unique3A_225, %sub3A : vector<16xi32>
        %add3A_227 = arith.addi %gather3A, %sub3A_226 : vector<16xi32>
        tpu.vector_store_idx %arg6[%add3A_227], %get3A_213 : memref<4096xi32, #tpu.memory_space<vmem>>[vector<16xi32>], vector<16xi32>,
        tpu.vector_store_idx %arg7[%add3A_227], %get3A_217 : memref<4096xi32, #tpu.memory_space<vmem>>[vector<16xi32>], vector<16xi32>,
        %add3A_228 = arith.constant 1 : i32
        %add3A_229 = vector.broadcast %add3A_228 : i32 to vector<16xi32>
        %add3A_230 = arith.addi %sub3A_226, %add3A_229 : vector<16xi32>
        tpu.vector_store_idx %arg10[%and3A_221], %add3A_230 masked %unique3A_224 {add = true} : memref<256xi32, #tpu.memory_space<vmem>>[vector<16xi32>], vector<16xi32>, vector<16xi1>
        %while3A_231 = arith.constant 0 : i32
        scf.yield %while3A_231 : i32
      }
      %while3A_162 = arith.constant 1 : i32
      %while3A_163 = scf.for %while3A_209 = %while3A_159 to %while3A_155 step %while3A_162 iter_args(%while3A_210 = %while3A_161) -> (i32)  : i32 {
        %mul3A_211 = arith.constant 16 : i32
        %mul3A_212 = arith.muli %while3A_209, %mul3A_211 : i32
        %get3A = arith.index_cast %mul3A_212 : i32 to index
        %get3A_213 = tpu.vector_load %arg8[%get3A] {strides = array<i32>} : memref<4096xi32, #tpu.memory_space<vmem>>, vector<16xi32>,
        %mul3A_214 = arith.constant 16 : i32
        %mul3A_215 = arith.muli %while3A_209, %mul3A_214 : i32
        %get3A_216 = arith.index_cast %mul3A_215 : i32 to index
        %get3A_217 = tpu.vector_load %arg9[%get3A_216] {strides = array<i32>} : memref<4096xi32, #tpu.memory_space<vmem>>, vector<16xi32>,
        %shift_right_logical3A = arith.constant 8 : i32
        %shift_right_logical3A_218 = vector.broadcast %shift_right_logical3A : i32 to vector<16xi32>
        %shift_right_logical3A_219 = arith.shrui %get3A_213, %shift_right_logical3A_218 : vector<16xi32>
        %and3A = arith.constant 255 : i32
        %and3A_220 = vector.broadcast %and3A : i32 to vector<16xi32>
        %and3A_221 = arith.andi %shift_right_logical3A_219, %and3A_220 : vector<16xi32>
        %gather3A = tpu.vector_load_idx %arg10[%and3A_221] : memref<256xi32, #tpu.memory_space<vmem>>[vector<16xi32>], vector<16xi32>,
        %broadcast_in_dim3A_222 = arith.constant true
        %broadcast_in_dim3A_223 = vector.broadcast %broadcast_in_dim3A_222 : i1 to vector<16xi1>
        %unique3A_224, %unique3A_225 = tpu.scan_count mask(%broadcast_in_dim3A_223 : vector<16xi1>) value(%and3A_221 : vector<16xi32>) : vector<16xi1>, vector<16xi32>
        %sub3A_226 = arith.subi %unique3A_225, %sub3A : vector<16xi32>
        %add3A_227 = arith.addi %gather3A, %sub3A_226 : vector<16xi32>
        tpu.vector_store_idx %arg6[%add3A_227], %get3A_213 : memref<4096xi32, #tpu.memory_space<vmem>>[vector<16xi32>], vector<16xi32>,
        tpu.vector_store_idx %arg7[%add3A_227], %get3A_217 : memref<4096xi32, #tpu.memory_space<vmem>>[vector<16xi32>], vector<16xi32>,
        %add3A_228 = arith.constant 1 : i32
        %add3A_229 = vector.broadcast %add3A_228 : i32 to vector<16xi32>
        %add3A_230 = arith.addi %sub3A_226, %add3A_229 : vector<16xi32>
        tpu.vector_store_idx %arg10[%and3A_221], %add3A_230 masked %unique3A_224 {add = true} : memref<256xi32, #tpu.memory_space<vmem>>[vector<16xi32>], vector<16xi32>, vector<16xi1>
        %while3A_231 = arith.constant 0 : i32
        scf.yield %while3A_231 : i32
      }
      %parallel_loop3A_164 = arith.constant 0 : i32
      %parallel_loop3A_165 = arith.constant 16 : i32
      %parallel_loop3A_166 = arith.constant 1 : i32
      scf.for %parallel_loop3A_209 = %parallel_loop3A_164 to %parallel_loop3A_165 step %parallel_loop3A_166  : i32 {
        %parallel_loop3A_210 = arith.constant 0 : i32
        %parallel_loop3A_211 = vector.broadcast %parallel_loop3A_210 : i32 to vector<16xi32>
        %parallel_loop3A_212 = arith.constant 16 : i32
        %parallel_loop3A_213 = arith.muli %parallel_loop3A_209, %parallel_loop3A_212 : i32
        %parallel_loop3A_214 = arith.index_cast %parallel_loop3A_213 : i32 to index
        %parallel_loop3A_215 = tpu.vector_load %arg10[%parallel_loop3A_214] {strides = array<i32>} : memref<256xi32, #tpu.memory_space<vmem>>, vector<16xi32>,
        tpu.vector_store %arg10[%parallel_loop3A_214], %parallel_loop3A_211 {strides = array<i32>} : memref<256xi32, #tpu.memory_space<vmem>>, vector<16xi32>,
      } {sc.loop_unroll_factor = 8 : i64, sc.parallel_access}
      %parallel_loop3A_167 = arith.constant 0 : i32
      %parallel_loop3A_168 = arith.constant 1 : i32
      scf.for %parallel_loop3A_209 = %parallel_loop3A_167 to %reduce_max3A_66 step %parallel_loop3A_168  : i32 {
        %parallel_loop3A_210 = arith.constant 16 : i32
        %parallel_loop3A_211 = arith.muli %parallel_loop3A_209, %parallel_loop3A_210 : i32
        %parallel_loop3A_212 = arith.index_cast %parallel_loop3A_211 : i32 to index
        %parallel_loop3A_213 = tpu.vector_load %arg6[%parallel_loop3A_212] {strides = array<i32>} : memref<4096xi32, #tpu.memory_space<vmem>>, vector<16xi32>,
        %parallel_loop3A_214 = arith.constant 16 : i32
        %parallel_loop3A_215 = arith.muli %parallel_loop3A_209, %parallel_loop3A_214 : i32
        %parallel_loop3A_216 = arith.index_cast %parallel_loop3A_215 : i32 to index
        %parallel_loop3A_217 = tpu.vector_load %arg7[%parallel_loop3A_216] {strides = array<i32>} : memref<4096xi32, #tpu.memory_space<vmem>>, vector<16xi32>,
        %parallel_loop3A_218 = arith.constant 16 : i32
        %parallel_loop3A_219 = vector.broadcast %parallel_loop3A_218 : i32 to vector<16xi32>
        %parallel_loop3A_220 = arith.shrui %parallel_loop3A_213, %parallel_loop3A_219 : vector<16xi32>
        %parallel_loop3A_221 = arith.constant 255 : i32
        %parallel_loop3A_222 = vector.broadcast %parallel_loop3A_221 : i32 to vector<16xi32>
        %parallel_loop3A_223 = arith.andi %parallel_loop3A_220, %parallel_loop3A_222 : vector<16xi32>
        %parallel_loop3A_224 = arith.constant true
        %parallel_loop3A_225 = vector.broadcast %parallel_loop3A_224 : i1 to vector<16xi1>
        %parallel_loop3A_226, %parallel_loop3A_227 = tpu.scan_count mask(%parallel_loop3A_225 : vector<16xi1>) value(%parallel_loop3A_223 : vector<16xi32>) : vector<16xi1>, vector<16xi32>
        %parallel_loop3A_228 = arith.subi %parallel_loop3A_227, %sub3A : vector<16xi32>
        %parallel_loop3A_229 = arith.constant 1 : i32
        %parallel_loop3A_230 = vector.broadcast %parallel_loop3A_229 : i32 to vector<16xi32>
        %parallel_loop3A_231 = arith.addi %parallel_loop3A_228, %parallel_loop3A_230 : vector<16xi32>
        tpu.vector_store_idx %arg10[%parallel_loop3A_223], %parallel_loop3A_231 masked %parallel_loop3A_226 {add = true} : memref<256xi32, #tpu.memory_space<vmem>>[vector<16xi32>], vector<16xi32>, vector<16xi1>
      } {sc.loop_unroll_factor = 4 : i64, sc.parallel_access}
      %parallel_loop3A_169 = arith.constant 0 : i32
      %parallel_loop3A_170 = arith.constant 16 : i32
      %parallel_loop3A_171 = arith.constant 1 : i32
      %parallel_loop3A_172 = arith.constant 0 : i32
      %parallel_loop3A_173 = scf.for %parallel_loop3A_209 = %parallel_loop3A_169 to %parallel_loop3A_170 step %parallel_loop3A_171 iter_args(%parallel_loop3A_210 = %parallel_loop3A_172) -> (i32)  : i32 {
        %parallel_loop3A_211 = arith.constant 16 : i32
        %parallel_loop3A_212 = arith.muli %parallel_loop3A_209, %parallel_loop3A_211 : i32
        %parallel_loop3A_213 = arith.index_cast %parallel_loop3A_212 : i32 to index
        %parallel_loop3A_214 = tpu.vector_load %arg10[%parallel_loop3A_213] {strides = array<i32>} : memref<256xi32, #tpu.memory_space<vmem>>, vector<16xi32>,
        %parallel_loop3A_215 = arith.constant true
        %parallel_loop3A_216 = vector.broadcast %parallel_loop3A_215 : i1 to vector<16xi1>
        %parallel_loop3A_217 = tpu.scan <sum>, %parallel_loop3A_214 masked %parallel_loop3A_216 : vector<16xi32>, vector<16xi1> -> vector<16xi32>
        %parallel_loop3A_218 = arith.subi %parallel_loop3A_217, %parallel_loop3A_214 : vector<16xi32>
        %parallel_loop3A_219 = vector.broadcast %parallel_loop3A_210 : i32 to vector<16xi32>
        %parallel_loop3A_220 = arith.addi %parallel_loop3A_218, %parallel_loop3A_219 : vector<16xi32>
        %parallel_loop3A_221 = arith.constant 16 : i32
        %parallel_loop3A_222 = arith.muli %parallel_loop3A_209, %parallel_loop3A_221 : i32
        %parallel_loop3A_223 = arith.index_cast %parallel_loop3A_222 : i32 to index
        %parallel_loop3A_224 = tpu.vector_load %arg10[%parallel_loop3A_223] {strides = array<i32>} : memref<256xi32, #tpu.memory_space<vmem>>, vector<16xi32>,
        tpu.vector_store %arg10[%parallel_loop3A_223], %parallel_loop3A_220 {strides = array<i32>} : memref<256xi32, #tpu.memory_space<vmem>>, vector<16xi32>,
        %parallel_loop3A_225 = arith.constant true
        %parallel_loop3A_226 = vector.broadcast %parallel_loop3A_225 : i1 to vector<16xi1>
        %parallel_loop3A_227 = arith.constant -2147483648 : i32
        %parallel_loop3A_228 = vector.broadcast %parallel_loop3A_227 : i32 to vector<16xi32>
        %parallel_loop3A_229 = arith.xori %parallel_loop3A_217, %parallel_loop3A_228 : vector<16xi32>
        %parallel_loop3A_230 = tpu.scan <max>, %parallel_loop3A_229 masked %parallel_loop3A_226 : vector<16xi32>, vector<16xi1> -> vector<16xi32>
        %parallel_loop3A_231 = arith.xori %parallel_loop3A_230, %parallel_loop3A_228 : vector<16xi32>
        %parallel_loop3A_232 = vector.extract %parallel_loop3A_231[15] : i32 from vector<16xi32>
        %parallel_loop3A_233 = arith.addi %parallel_loop3A_210, %parallel_loop3A_232 : i32
        scf.yield %parallel_loop3A_233 : i32
      } {sc.loop_unroll_factor = 4 : i64, sc.parallel_access}
      %while3A_174 = arith.constant 0 : i32
      %while3A_175 = arith.constant 0 : i32
      %while3A_176 = arith.subi %reduce_max3A_66, %while3A_174 : i32
      %while3A_177 = arith.addi %while3A_174, %while3A_176 : i32
      %while3A_178 = arith.constant 1 : i32
      %while3A_179 = arith.divsi %while3A_176, %while3A_178 : i32
      %while3A_180 = arith.muli %while3A_179, %while3A_178 : i32
      %while3A_181 = arith.addi %while3A_174, %while3A_180 : i32
      %while3A_182 = arith.constant 1 : i32
      %while3A_183 = scf.for %while3A_209 = %while3A_174 to %while3A_181 step %while3A_182 iter_args(%while3A_210 = %while3A_175) -> (i32)  : i32 {
        %mul3A_211 = arith.constant 16 : i32
        %mul3A_212 = arith.muli %while3A_209, %mul3A_211 : i32
        %get3A = arith.index_cast %mul3A_212 : i32 to index
        %get3A_213 = tpu.vector_load %arg6[%get3A] {strides = array<i32>} : memref<4096xi32, #tpu.memory_space<vmem>>, vector<16xi32>,
        %mul3A_214 = arith.constant 16 : i32
        %mul3A_215 = arith.muli %while3A_209, %mul3A_214 : i32
        %get3A_216 = arith.index_cast %mul3A_215 : i32 to index
        %get3A_217 = tpu.vector_load %arg7[%get3A_216] {strides = array<i32>} : memref<4096xi32, #tpu.memory_space<vmem>>, vector<16xi32>,
        %shift_right_logical3A = arith.constant 16 : i32
        %shift_right_logical3A_218 = vector.broadcast %shift_right_logical3A : i32 to vector<16xi32>
        %shift_right_logical3A_219 = arith.shrui %get3A_213, %shift_right_logical3A_218 : vector<16xi32>
        %and3A = arith.constant 255 : i32
        %and3A_220 = vector.broadcast %and3A : i32 to vector<16xi32>
        %and3A_221 = arith.andi %shift_right_logical3A_219, %and3A_220 : vector<16xi32>
        %gather3A = tpu.vector_load_idx %arg10[%and3A_221] : memref<256xi32, #tpu.memory_space<vmem>>[vector<16xi32>], vector<16xi32>,
        %broadcast_in_dim3A_222 = arith.constant true
        %broadcast_in_dim3A_223 = vector.broadcast %broadcast_in_dim3A_222 : i1 to vector<16xi1>
        %unique3A_224, %unique3A_225 = tpu.scan_count mask(%broadcast_in_dim3A_223 : vector<16xi1>) value(%and3A_221 : vector<16xi32>) : vector<16xi1>, vector<16xi32>
        %sub3A_226 = arith.subi %unique3A_225, %sub3A : vector<16xi32>
        %add3A_227 = arith.addi %gather3A, %sub3A_226 : vector<16xi32>
        tpu.vector_store_idx %arg8[%add3A_227], %get3A_213 : memref<4096xi32, #tpu.memory_space<vmem>>[vector<16xi32>], vector<16xi32>,
        tpu.vector_store_idx %arg9[%add3A_227], %get3A_217 : memref<4096xi32, #tpu.memory_space<vmem>>[vector<16xi32>], vector<16xi32>,
        %add3A_228 = arith.constant 1 : i32
        %add3A_229 = vector.broadcast %add3A_228 : i32 to vector<16xi32>
        %add3A_230 = arith.addi %sub3A_226, %add3A_229 : vector<16xi32>
        tpu.vector_store_idx %arg10[%and3A_221], %add3A_230 masked %unique3A_224 {add = true} : memref<256xi32, #tpu.memory_space<vmem>>[vector<16xi32>], vector<16xi32>, vector<16xi1>
        %while3A_231 = arith.constant 0 : i32
        scf.yield %while3A_231 : i32
      }
      %while3A_184 = arith.constant 1 : i32
      %while3A_185 = scf.for %while3A_209 = %while3A_181 to %while3A_177 step %while3A_184 iter_args(%while3A_210 = %while3A_183) -> (i32)  : i32 {
        %mul3A_211 = arith.constant 16 : i32
        %mul3A_212 = arith.muli %while3A_209, %mul3A_211 : i32
        %get3A = arith.index_cast %mul3A_212 : i32 to index
        %get3A_213 = tpu.vector_load %arg6[%get3A] {strides = array<i32>} : memref<4096xi32, #tpu.memory_space<vmem>>, vector<16xi32>,
        %mul3A_214 = arith.constant 16 : i32
        %mul3A_215 = arith.muli %while3A_209, %mul3A_214 : i32
        %get3A_216 = arith.index_cast %mul3A_215 : i32 to index
        %get3A_217 = tpu.vector_load %arg7[%get3A_216] {strides = array<i32>} : memref<4096xi32, #tpu.memory_space<vmem>>, vector<16xi32>,
        %shift_right_logical3A = arith.constant 16 : i32
        %shift_right_logical3A_218 = vector.broadcast %shift_right_logical3A : i32 to vector<16xi32>
        %shift_right_logical3A_219 = arith.shrui %get3A_213, %shift_right_logical3A_218 : vector<16xi32>
        %and3A = arith.constant 255 : i32
        %and3A_220 = vector.broadcast %and3A : i32 to vector<16xi32>
        %and3A_221 = arith.andi %shift_right_logical3A_219, %and3A_220 : vector<16xi32>
        %gather3A = tpu.vector_load_idx %arg10[%and3A_221] : memref<256xi32, #tpu.memory_space<vmem>>[vector<16xi32>], vector<16xi32>,
        %broadcast_in_dim3A_222 = arith.constant true
        %broadcast_in_dim3A_223 = vector.broadcast %broadcast_in_dim3A_222 : i1 to vector<16xi1>
        %unique3A_224, %unique3A_225 = tpu.scan_count mask(%broadcast_in_dim3A_223 : vector<16xi1>) value(%and3A_221 : vector<16xi32>) : vector<16xi1>, vector<16xi32>
        %sub3A_226 = arith.subi %unique3A_225, %sub3A : vector<16xi32>
        %add3A_227 = arith.addi %gather3A, %sub3A_226 : vector<16xi32>
        tpu.vector_store_idx %arg8[%add3A_227], %get3A_213 : memref<4096xi32, #tpu.memory_space<vmem>>[vector<16xi32>], vector<16xi32>,
        tpu.vector_store_idx %arg9[%add3A_227], %get3A_217 : memref<4096xi32, #tpu.memory_space<vmem>>[vector<16xi32>], vector<16xi32>,
        %add3A_228 = arith.constant 1 : i32
        %add3A_229 = vector.broadcast %add3A_228 : i32 to vector<16xi32>
        %add3A_230 = arith.addi %sub3A_226, %add3A_229 : vector<16xi32>
        tpu.vector_store_idx %arg10[%and3A_221], %add3A_230 masked %unique3A_224 {add = true} : memref<256xi32, #tpu.memory_space<vmem>>[vector<16xi32>], vector<16xi32>, vector<16xi1>
        %while3A_231 = arith.constant 0 : i32
        scf.yield %while3A_231 : i32
      }
      %parallel_loop3A_186 = arith.constant 0 : i32
      %parallel_loop3A_187 = arith.constant 16 : i32
      %parallel_loop3A_188 = arith.constant 1 : i32
      scf.for %parallel_loop3A_209 = %parallel_loop3A_186 to %parallel_loop3A_187 step %parallel_loop3A_188  : i32 {
        %parallel_loop3A_210 = arith.constant 0 : i32
        %parallel_loop3A_211 = vector.broadcast %parallel_loop3A_210 : i32 to vector<16xi32>
        %parallel_loop3A_212 = arith.constant 16 : i32
        %parallel_loop3A_213 = arith.muli %parallel_loop3A_209, %parallel_loop3A_212 : i32
        %parallel_loop3A_214 = arith.index_cast %parallel_loop3A_213 : i32 to index
        %parallel_loop3A_215 = tpu.vector_load %arg10[%parallel_loop3A_214] {strides = array<i32>} : memref<256xi32, #tpu.memory_space<vmem>>, vector<16xi32>,
        tpu.vector_store %arg10[%parallel_loop3A_214], %parallel_loop3A_211 {strides = array<i32>} : memref<256xi32, #tpu.memory_space<vmem>>, vector<16xi32>,
      } {sc.loop_unroll_factor = 8 : i64, sc.parallel_access}
      %parallel_loop3A_189 = arith.constant 0 : i32
      %parallel_loop3A_190 = arith.constant 1 : i32
      scf.for %parallel_loop3A_209 = %parallel_loop3A_189 to %reduce_max3A_66 step %parallel_loop3A_190  : i32 {
        %parallel_loop3A_210 = arith.constant 16 : i32
        %parallel_loop3A_211 = arith.muli %parallel_loop3A_209, %parallel_loop3A_210 : i32
        %parallel_loop3A_212 = arith.index_cast %parallel_loop3A_211 : i32 to index
        %parallel_loop3A_213 = tpu.vector_load %arg8[%parallel_loop3A_212] {strides = array<i32>} : memref<4096xi32, #tpu.memory_space<vmem>>, vector<16xi32>,
        %parallel_loop3A_214 = arith.constant 16 : i32
        %parallel_loop3A_215 = arith.muli %parallel_loop3A_209, %parallel_loop3A_214 : i32
        %parallel_loop3A_216 = arith.index_cast %parallel_loop3A_215 : i32 to index
        %parallel_loop3A_217 = tpu.vector_load %arg9[%parallel_loop3A_216] {strides = array<i32>} : memref<4096xi32, #tpu.memory_space<vmem>>, vector<16xi32>,
        %parallel_loop3A_218 = arith.constant 24 : i32
        %parallel_loop3A_219 = vector.broadcast %parallel_loop3A_218 : i32 to vector<16xi32>
        %parallel_loop3A_220 = arith.shrui %parallel_loop3A_213, %parallel_loop3A_219 : vector<16xi32>
        %parallel_loop3A_221 = arith.constant 255 : i32
        %parallel_loop3A_222 = vector.broadcast %parallel_loop3A_221 : i32 to vector<16xi32>
        %parallel_loop3A_223 = arith.andi %parallel_loop3A_220, %parallel_loop3A_222 : vector<16xi32>
        %parallel_loop3A_224 = arith.constant true
        %parallel_loop3A_225 = vector.broadcast %parallel_loop3A_224 : i1 to vector<16xi1>
        %parallel_loop3A_226, %parallel_loop3A_227 = tpu.scan_count mask(%parallel_loop3A_225 : vector<16xi1>) value(%parallel_loop3A_223 : vector<16xi32>) : vector<16xi1>, vector<16xi32>
        %parallel_loop3A_228 = arith.subi %parallel_loop3A_227, %sub3A : vector<16xi32>
        %parallel_loop3A_229 = arith.constant 1 : i32
        %parallel_loop3A_230 = vector.broadcast %parallel_loop3A_229 : i32 to vector<16xi32>
        %parallel_loop3A_231 = arith.addi %parallel_loop3A_228, %parallel_loop3A_230 : vector<16xi32>
        tpu.vector_store_idx %arg10[%parallel_loop3A_223], %parallel_loop3A_231 masked %parallel_loop3A_226 {add = true} : memref<256xi32, #tpu.memory_space<vmem>>[vector<16xi32>], vector<16xi32>, vector<16xi1>
      } {sc.loop_unroll_factor = 4 : i64, sc.parallel_access}
      %parallel_loop3A_191 = arith.constant 0 : i32
      %parallel_loop3A_192 = arith.constant 16 : i32
      %parallel_loop3A_193 = arith.constant 1 : i32
      %parallel_loop3A_194 = arith.constant 0 : i32
      %parallel_loop3A_195 = scf.for %parallel_loop3A_209 = %parallel_loop3A_191 to %parallel_loop3A_192 step %parallel_loop3A_193 iter_args(%parallel_loop3A_210 = %parallel_loop3A_194) -> (i32)  : i32 {
        %parallel_loop3A_211 = arith.constant 16 : i32
        %parallel_loop3A_212 = arith.muli %parallel_loop3A_209, %parallel_loop3A_211 : i32
        %parallel_loop3A_213 = arith.index_cast %parallel_loop3A_212 : i32 to index
        %parallel_loop3A_214 = tpu.vector_load %arg10[%parallel_loop3A_213] {strides = array<i32>} : memref<256xi32, #tpu.memory_space<vmem>>, vector<16xi32>,
        %parallel_loop3A_215 = arith.constant true
        %parallel_loop3A_216 = vector.broadcast %parallel_loop3A_215 : i1 to vector<16xi1>
        %parallel_loop3A_217 = tpu.scan <sum>, %parallel_loop3A_214 masked %parallel_loop3A_216 : vector<16xi32>, vector<16xi1> -> vector<16xi32>
        %parallel_loop3A_218 = arith.subi %parallel_loop3A_217, %parallel_loop3A_214 : vector<16xi32>
        %parallel_loop3A_219 = vector.broadcast %parallel_loop3A_210 : i32 to vector<16xi32>
        %parallel_loop3A_220 = arith.addi %parallel_loop3A_218, %parallel_loop3A_219 : vector<16xi32>
        %parallel_loop3A_221 = arith.constant 16 : i32
        %parallel_loop3A_222 = arith.muli %parallel_loop3A_209, %parallel_loop3A_221 : i32
        %parallel_loop3A_223 = arith.index_cast %parallel_loop3A_222 : i32 to index
        %parallel_loop3A_224 = tpu.vector_load %arg10[%parallel_loop3A_223] {strides = array<i32>} : memref<256xi32, #tpu.memory_space<vmem>>, vector<16xi32>,
        tpu.vector_store %arg10[%parallel_loop3A_223], %parallel_loop3A_220 {strides = array<i32>} : memref<256xi32, #tpu.memory_space<vmem>>, vector<16xi32>,
        %parallel_loop3A_225 = arith.constant true
        %parallel_loop3A_226 = vector.broadcast %parallel_loop3A_225 : i1 to vector<16xi1>
        %parallel_loop3A_227 = arith.constant -2147483648 : i32
        %parallel_loop3A_228 = vector.broadcast %parallel_loop3A_227 : i32 to vector<16xi32>
        %parallel_loop3A_229 = arith.xori %parallel_loop3A_217, %parallel_loop3A_228 : vector<16xi32>
        %parallel_loop3A_230 = tpu.scan <max>, %parallel_loop3A_229 masked %parallel_loop3A_226 : vector<16xi32>, vector<16xi1> -> vector<16xi32>
        %parallel_loop3A_231 = arith.xori %parallel_loop3A_230, %parallel_loop3A_228 : vector<16xi32>
        %parallel_loop3A_232 = vector.extract %parallel_loop3A_231[15] : i32 from vector<16xi32>
        %parallel_loop3A_233 = arith.addi %parallel_loop3A_210, %parallel_loop3A_232 : i32
        scf.yield %parallel_loop3A_233 : i32
      } {sc.loop_unroll_factor = 4 : i64, sc.parallel_access}
      %while3A_196 = arith.constant 0 : i32
      %while3A_197 = arith.constant 0 : i32
      %while3A_198 = arith.subi %reduce_max3A_66, %while3A_196 : i32
      %while3A_199 = arith.addi %while3A_196, %while3A_198 : i32
      %while3A_200 = arith.constant 1 : i32
      %while3A_201 = arith.divsi %while3A_198, %while3A_200 : i32
      %while3A_202 = arith.muli %while3A_201, %while3A_200 : i32
      %while3A_203 = arith.addi %while3A_196, %while3A_202 : i32
      %while3A_204 = arith.constant 1 : i32
      %while3A_205 = scf.for %while3A_209 = %while3A_196 to %while3A_203 step %while3A_204 iter_args(%while3A_210 = %while3A_197) -> (i32)  : i32 {
        %mul3A_211 = arith.constant 16 : i32
        %mul3A_212 = arith.muli %while3A_209, %mul3A_211 : i32
        %get3A = arith.index_cast %mul3A_212 : i32 to index
        %get3A_213 = tpu.vector_load %arg8[%get3A] {strides = array<i32>} : memref<4096xi32, #tpu.memory_space<vmem>>, vector<16xi32>,
        %mul3A_214 = arith.constant 16 : i32
        %mul3A_215 = arith.muli %while3A_209, %mul3A_214 : i32
        %get3A_216 = arith.index_cast %mul3A_215 : i32 to index
        %get3A_217 = tpu.vector_load %arg9[%get3A_216] {strides = array<i32>} : memref<4096xi32, #tpu.memory_space<vmem>>, vector<16xi32>,
        %shift_right_logical3A = arith.constant 24 : i32
        %shift_right_logical3A_218 = vector.broadcast %shift_right_logical3A : i32 to vector<16xi32>
        %shift_right_logical3A_219 = arith.shrui %get3A_213, %shift_right_logical3A_218 : vector<16xi32>
        %and3A = arith.constant 255 : i32
        %and3A_220 = vector.broadcast %and3A : i32 to vector<16xi32>
        %and3A_221 = arith.andi %shift_right_logical3A_219, %and3A_220 : vector<16xi32>
        %gather3A = tpu.vector_load_idx %arg10[%and3A_221] : memref<256xi32, #tpu.memory_space<vmem>>[vector<16xi32>], vector<16xi32>,
        %broadcast_in_dim3A_222 = arith.constant true
        %broadcast_in_dim3A_223 = vector.broadcast %broadcast_in_dim3A_222 : i1 to vector<16xi1>
        %unique3A_224, %unique3A_225 = tpu.scan_count mask(%broadcast_in_dim3A_223 : vector<16xi1>) value(%and3A_221 : vector<16xi32>) : vector<16xi1>, vector<16xi32>
        %sub3A_226 = arith.subi %unique3A_225, %sub3A : vector<16xi32>
        %add3A_227 = arith.addi %gather3A, %sub3A_226 : vector<16xi32>
        tpu.vector_store_idx %arg6[%add3A_227], %get3A_213 : memref<4096xi32, #tpu.memory_space<vmem>>[vector<16xi32>], vector<16xi32>,
        tpu.vector_store_idx %arg7[%add3A_227], %get3A_217 : memref<4096xi32, #tpu.memory_space<vmem>>[vector<16xi32>], vector<16xi32>,
        %add3A_228 = arith.constant 1 : i32
        %add3A_229 = vector.broadcast %add3A_228 : i32 to vector<16xi32>
        %add3A_230 = arith.addi %sub3A_226, %add3A_229 : vector<16xi32>
        tpu.vector_store_idx %arg10[%and3A_221], %add3A_230 masked %unique3A_224 {add = true} : memref<256xi32, #tpu.memory_space<vmem>>[vector<16xi32>], vector<16xi32>, vector<16xi1>
        %while3A_231 = arith.constant 0 : i32
        scf.yield %while3A_231 : i32
      }
      %while3A_206 = arith.constant 1 : i32
      %while3A_207 = scf.for %while3A_209 = %while3A_203 to %while3A_199 step %while3A_206 iter_args(%while3A_210 = %while3A_205) -> (i32)  : i32 {
        %mul3A_211 = arith.constant 16 : i32
        %mul3A_212 = arith.muli %while3A_209, %mul3A_211 : i32
        %get3A = arith.index_cast %mul3A_212 : i32 to index
        %get3A_213 = tpu.vector_load %arg8[%get3A] {strides = array<i32>} : memref<4096xi32, #tpu.memory_space<vmem>>, vector<16xi32>,
        %mul3A_214 = arith.constant 16 : i32
        %mul3A_215 = arith.muli %while3A_209, %mul3A_214 : i32
        %get3A_216 = arith.index_cast %mul3A_215 : i32 to index
        %get3A_217 = tpu.vector_load %arg9[%get3A_216] {strides = array<i32>} : memref<4096xi32, #tpu.memory_space<vmem>>, vector<16xi32>,
        %shift_right_logical3A = arith.constant 24 : i32
        %shift_right_logical3A_218 = vector.broadcast %shift_right_logical3A : i32 to vector<16xi32>
        %shift_right_logical3A_219 = arith.shrui %get3A_213, %shift_right_logical3A_218 : vector<16xi32>
        %and3A = arith.constant 255 : i32
        %and3A_220 = vector.broadcast %and3A : i32 to vector<16xi32>
        %and3A_221 = arith.andi %shift_right_logical3A_219, %and3A_220 : vector<16xi32>
        %gather3A = tpu.vector_load_idx %arg10[%and3A_221] : memref<256xi32, #tpu.memory_space<vmem>>[vector<16xi32>], vector<16xi32>,
        %broadcast_in_dim3A_222 = arith.constant true
        %broadcast_in_dim3A_223 = vector.broadcast %broadcast_in_dim3A_222 : i1 to vector<16xi1>
        %unique3A_224, %unique3A_225 = tpu.scan_count mask(%broadcast_in_dim3A_223 : vector<16xi1>) value(%and3A_221 : vector<16xi32>) : vector<16xi1>, vector<16xi32>
        %sub3A_226 = arith.subi %unique3A_225, %sub3A : vector<16xi32>
        %add3A_227 = arith.addi %gather3A, %sub3A_226 : vector<16xi32>
        tpu.vector_store_idx %arg6[%add3A_227], %get3A_213 : memref<4096xi32, #tpu.memory_space<vmem>>[vector<16xi32>], vector<16xi32>,
        tpu.vector_store_idx %arg7[%add3A_227], %get3A_217 : memref<4096xi32, #tpu.memory_space<vmem>>[vector<16xi32>], vector<16xi32>,
        %add3A_228 = arith.constant 1 : i32
        %add3A_229 = vector.broadcast %add3A_228 : i32 to vector<16xi32>
        %add3A_230 = arith.addi %sub3A_226, %add3A_229 : vector<16xi32>
        tpu.vector_store_idx %arg10[%and3A_221], %add3A_230 masked %unique3A_224 {add = true} : memref<256xi32, #tpu.memory_space<vmem>>[vector<16xi32>], vector<16xi32>, vector<16xi1>
        %while3A_231 = arith.constant 0 : i32
        scf.yield %while3A_231 : i32
      }
      "tpu.region"() ({
        %run_scoped3A = tpu.sem_alloc : memref<!tpu.dma_semaphore, #tpu.memory_space<semaphore_mem>>
        %dma_start3A_209 = arith.constant 0 : i32
        %dma_start3A_210 = tpu.memref_slice %arg7[%dma_start3A_209] : memref<4096xi32, #tpu.memory_space<vmem>> -> memref<1024xi32, #tpu.memory_space<vmem>>
        %dma_start3A_211 = arith.constant 0 : i32
        %dma_start3A_212 = tpu.memref_slice %arg3[%add3A_25, %dma_start3A_211] : memref<128x1024xi32, #tpu.memory_space<hbm>> -> memref<1x1024xi32, #tpu.memory_space<hbm>>
        %dma_start3A_213 = tpu.memref_squeeze %dma_start3A_212 : memref<1x1024xi32, #tpu.memory_space<hbm>> -> memref<1024xi32, #tpu.memory_space<hbm>>
        %dma_start3A_214 = arith.constant 0 : i32
        %dma_start3A_215 = tpu.memref_slice %arg3[%add3A_25, %dma_start3A_214] : memref<128x1024xi32, #tpu.memory_space<hbm>> -> memref<1x1024xi32, #tpu.memory_space<hbm>>
        %dma_start3A_216 = tpu.memref_squeeze %dma_start3A_215 : memref<1x1024xi32, #tpu.memory_space<hbm>> -> memref<1024xi32, #tpu.memory_space<hbm>>
        %dma_start3A_217 = arith.constant 0 : i32
        %dma_start3A_218 = tpu.memref_slice %arg7[%dma_start3A_217] : memref<4096xi32, #tpu.memory_space<vmem>> -> memref<1024xi32, #tpu.memory_space<vmem>>
        tpu.enqueue_dma source(%dma_start3A_218 : memref<1024xi32, #tpu.memory_space<vmem>>) target(%dma_start3A_216 : memref<1024xi32, #tpu.memory_space<hbm>>) target_semaphore(%run_scoped3A : memref<!tpu.dma_semaphore, #tpu.memory_space<semaphore_mem>>)
        %dma_wait3A_219 = arith.constant 0 : i32
        %dma_wait3A_220 = tpu.memref_slice %arg7[%dma_wait3A_219] : memref<4096xi32, #tpu.memory_space<vmem>> -> memref<1024xi32, #tpu.memory_space<vmem>>
        %dma_wait3A_221 = arith.constant 0 : i32
        %dma_wait3A_222 = tpu.memref_slice %arg3[%add3A_25, %dma_wait3A_221] : memref<128x1024xi32, #tpu.memory_space<hbm>> -> memref<1x1024xi32, #tpu.memory_space<hbm>>
        %dma_wait3A_223 = tpu.memref_squeeze %dma_wait3A_222 : memref<1x1024xi32, #tpu.memory_space<hbm>> -> memref<1024xi32, #tpu.memory_space<hbm>>
        %dma_wait3A_224 = arith.constant 0 : i32
        %dma_wait3A_225 = tpu.memref_slice %arg3[%add3A_25, %dma_wait3A_224] : memref<128x1024xi32, #tpu.memory_space<hbm>> -> memref<1x1024xi32, #tpu.memory_space<hbm>>
        %dma_wait3A_226 = tpu.memref_squeeze %dma_wait3A_225 : memref<1x1024xi32, #tpu.memory_space<hbm>> -> memref<1024xi32, #tpu.memory_space<hbm>>
        %dma_wait3A_227 = arith.constant 0 : i32
        %dma_wait3A_228 = tpu.memref_slice %arg7[%dma_wait3A_227] : memref<4096xi32, #tpu.memory_space<vmem>> -> memref<1024xi32, #tpu.memory_space<vmem>>
        tpu.wait_dma2 semaphore(%run_scoped3A : memref<!tpu.dma_semaphore, #tpu.memory_space<semaphore_mem>>) src(%dma_wait3A_228 : memref<1024xi32, #tpu.memory_space<vmem>>) dst(%dma_wait3A_226 : memref<1024xi32, #tpu.memory_space<hbm>>)
        tpu.yield
      }) : () -> ()
      %scan3A_208 = arith.constant 0 : i32
      scf.yield %scan3A_208 : i32
    }
    %scan3A_17 = arith.constant 4 : i32
    %dma_wait3A = arith.constant 0 : i32
    %dma_wait3A_18 = tpu.memref_slice %arg2[%mul3A_6, %dma_wait3A] : memref<128x32768xf32, #tpu.memory_space<hbm>> -> memref<1x32768xf32, #tpu.memory_space<hbm>>
    %dma_wait3A_19 = tpu.memref_squeeze %dma_wait3A_18 : memref<1x32768xf32, #tpu.memory_space<hbm>> -> memref<32768xf32, #tpu.memory_space<hbm>>
    %dma_wait3A_20 = arith.constant 0 : i32
    %dma_wait3A_21 = tpu.memref_slice %arg2[%mul3A_6, %dma_wait3A_20] : memref<128x32768xf32, #tpu.memory_space<hbm>> -> memref<1x32768xf32, #tpu.memory_space<hbm>>
    %dma_wait3A_22 = tpu.memref_squeeze %dma_wait3A_21 : memref<1x32768xf32, #tpu.memory_space<hbm>> -> memref<32768xf32, #tpu.memory_space<hbm>>
    tpu.wait_dma2 semaphore(%arg11 : memref<!tpu.dma_semaphore, #tpu.memory_space<semaphore_mem>>) src(%dma_wait3A_22 : memref<32768xf32, #tpu.memory_space<hbm>>) dst(%arg4 : memref<32768xf32, #tpu.memory_space<vmem>>)
    return
  }
}

</mosaic_0001>

<sc_bundles>
// kernel: kernel.3.cloned.1.call-start
scs
__scs_entry_jumppad:
0x0: {  	(pc) =	sbr.rel $0x88, $3  }
0x1: {  	(tag) =	ssettag $0x0;
	lr =	simm.s32 $0x1  }
0x2: {  	[smem:$0x3FA0] =	sst lr;
	_ =	strace $0xD0000000  }
0x3: {  	_ = 	snop  }
0x4: {  	_ = 	snop  }
0x5: {  	_ = 	snop  }
0x6: {  	_ = 	snop  }
0x7: {  	_ = 	snop  }
__scs_overlays_trampoline_lowered:
0x8: {  	[smem:$0x3FAF] =	sst s0  }
0x9: {  	[smem:$0x3FB0] =	sst s1  }
0xa: {  	[smem:$0x3FB1] =	sst s2  }
0xb: {  	[smem:$0x3FB2] =	sst s3  }
0xc: {  	[smem:$0x3FB3] =	sst s4  }
0xd: {  	[smem:$0x3FB4] =	sst s5  }
0xe: {  	[smem:$0x3FB5] =	sst s6  }
0xf: {  	[smem:$0x3FB6] =	sst s7  }
0x10: {  	[smem:$0x3FB7] =	sst s8  }
0x11: {  	[smem:$0x3FB8] =	sst s9;
	s0 =	simm.s32 @!p0 $0x0  }
0x12: {  	s1 =	sld [smem:$0x3F9E];
	s0 =	simm.s32 @p0 $0x1  }
0x13: {  	[smem:$0x3FB9] =	sst s0;
	s0 =	simm.s32 @!p1 $0x0  }
0x14: {  	s2 =	sld [smem:$0x3F9D];
	s0 =	simm.s32 @p1 $0x1  }
0x15: {  	[smem:$0x3FBA] =	sst s0;
	s0 =	simm.s32 @!p2 $0x0  }
0x16: {  	s3 =	sld [smem:$0x3FDB];
	s0 =	simm.s32 @p2 $0x1  }
0x17: {  	s4 =	simm.s32 $0x1BF5;
	[smem:$0x3FBC] =	sst s0  }
0x18: {  	s0 =	sld [smem:$0x3F9F];
	_ =	swait.ge [sflag:s4], $0x0  }
0x19: {  	s7 =	sld [smem:$0x3FA0]  }
0x1a: {  	s8 =	sadd.s32 $0xFFFFE003, lr  }
0x1b: {  	s9 =	sadd.s32 $0xFFFFFEF7, lr;
	s5 =	simm.s32 $0xFFFFFFFF;
	p2 =	slt.u32 s8, $0xFFFFF086  }
0x1c: {  	p1 =	slt.u32 s9, $0xF7A;
	s5 =	simm.s32 @!p2 $0x0  }
0x1d: {  	s5 =	simm.s32 @p1 $0x1;
	p0 =	seq.s32 s7, s2  }
0x1e: {  	s7 =	smul.u32 @!p0 $0xF7A, s2;
	p2 =	seq.s32 @!p0 s5, $0x0  }
0x1f: {  	s9 =	smul.u32 $0xF7A, s1;
	s8 =	simm.s32 @!p0 $0x1BF5;
	p2 =	por !p2, p0  }
0x20: {  	[sflag:s8] =	ssyncset.s32 @!p0 $0xFFFFF086;
	s6 =	sadd.s32 @!p0 s3, s7;
	s7 =	simm.s32 @!p0 $0x108  }
0x21: {  	s3 =	sadd.s32 s3, s9;
	s6 =	sadd.s32 @!p0 $0x88, s6;
	s7 =	simm.s32 @p2 $0x1082  }
0x22: {  	[simem:s7], [sflag:s8] =	dma.local @!p0 [hbm:s6], $0xF7A  }
0x23: {  	s9 =	sor.u32 $0xD0000000, s2;
	s6 =	simm.s32 $0x108;
	_ =	swait.ge @!p0 [sflag:s8], $0x0  }
0x24: {  	s3 =	sadd.s32 $0x88, s3;
	s6 =	simm.s32 @!p1 $0x1082;
	[sflag:s4] =	ssyncset.s32 $0xFFFFF086  }
0x25: {  	[simem:s6], [sflag:s4] =	dma.local [hbm:s3], $0xF7A  }
0x26: {  	[smem:$0x3FA0] =	sst s1;
	(tag) =	ssettag s2;
	_ =	strace s9  }
0x27: {  	s1 =	sld [smem:$0x3FB0]  }
0x28: {  	s2 =	sld [smem:$0x3FB1]  }
0x29: {  	s4 =	sld [smem:$0x3FB3]  }
0x2a: {  	p0 =	seq.s32 s5, $0x0;
	s5 =	sld [smem:$0x3FB4]  }
0x2b: {  	s6 =	sld [smem:$0x3FB5]  }
0x2c: {  	s7 =	sld [smem:$0x3FB6]  }
0x2d: {  	s3 =	simm.s32 $0x108;
	s8 =	sld [smem:$0x3FB7]  }
0x2e: {  	s3 =	simm.s32 @!p0 $0x1082;
	s9 =	sld [smem:$0x3FB8]  }
0x2f: {  	lr =	sadd.s32 s0, s3;
	s0 =	sld [smem:$0x3FAF]  }
0x30: {  	s3 =	sld [smem:$0x3FB2]  }
0x31: {  	[smem:$0x3FBB] =	sst s10  }
0x32: {  	s10 =	sld [smem:$0x3FB9];
	_ =	sdelay $0x3  }
0x33: {  	p0 =	seq.s32 s10, $0x1;
	s10 =	sld [smem:$0x3FBB];
	_ =	sdelay $0x3  }
0x34: {  	[smem:$0x3FBB] =	sst s10  }
0x35: {  	s10 =	sld [smem:$0x3FBA];
	_ =	sdelay $0x3  }
0x36: {  	p1 =	seq.s32 s10, $0x1;
	s10 =	sld [smem:$0x3FBB];
	_ =	sdelay $0x3  }
0x37: {  	[smem:$0x3FBB] =	sst s10  }
0x38: {  	s10 =	sld [smem:$0x3FBC]  }
0x39: {  	_ = 	snop;
	(pc) =	sbr.ind lr, $3  }
0x3a: {  	_ = 	snop  }
0x3b: {  	_ = 	snop  }
0x3c: {  	p2 =	seq.s32 s10, $0x1;
	s10 =	sld [smem:$0x3FBB]  }
0x3d: {  	_ =	shalt  }
0x3e: {  	_ =	shalt  }
0x3f: {  	_ =	shalt  }
0x40: {  	_ =	shalt  }
0x41: {  	_ =	shalt  }
0x42: {  	_ =	shalt  }
0x43: {  	_ =	shalt  }
0x44: {  	_ =	shalt  }
0x45: {  	_ =	shalt  }
0x46: {  	_ =	shalt  }
0x47: {  	_ =	shalt  }
0x48: {  	_ =	shalt  }
0x49: {  	_ =	shalt  }
0x4a: {  	_ =	shalt  }
0x4b: {  	_ =	shalt  }
0x4c: {  	_ =	shalt  }
0x4d: {  	_ =	shalt  }
0x4e: {  	_ =	shalt  }
0x4f: {  	_ =	shalt  }
0x50: {  	_ =	shalt  }
0x51: {  	_ =	shalt  }
0x52: {  	_ =	shalt  }
0x53: {  	_ =	shalt  }
0x54: {  	_ =	shalt  }
0x55: {  	_ =	shalt  }
0x56: {  	_ =	shalt  }
0x57: {  	_ =	shalt  }
0x58: {  	_ =	shalt  }
0x59: {  	_ =	shalt  }
0x5a: {  	_ =	shalt  }
0x5b: {  	_ =	shalt  }
0x5c: {  	_ =	shalt  }
0x5d: {  	_ =	shalt  }
0x5e: {  	_ =	shalt  }
0x5f: {  	_ =	shalt  }
0x60: {  	_ =	shalt  }
0x61: {  	_ =	shalt  }
0x62: {  	_ =	shalt  }
0x63: {  	_ =	shalt  }
0x64: {  	_ =	shalt  }
0x65: {  	_ =	shalt  }
0x66: {  	_ =	shalt  }
0x67: {  	_ =	shalt  }
0x68: {  	_ =	shalt  }
0x69: {  	_ =	shalt  }
0x6a: {  	_ =	shalt  }
0x6b: {  	_ =	shalt  }
0x6c: {  	_ =	shalt  }
0x6d: {  	_ =	shalt  }
0x6e: {  	_ =	shalt  }
0x6f: {  	_ =	shalt  }
0x70: {  	_ =	shalt  }
0x71: {  	_ =	shalt  }
0x72: {  	_ =	shalt  }
0x73: {  	_ =	shalt  }
0x74: {  	_ =	shalt  }
0x75: {  	_ =	shalt  }
0x76: {  	_ =	shalt  }
0x77: {  	_ =	shalt  }
0x78: {  	_ =	shalt  }
0x79: {  	_ =	shalt  }
0x7a: {  	_ =	shalt  }
0x7b: {  	_ =	shalt  }
0x7c: {  	_ =	shalt  }
0x7d: {  	_ =	shalt  }
0x7e: {  	_ =	shalt  }
0x7f: {  	_ =	shalt  }
0x80: {  	_ =	shalt  }
0x81: {  	_ =	shalt  }
0x82: {  	_ =	shalt  }
0x83: {  	_ =	shalt  }
0x84: {  	_ =	shalt  }
0x85: {  	_ =	shalt  }
0x86: {  	_ =	shalt  }
0x87: {  	_ =	shalt  }
.Lfunc_end0:
.L_simem_size_0:
called_computation_lowered:
.L_overlay_start_0:
0x88: {  	s2 =	sld [smem:$0x3FD9]  }
0x89: {  	s3 =	sld [smem:$0x3FFE];
	_ =	sdelay $0x1  }
0x8a: {  	s1 =	srdreg.scid  }
0x8b: {  	s0 =	sand.u32 $0x1, s1  }
0x8c: {  	s17 =	sshll.u32 s0, $0xA;
	s2 =	sadd.s32 s3, s2  }
0x8d: {  	s2 =	sadd.s32 s2, s17  }
0x8e: {  	[smem:$0x3FC7] =	sst s2  }
0x8f: {  	_ = 	snop  }
0x90: {  	s2 =	sld [smem:$0x3FD0];
	(tm) =	ssettm $0x1  }
0x91: {  	s18 =	sld [smem:$0x3FFB];
	_ =	sdelay $0x3  }
0x92: {  	_ =	strace s18  }
0x93: {  	s3 =	sld [smem:$0x3FFC];
	_ =	sdelay $0x3  }
0x94: {  	_ =	strace s3  }
0x95: {  	s3 =	sld [smem:$0x3FFD];
	_ =	sdelay $0x3  }
0x96: {  	_ =	strace s3  }
0x97: {  	_ =	strace $0x8FFFFFFF  }
0x98: {  	s19 =	sld [smem:$0x3FDB];
	_ =	sdelay $0x1  }
0x99: {  	s4 =	simm.s32 $_scs_section_size  }
0x9a: {  	s5 =	simm.s32 $_size__tile_overlayer_lowered;
	s6 =	simm.s32 $_tile_overlayer_lowered  }
0x9b: {  	s22 =	simm.s32 $0x1BFF;
	s21 =	sshll.u32 s6, $0x1;
	s3 =	sadd.s32 s4, s19  }
0x9c: {  	s7 =	simm.s32 $0x0;
	s20 =	sshll.u32 s5, $0x1;
	s5 =	sadd.s32 s21, s3  }
0x9d: {  	[timem:s7], [sflag:s22] =	dma.local [hbm:s5], s20  }
0x9e: {  	_ =	swait.ge [sflag:s22], s20  }
0x9f: {  	s4 =	ssub.s32 $0x0, s20;
	[sflag:s22] =	ssyncset.done $0x0  }
0xa0: {  	[sflag:s22] =	ssyncadd.s32 s4;
	_ =	sdelay $0x1  }
0xa1: {  	s23 =	simm.s32 $0x1B8B  }
0xa2: {  	_ =	swait.ge [sflag:s23], $0x1  }
0xa3: {  	[sflag:s23] =	ssyncset.done $0x0  }
0xa4: {  	s25 =	simm.s32 $0x1B8E;
	s24 =	sld [smem:$0x3FFE];
	[sflag:s23] =	ssyncadd.s32 $0xFFFFFFFF  }
0xa5: {  	s26 =	simm.s32 $execute0_lowered;
	[smem:$0x3FD2] =	sst s25  }
0xa6: {  	s5 =	sshll.u32 s26, $0x1;
	_ =	strace $0x80000046;
	[dreg:$0x1] =	wrdreg $0xFFFFFFFF  }
0xa7: {  	s28 =	simm.s32 $_size_execute0_lowered;
	s3 =	sadd.s32 s3, s5;
	[dreg:$0x0] =	wrdreg $0x0  }
0xa8: {  	s5 =	sshll.u32 s28, $0x1;
	[dreg:$0x2] =	wrdreg s3  }
0xa9: {  	[dreg:$0x3] =	wrdreg s5  }
0xaa: {  	[dreg:$0x4] =	wrdreg $0xC0  }
0xab: {  	_ =	task [dreg:s7], $0x5FFFF  }
0xac: {  	[dreg:$0x1] =	wrdreg $0xFFFFFFFF  }
0xad: {  	[dreg:$0x0] =	wrdreg $0x60  }
0xae: {  	[dreg:$0x2] =	wrdreg s24  }
0xaf: {  	[dreg:$0x3] =	wrdreg s2  }
0xb0: {  	[dreg:$0x4] =	wrdreg $0x9  }
0xb1: {  	_ =	task.clear_ibuf [dreg:s7], $0x5FFFF;
	_ =	strace $0x90000046  }
0xb2: {  	s29 =	simm.s32 $0x9;
	_ =	strace $0x80000048  }
0xb3: {  	_ =	swait.ge [sflag:s29], $0x1  }
0xb4: {  	[sflag:s29] =	ssyncadd.s32 $0xFFFFFFFF  }
0xb5: {  	_ =	strace $0x90000048  }
0xb6: {  	_ =	sfence  }
0xb7: {  	s30 =	sld [smem:$0x0];
	_ =	sdelay $0x2  }
0xb8: {  	s31 =	sshll.u32 s1, $0xD;
	s1 =	sshrl.u32 s1, $0x2  }
0xb9: {  	s3 =	sand.u32 $0x4000, s31;
	s1 =	sadd.s32 s1, s30  }
0xba: {  	s0 =	sor.u32 s3, s0;
	s1 =	sshll.u32 s1, $0x11  }
0xbb: {  	s0 =	sor.u32 s1, s0  }
0xbc: {  	s0 =	sadd.s32 $0x8F2B, s0  }
0xbd: {  	[sflag:s0] =	ssyncadd.remote.s32 $0x1  }
0xbe: {  	_ =	sfence.sel $0xFFFF  }
0xbf: {  	[dreg:$0x0] =	wrdreg $0xFFFFFFFF;
	(pc) =	sbr.abs _section_cstart, $3  }
0xc0: {  	[dreg:$0x1] =	wrdreg $0xFFFFFFFF  }
0xc1: {  	_ =	task.clear_ibuf [dreg:s7], $0x2FFFF;
	_ =	strace $0x9FFFFFFF  }
0xc2: {  	(tm) =	ssettm $0x7FFFFFFF  }
0xc3: {  	_ =	shalt  }
tec
execute0_lowered:
.L_overlay_start_1:
0x0: {  	(tag) =	ssettag $0x1  }
0x1: {  	s0 =	rddreg [dreg:$0x0];
	s1 =	simm.s32 $0x0  }
0x2: {  	[smem:$0x7FF] =	sst s1  }
0x3: {  	s6 =	rddreg [dreg:$0x1];
	v0 =	vimm.s32 $0x0;
	_ =	strace $0x80000047  }
0x4: {  	(xrf1) =	vunique.msk.u32 $0xffff, v0;
	_ =	sdelay $0x5  }
0x5: {  	s2 =	srdreg.scid;
	s29 =	stileid.u32  }
0x6: {  	s9 =	simm.s32 $0x400;
	s10 =	simm.s32 $0x1;
	s11 =	simm.s32 $0x8000  }
0x7: {  	s12 =	simm.s32 $0x8800;
	s13 =	simm.s32 $0x9800;
	s14 =	simm.s32 $0xC800  }
0x8: {  	s15 =	simm.s32 $0xA800;
	s16 =	simm.s32 $0xB800;
	s4 =	sand.u32 $0x1, s2  }
0x9: {  	s17 =	simm.s32 $0x2;
	s18 =	simm.s32 $0x0;
	s3 =	ssub.s32 $0x2, s4  }
.Ltmp0:
0xa: {  	s0 =	sadd.s32 $0x400, s0;
	s5 =	sshrl.u32 s3, $0x1;
	(pc) =	sbr.rel .LBB2_1-.Ltmp0, $4  }
0xb: {  	v1 =	vlaneseq.u32;
	s7 =	ssub.s32 s3, s5;
	s3 =	sshll.u32 s4, $0x2;
	s4 =	sshll.u32 s4, $0x6  }
0xc: {  	s30 =	sshll.u32 s29, $0xF;
	s8 =	sshll.u32 s29, $0xA;
	v2 =	vmul.u32 $0xFFFFFFFF, v1;
	s4 =	sadd.s32 s0, s4  }
0xd: {  	v5 =	vimm.s32 $0x7FFF;
	v4 =	vadd.s32 $0x1, v1;
	s6 =	sadd.s32 s6, s8;
	s8 =	simm.s32 $0x80;
	s31 =	sadd.s32 s30, s4;
	_, v3, _ =	vpop (xrf1)  }
0xe: {  	s5 =	sadd.s32 s0, s30;
	s7 =	smax.u32 s7, $0x1;
	[dreg:$0x3] =	wrdreg s31;
	v2 =	vadd.s32 v2, v3;
	v3 =	vsub.s32 v4, v3;
	v4 =	vimm.s32 $0xFFFFFFFF  }
.LBB2_136:
0xf: {  	s18 =	sadd.s32 $0x1, s18  }
0x10: {  	p0 =	sne.s32 s18, s7  }
.Ltmp1:
0x11: {  	_ = 	snop;
	(pc) =	sbr.rel @!p0 .LBB2_137-.Ltmp1, $4  }
0x12: {  	_ = 	snop  }
0x13: {  	_ =	swait.ge [sflag:s10], $0x8000  }
0x14: {  	[sflag:s10] =	ssyncset.done $0x0  }
0x15: {  	[sflag:s10] =	ssyncadd.s32 $0xFFFF8000  }
.LBB2_1:
.Ltmp2:
0x16: {  	(pc) =	sbr.rel .LBB2_2-.Ltmp2, $3  }
0x17: {  	_ =	sdelay $0x1  }
0x18: {  	s0 =	simm.s32 $0x0;
	s1 =	rddreg [dreg:$0x3];
	s19 =	simm.s32 $0x0  }
0x19: {  	[tilespmem:s0], [sflag:$0x1] =	stream.strided.gather [hbm4b:s1+s8], $0x8000, s9, s8, $0x38;
	[tilespmem:$0xC900] =	vst v63  }
.LBB2_134:
0x1a: {  	v8 =	vshrl.u32 v6, $0x18  }
0x1b: {  	(xrf1) =	vunique.msk.u32 $0xffff, v8;
	_ =	sdelay $0xa  }
0x1c: {  	v9 =	vld.idx.msk [tilespmem:v8+s14+$0x0], $0xffff;
	_ =	sdelay $0x2  }
0x1d: {  	_, v10, vm0 =	vpop (xrf1)  }
0x1e: {  	v10 =	vsub.s32 v10, v2  }
0x1f: {  	v9 =	vadd.s32 v9, v10;
	_ =	sdelay $0x4  }
0x20: {  	[tilespmem:v9+s12+$0x0] =	vst.idx.msk $0xffff, v6  }
0x21: {  	v6 =	vadd.s32 $0x1, v10;
	[tilespmem:v9+s13+$0x0] =	vst.idx.msk $0xffff, v7  }
0x22: {  	[tilespmem:v8+s14+$0x0] =	vst.idx.add.s32.msk vm0, v6  }
.LBB2_135:
0x23: {  	p0 =	sne.s32 s19, $0x4  }
.Ltmp3:
0x24: {  	s0 =	sadd.s32 s21, s6;
	(pc) =	sbr.rel @!p0 .LBB2_136-.Ltmp3, $4  }
0x25: {  	[hbm4b:s0+s8] =	stream.strided.scatter [tilespmem:s13], [sflag:$0x2], $0x400, s9, s8, $0x38;
	[tilespmem:$0xC900] =	vst v63  }
0x26: {  	_ =	swait.ge [sflag:s17], $0x400  }
0x27: {  	[sflag:s17] =	ssyncset.done $0x0  }
0x28: {  	[sflag:s17] =	ssyncadd.s32 $0xFFFFFC00  }
.LBB2_2:
0x29: {  	_ =	swait.ge [sflag:s10], $0x8000  }
0x2a: {  	[sflag:s10] =	ssyncset.done $0x0  }
0x2b: {  	s0 =	simm.s32 $0x8040;
	[sflag:s10] =	ssyncadd.s32 $0xFFFF8000  }
0x2c: {  	[tilespmem:s0+$0xFFFFFFC0] =	vst v0  }
0x2d: {  	[tilespmem:s0+$0x30] =	vst v0  }
0x2e: {  	[tilespmem:s0+$0x20] =	vst v0  }
0x2f: {  	[tilespmem:s0+$0x10] =	vst v0  }
0x30: {  	[tilespmem:s0+$0x0] =	vst v0  }
0x31: {  	[tilespmem:s0+$0xFFFFFFF0] =	vst v0  }
0x32: {  	s21 =	smov.u32 s19;
	s22 =	simm.s32 $0x0;
	s19 =	simm.s32 $0x9840;
	[tilespmem:s0+$0xFFFFFFE0] =	vst v0  }
.LBB2_3:
0x33: {  	s22 =	sadd.s32 $0x8, s22;
	[tilespmem:s0+$0xFFFFFFD0] =	vst v0;
	s0 =	sadd.s32 $0x80, s0;
	s20 =	simm.s32 $0x8840  }
0x34: {  	[tilespmem:s0+$0xFFFFFFC0] =	vst v0;
	p0 =	slt.u32 s22, $0x78  }
0x35: {  	[tilespmem:s0+$0x30] =	vst v0  }
.Ltmp4:
0x36: {  	[tilespmem:s0+$0x20] =	vst v0;
	(pc) =	sbr.rel @p0 .LBB2_3-.Ltmp4, $4  }
0x37: {  	[tilespmem:s0+$0x10] =	vst v0  }
0x38: {  	[tilespmem:s0+$0x0] =	vst v0  }
0x39: {  	[tilespmem:s0+$0xFFFFFFF0] =	vst v0  }
0x3a: {  	[tilespmem:s0+$0xFFFFFFE0] =	vst v0  }
0x3b: {  	[tilespmem:s0+$0xFFFFFFD0] =	vst v0  }
0x3c: {  	[tilespmem:s20+$0x30] =	vst v4  }
0x3d: {  	[tilespmem:s20+$0xFFFFFFF0] =	vst v4  }
0x3e: {  	[tilespmem:s20+$0xFFFFFFC0] =	vst v4  }
0x3f: {  	[tilespmem:s20+$0xFFFFFFE0] =	vst v4  }
0x40: {  	[tilespmem:s20+$0x10] =	vst v4  }
0x41: {  	[tilespmem:s20+$0x20] =	vst v4  }
0x42: {  	[tilespmem:s20+$0x0] =	vst v4  }
0x43: {  	[tilespmem:s20+$0xFFFFFFD0] =	vst v4  }
0x44: {  	[tilespmem:s19+$0xFFFFFFC0] =	vst v5  }
0x45: {  	[tilespmem:s19+$0x30] =	vst v5  }
0x46: {  	[tilespmem:s19+$0x20] =	vst v5  }
0x47: {  	[tilespmem:s19+$0x10] =	vst v5  }
0x48: {  	[tilespmem:s19+$0xFFFFFFE0] =	vst v5  }
0x49: {  	[tilespmem:s19+$0x0] =	vst v5  }
0x4a: {  	s22 =	simm.s32 $0x0;
	s0 =	simm.s32 $0x40;
	[tilespmem:s19+$0xFFFFFFF0] =	vst v5  }
.LBB2_5:
0x4b: {  	s22 =	sadd.s32 $0x8, s22;
	[tilespmem:s19+$0xFFFFFFD0] =	vst v5;
	s20 =	sadd.s32 $0x80, s20;
	s19 =	sadd.s32 $0x80, s19  }
0x4c: {  	[tilespmem:s20+$0x30] =	vst v4;
	p0 =	slt.u32 s22, $0xF8  }
0x4d: {  	[tilespmem:s20+$0xFFFFFFF0] =	vst v4  }
0x4e: {  	[tilespmem:s20+$0xFFFFFFC0] =	vst v4  }
0x4f: {  	[tilespmem:s19+$0xFFFFFFC0] =	vst v5  }
0x50: {  	[tilespmem:s19+$0x30] =	vst v5  }
0x51: {  	[tilespmem:s20+$0xFFFFFFE0] =	vst v4  }
0x52: {  	[tilespmem:s20+$0x10] =	vst v4  }
0x53: {  	[tilespmem:s20+$0x20] =	vst v4  }
0x54: {  	[tilespmem:s19+$0x20] =	vst v5  }
0x55: {  	[tilespmem:s19+$0x10] =	vst v5  }
.Ltmp5:
0x56: {  	[tilespmem:s19+$0xFFFFFFE0] =	vst v5;
	(pc) =	sbr.rel @p0 .LBB2_5-.Ltmp5, $4  }
0x57: {  	[tilespmem:s20+$0x0] =	vst v4  }
0x58: {  	[tilespmem:s19+$0x0] =	vst v5  }
0x59: {  	[tilespmem:s19+$0xFFFFFFF0] =	vst v5  }
0x5a: {  	[tilespmem:s20+$0xFFFFFFD0] =	vst v4  }
0x5b: {  	[tilespmem:s19+$0xFFFFFFD0] =	vst v5  }
0x5c: {  	v7 =	vld [tilespmem:s0+$0x30];
	_ =	sdelay $0x1  }
0x5d: {  	v8 =	vld [tilespmem:s0+$0x0]  }
0x5e: {  	v6 =	vld [tilespmem:s0+$0xFFFFFFC0];
	_ =	sdelay $0x1  }
0x5f: {  	v11 =	vld [tilespmem:s0+$0x10];
	v10 =	vandn.u32 $0x7FE00000, v7;
	vm1 =	vlt.s32 v7, $0x0  }
0x60: {  	v9 =	vld [tilespmem:s0+$0xFFFFFFF0];
	v7 =	vsel vm1, v7, v10  }
0x61: {  	vm2 =	vlt.s32 v8, $0x0;
	v12 =	vandn.u32 $0x7FE00000, v8;
	v15 =	vshrl.u32 v7, $0x15  }
0x62: {  	vm0 =	vlt.s32 v6, $0x0;
	v10 =	vandn.u32 $0x7FE00000, v6;
	v8 =	vsel vm2, v8, v12;
	v7 =	vld [tilespmem:s0+$0x20];
	(xrf1) =	vunique.msk.u32 $0xffff, v15  }
0x63: {  	v6 =	vsel vm0, v6, v10;
	v25 =	vshrl.u32 v8, $0x15;
	v8 =	vld [tilespmem:s0+$0xFFFFFFD0]  }
0x64: {  	s30 =	simm.s32 $0xC0;
	vm1 =	vlt.s32 v11, $0x0;
	v12 =	vandn.u32 $0x7FE00000, v11;
	v16 =	vshrl.u32 v6, $0x15;
	v6 =	vld [tilespmem:s0+$0xFFFFFFE0];
	(xrf1) =	vunique.msk.u32 $0xffff, v25  }
0x65: {  	v13 =	vld [tilespmem:s30+$0x30];
	vm0 =	vlt.s32 v9, $0x0;
	v10 =	vandn.u32 $0x7FE00000, v9;
	v11 =	vsel vm1, v11, v12;
	(xrf1) =	vunique.msk.u32 $0xffff, v16  }
0x66: {  	v17 =	vld [tilespmem:s30+$0x0];
	v9 =	vsel vm0, v9, v10;
	v27 =	vshrl.u32 v11, $0x15  }
0x67: {  	v12 =	vld [tilespmem:s30+$0xFFFFFFC0];
	v30 =	vshrl.u32 v9, $0x15;
	(xrf1) =	vunique.msk.u32 $0xffff, v27  }
0x68: {  	v10 =	vld [tilespmem:s30+$0xFFFFFFF0];
	vm0 =	vlt.s32 v7, $0x0;
	vm1 =	vlt.s32 v8, $0x0;
	v9 =	vandn.u32 $0x7FE00000, v7  }
0x69: {  	v11 =	vld [tilespmem:s30+$0x10];
	(xrf1) =	vunique.msk.u32 $0xffff, v30;
	vm2 =	vlt.s32 v6, $0x0;
	v14 =	vandn.u32 $0x7FE00000, v6;
	v7 =	vsel vm0, v7, v9  }
0x6a: {  	v9 =	vandn.u32 $0x7FE00000, v8;
	v6 =	vsel vm2, v6, v14;
	v31 =	vshrl.u32 v7, $0x15  }
0x6b: {  	v7 =	vshrl.u32 v6, $0x15;
	v6 =	vsel vm1, v8, v9;
	(xrf1) =	vunique.msk.u32 $0xffff, v31  }
0x6c: {  	v9 =	vshrl.u32 v6, $0x15;
	(xrf1) =	vunique.msk.u32 $0xffff, v7  }
0x6d: {  	v24 =	vld [tilespmem:s30+$0xFFFFFFD0];
	vm5 =	vlt.s32 v17, $0x0;
	vm6 =	vlt.s32 v13, $0x0;
	vm0 =	vlt.s32 v10, $0x0;
	(xrf1) =	vunique.msk.u32 $0xffff, v9  }
0x6e: {  	v19 =	vld [tilespmem:s30+$0x20];
	vm4 =	vlt.s32 v11, $0x0;
	vm1 =	vlt.s32 v12, $0x0;
	v6 =	vandn.u32 $0x7FE00000, v10  }
0x6f: {  	s31 =	simm.s32 $0x140;
	v20 =	vld [tilespmem:s30+$0xFFFFFFE0];
	v8 =	vandn.u32 $0x7FE00000, v12;
	v6 =	vsel vm0, v10, v6;
	v10 =	vandn.u32 $0x7FE00000, v13  }
0x70: {  	v28 =	vld [tilespmem:s31+$0xFFFFFFC0];
	v12 =	vsel vm1, v12, v8;
	v8 =	vandn.u32 $0x7FE00000, v17;
	v10 =	vsel vm6, v13, v10;
	_, v18, vm2 =	vpop (xrf1)  }
0x71: {  	v23 =	vld [tilespmem:s31+$0xFFFFFFF0];
	v14 =	vandn.u32 $0x7FE00000, v11;
	v8 =	vsel vm5, v17, v8;
	v10 =	vshrl.u32 v10, $0x15  }
0x72: {  	vm3 =	vlt.s32 v24, $0x0;
	v11 =	vsel vm4, v11, v14;
	v8 =	vshrl.u32 v8, $0x15;
	(xrf1) =	vunique.msk.u32 $0xffff, v10;
	_, v21, vm1 =	vpop (xrf1)  }
0x73: {  	v14 =	vld [tilespmem:s31+$0x10];
	v13 =	vshrl.u32 v12, $0x15;
	v12 =	vshrl.u32 v11, $0x15;
	v11 =	vadd.s32 v3, v18;
	(xrf1) =	vunique.msk.u32 $0xffff, v8;
	_, v17, vm6 =	vpop (xrf1)  }
0x74: {  	v22 =	vandn.u32 $0x7FE00000, v19;
	v26 =	vandn.u32 $0x7FE00000, v20;
	v33 =	vandn.u32 $0x7FE00000, v24;
	v18 =	vld [tilespmem:s31+$0x30];
	(xrf1) =	vunique.msk.u32 $0xffff, v13  }
0x75: {  	vm8 =	vlt.s32 v28, $0x0;
	vm4 =	vlt.s32 v20, $0x0;
	v29 =	vadd.s32 v3, v21;
	v21 =	vld [tilespmem:s31+$0x0];
	_, v32, vm5 =	vpop (xrf1);
	(xrf1) =	vunique.msk.u32 $0xffff, v12  }
0x76: {  	v34 =	vandn.u32 $0x7FE00000, v28;
	v26 =	vsel vm4, v20, v26;
	vm4 =	vlt.s32 v23, $0x0;
	[tilespmem:v15+s11+$0x0] =	vst.idx.add.s32.msk vm2, v11  }
0x77: {  	v20 =	vandn.u32 $0x7FE00000, v23;
	vm0 =	vlt.s32 v19, $0x0;
	v6 =	vshrl.u32 v6, $0x15;
	_, v11, vm7 =	vpop (xrf1);
	v15 =	vld [tilespmem:s31+$0x20]  }
0x78: {  	v17 =	vadd.s32 v3, v17;
	v35 =	vadd.s32 v3, v11;
	v11 =	vsel vm4, v23, v20;
	v20 =	vld [tilespmem:s31+$0xFFFFFFD0]  }
0x79: {  	v24 =	vsel vm3, v24, v33;
	(xrf1) =	vunique.msk.u32 $0xffff, v6;
	[tilespmem:v16+s11+$0x0] =	vst.idx.add.s32.msk vm6, v17;
	v17 =	vsel vm0, v19, v22;
	_, v19, vm9 =	vpop (xrf1)  }
0x7a: {  	v32 =	vadd.s32 v3, v32;
	vm2 =	vlt.s32 v14, $0x0;
	[tilespmem:v25+s11+$0x0] =	vst.idx.add.s32.msk vm1, v29;
	v17 =	vshrl.u32 v17, $0x15;
	_, v23, vm0 =	vpop (xrf1)  }
0x7b: {  	v29 =	vandn.u32 $0x7FE00000, v18;
	v11 =	vshrl.u32 v11, $0x15;
	v16 =	vshrl.u32 v26, $0x15;
	(xrf1) =	vunique.msk.u32 $0xffff, v17;
	_, v36, vm4 =	vpop (xrf1)  }
0x7c: {  	v22 =	vld [tilespmem:s31+$0xFFFFFFE0];
	v26 =	vandn.u32 $0x7FE00000, v14;
	v63 =	vadd.s32 v3, v19;
	v19 =	vshrl.u32 v24, $0x15;
	(xrf1) =	vunique.msk.u32 $0xffff, v16  }
0x7d: {  	vm6 =	vlt.s32 v21, $0x0;
	[tilespmem:v27+s11+$0x0] =	vst.idx.add.s32.msk vm5, v32;
	v27 =	vsel vm8, v28, v34;
	(xrf1) =	vunique.msk.u32 $0xffff, v19  }
0x7e: {  	v28 =	vandn.u32 $0x7FE00000, v21;
	vm5 =	vlt.s32 v18, $0x0;
	v24 =	vadd.s32 v3, v36;
	[tilespmem:v30+s11+$0x0] =	vst.idx.add.s32.msk vm7, v35  }
0x7f: {  	s19 =	simm.s32 $0x10;
	s20 =	simm.s32 $0x1C0;
	vm3 =	vlt.s32 v15, $0x0;
	v25 =	vandn.u32 $0x7FE00000, v15;
	vm1 =	vlt.s32 v20, $0x0;
	[tilespmem:v31+s11+$0x0] =	vst.idx.add.s32.msk vm9, v63  }
.LBB2_7:
0x80: {  	v30 =	vld [tilespmem:s20+$0xFFFFFFF0];
	s19 =	sadd.s32 $0x8, s19;
	v32 =	vsel vm6, v21, v28;
	v18 =	vsel vm5, v18, v29;
	_, v28, vm7 =	vpop (xrf1)  }
0x81: {  	v34 =	vadd.s32 v3, v23;
	p0 =	slt.u32 s19, $0x7F8;
	v29 =	vshrl.u32 v32, $0x15;
	v31 =	vshrl.u32 v18, $0x15;
	_, v21, vm5 =	vpop (xrf1);
	[tilespmem:v9+s11+$0x0] =	vst.idx.add.s32.msk vm4, v24  }
0x82: {  	v27 =	vshrl.u32 v27, $0x15;
	v18 =	vsel vm2, v14, v26;
	(xrf1) =	vunique.msk.u32 $0xffff, v31;
	_, v23, vm2 =	vpop (xrf1);
	[tilespmem:v7+s11+$0x0] =	vst.idx.add.s32.msk vm0, v34  }
0x83: {  	v33 =	vmov v17;
	v9 =	vmov v19;
	v7 =	vmov v16;
	v32 =	vld [tilespmem:s20+$0xFFFFFFC0];
	(xrf1) =	vunique.msk.u32 $0xffff, v29;
	_, v24, vm6 =	vpop (xrf1)  }
0x84: {  	v34 =	vshrl.u32 v18, $0x15;
	v16 =	vadd.s32 v3, v28;
	v14 =	vld [tilespmem:s20+$0x10];
	(xrf1) =	vunique.msk.u32 $0xffff, v27  }
0x85: {  	v17 =	vandn.u32 $0x7FE00000, v22;
	vm0 =	vlt.s32 v22, $0x0;
	v28 =	vadd.s32 v3, v21;
	v18 =	vld [tilespmem:s20+$0x30];
	(xrf1) =	vunique.msk.u32 $0xffff, v34  }
0x86: {  	v19 =	vandn.u32 $0x7FE00000, v20;
	v17 =	vsel vm0, v22, v17;
	v22 =	vadd.s32 v3, v23;
	v21 =	vld [tilespmem:s20+$0x0]  }
0x87: {  	v35 =	vadd.s32 v3, v24;
	vm0 =	vlt.s32 v30, $0x0;
	v26 =	vandn.u32 $0x7FE00000, v30;
	[tilespmem:v10+s11+$0x0] =	vst.idx.add.s32.msk vm7, v16;
	_, v10, vm7 =	vpop (xrf1)  }
0x88: {  	vm9 =	vlt.s32 v32, $0x0;
	v36 =	vandn.u32 $0x7FE00000, v32;
	[tilespmem:v13+s11+$0x0] =	vst.idx.add.s32.msk vm2, v22;
	v37 =	vadd.s32 v3, v10;
	v10 =	vmovc v31  }
0x89: {  	v13 =	vsel vm0, v30, v26;
	v22 =	vsel vm3, v15, v25;
	vm2 =	vlt.s32 v14, $0x0;
	v15 =	vld [tilespmem:s20+$0x20];
	(xrf1) =	vunique.msk.u32 $0xffff, v11;
	_, v24, vm8 =	vpop (xrf1)  }
0x8a: {  	v16 =	vshrl.u32 v17, $0x15;
	v31 =	vshrl.u32 v13, $0x15;
	v17 =	vshrl.u32 v22, $0x15;
	v30 =	vld [tilespmem:s20+$0xFFFFFFD0];
	_, v23, vm0 =	vpop (xrf1)  }
.Ltmp6:
0x8b: {  	v25 =	vsel vm1, v20, v19;
	v26 =	vandn.u32 $0x7FE00000, v14;
	v20 =	vadd.s32 v3, v24;
	v22 =	vld [tilespmem:s20+$0xFFFFFFE0];
	(xrf1) =	vunique.msk.u32 $0xffff, v17;
	_, v24, vm4 =	vpop (xrf1);
	(pc) =	sbr.rel @p0 .LBB2_7-.Ltmp6, $4  }
0x8c: {  	v19 =	vshrl.u32 v25, $0x15;
	v13 =	vmovc v27;
	(xrf1) =	vunique.msk.u32 $0xffff, v16;
	v24 =	vadd.s32 v3, v24;
	[tilespmem:v12+s11+$0x0] =	vst.idx.add.s32.msk vm6, v35  }
0x8d: {  	v27 =	vsel vm9, v32, v36;
	vm6 =	vlt.s32 v21, $0x0;
	(xrf1) =	vunique.msk.u32 $0xffff, v19;
	[tilespmem:v8+s11+$0x0] =	vst.idx.add.s32.msk vm5, v28;
	v8 =	vmovc v29  }
0x8e: {  	v12 =	vmovc v34;
	v28 =	vandn.u32 $0x7FE00000, v21;
	v29 =	vandn.u32 $0x7FE00000, v18;
	vm3 =	vlt.s32 v15, $0x0;
	[tilespmem:v6+s11+$0x0] =	vst.idx.add.s32.msk vm7, v37;
	v6 =	vmovc v11  }
0x8f: {  	s20 =	sadd.s32 $0x80, s20;
	vm5 =	vlt.s32 v18, $0x0;
	v25 =	vandn.u32 $0x7FE00000, v15;
	v11 =	vmovc v31;
	vm1 =	vlt.s32 v30, $0x0;
	[tilespmem:v33+s11+$0x0] =	vst.idx.add.s32.msk vm8, v20;
	v20 =	vmovc v30  }
0x90: {  	v18 =	vsel vm5, v18, v29  }
0x91: {  	v21 =	vsel vm6, v21, v28;
	v18 =	vshrl.u32 v18, $0x15  }
0x92: {  	v21 =	vshrl.u32 v21, $0x15;
	(xrf1) =	vunique.msk.u32 $0xffff, v18  }
0x93: {  	v27 =	vshrl.u32 v27, $0x15;
	v14 =	vsel vm2, v14, v26;
	(xrf1) =	vunique.msk.u32 $0xffff, v21  }
0x94: {  	v14 =	vshrl.u32 v14, $0x15;
	(xrf1) =	vunique.msk.u32 $0xffff, v27  }
0x95: {  	vm8 =	vlt.s32 v22, $0x0;
	v51 =	vandn.u32 $0x7FE00000, v22;
	v15 =	vsel vm3, v15, v25;
	(xrf1) =	vunique.msk.u32 $0xffff, v14  }
0x96: {  	v52 =	vandn.u32 $0x7FE00000, v20;
	v22 =	vsel vm8, v22, v51;
	v15 =	vshrl.u32 v15, $0x15;
	(xrf1) =	vunique.msk.u32 $0xffff, v11  }
0x97: {  	v20 =	vsel vm1, v20, v52;
	_, v25, vm1 =	vpop (xrf1);
	v22 =	vshrl.u32 v22, $0x15;
	(xrf1) =	vunique.msk.u32 $0xffff, v15  }
0x98: {  	v20 =	vshrl.u32 v20, $0x15;
	_, v26, vm2 =	vpop (xrf1);
	(xrf1) =	vunique.msk.u32 $0xffff, v22  }
0x99: {  	_, v53, vm9 =	vpop (xrf1);
	(xrf1) =	vunique.msk.u32 $0xffff, v20  }
0x9a: {  	_, v29, vm5 =	vpop (xrf1)  }
0x9b: {  	_, v30, vm10 =	vpop (xrf1)  }
0x9c: {  	[tilespmem:v9+s11+$0x0] =	vst.idx.add.s32.msk vm4, v24;
	v23 =	vadd.s32 v3, v23;
	_, v9, vm4 =	vpop (xrf1)  }
0x9d: {  	[tilespmem:v7+s11+$0x0] =	vst.idx.add.s32.msk vm0, v23;
	v54 =	vadd.s32 v3, v25;
	_, v7, vm0 =	vpop (xrf1)  }
0x9e: {  	v57 =	vadd.s32 v3, v26;
	[tilespmem:v10+s11+$0x0] =	vst.idx.add.s32.msk vm1, v54  }
0x9f: {  	v55 =	vadd.s32 v3, v53;
	[tilespmem:v8+s11+$0x0] =	vst.idx.add.s32.msk vm2, v57;
	_, v10, vm1 =	vpop (xrf1)  }
0xa0: {  	v56 =	vadd.s32 v3, v29;
	[tilespmem:v13+s11+$0x0] =	vst.idx.add.s32.msk vm9, v55;
	v9 =	vadd.s32 v3, v9;
	_, v13, vm3 =	vpop (xrf1)  }
0xa1: {  	v58 =	vadd.s32 v3, v30;
	[tilespmem:v12+s11+$0x0] =	vst.idx.add.s32.msk vm5, v56;
	v10 =	vadd.s32 v3, v10;
	_, v12, vm5 =	vpop (xrf1)  }
0xa2: {  	v7 =	vadd.s32 v3, v7;
	[tilespmem:v6+s11+$0x0] =	vst.idx.add.s32.msk vm10, v58;
	_, v8, vm2 =	vpop (xrf1)  }
0xa3: {  	[tilespmem:v16+s11+$0x0] =	vst.idx.add.s32.msk vm0, v7;
	v7 =	vadd.s32 v3, v13;
	_, v6, vm6 =	vpop (xrf1)  }
0xa4: {  	[tilespmem:v17+s11+$0x0] =	vst.idx.add.s32.msk vm4, v9;
	_, v9, vm4 =	vpop (xrf1)  }
0xa5: {  	[tilespmem:v19+s11+$0x0] =	vst.idx.add.s32.msk vm1, v10;
	_, v10, vm1 =	vpop (xrf1)  }
0xa6: {  	_, v59, vm11 =	vpop (xrf1)  }
0xa7: {  	v8 =	vadd.s32 v3, v8;
	[tilespmem:v18+s11+$0x0] =	vst.idx.add.s32.msk vm3, v7;
	_, v7, vm3 =	vpop (xrf1)  }
0xa8: {  	v6 =	vadd.s32 v3, v6;
	[tilespmem:v27+s11+$0x0] =	vst.idx.add.s32.msk vm2, v8  }
0xa9: {  	v8 =	vadd.s32 v3, v12;
	[tilespmem:v14+s11+$0x0] =	vst.idx.add.s32.msk vm6, v6  }
0xaa: {  	v6 =	vadd.s32 v3, v9;
	[tilespmem:v21+s11+$0x0] =	vst.idx.add.s32.msk vm5, v8  }
0xab: {  	v8 =	vadd.s32 v3, v10;
	[tilespmem:v11+s11+$0x0] =	vst.idx.add.s32.msk vm4, v6  }
0xac: {  	v6 =	vadd.s32 v3, v7;
	[tilespmem:v15+s11+$0x0] =	vst.idx.add.s32.msk vm1, v8  }
0xad: {  	[tilespmem:v20+s11+$0x0] =	vst.idx.add.s32.msk vm3, v6;
	v6 =	vadd.s32 v3, v59  }
0xae: {  	s0 =	simm.s32 $0x8020;
	[tilespmem:v22+s11+$0x0] =	vst.idx.add.s32.msk vm11, v6  }
0xaf: {  	v6 =	vld [tilespmem:s0+$0xFFFFFFE0];
	_ =	sdelay $0x4  }
0xb0: {  	(xrf0) =	vadd.scan.msk.s32 $0xffff, v6;
	_ =	sdelay $0x5  }
0xb1: {  	s19 =	simm.s32 $0x0;
	v6, _, _ =	vpop (xrf0)  }
0xb2: {  	v6 =	vadd.s32 s19, v6  }
0xb3: {  	v7 =	vxor.u32 $0x80000000, v6  }
0xb4: {  	(xrf0) =	vmax.scan.msk.u32 $0xffff, v7;
	_ =	sdelay $0x5  }
0xb5: {  	v7, _, _ =	vpop (xrf0)  }
0xb6: {  	(v2sf) =	vpush v7, $0xF;
	_ =	sdelay $0x4  }
0xb7: {  	v7 =	vld [tilespmem:s0+$0xFFFFFFF0];
	_ =	sdelay $0x4  }
0xb8: {  	(xrf0) =	vadd.scan.msk.s32 $0xffff, v7;
	_ =	sdelay $0x4  }
0xb9: {  	s20 =	spop (v2sf)  }
0xba: {  	v7, _, _ =	vpop (xrf0);
	s20 =	sxor.u32 $0x80000000, s20  }
0xbb: {  	v7 =	vadd.s32 s20, v7  }
0xbc: {  	v8 =	vxor.u32 $0x80000000, v7  }
0xbd: {  	(xrf0) =	vmax.scan.msk.u32 $0xffff, v8;
	_ =	sdelay $0x5  }
0xbe: {  	v8, _, _ =	vpop (xrf0)  }
0xbf: {  	(v2sf) =	vpush v8, $0xF;
	_ =	sdelay $0x4  }
0xc0: {  	v8 =	vld [tilespmem:s0+$0x0];
	_ =	sdelay $0x4  }
0xc1: {  	(xrf0) =	vadd.scan.msk.s32 $0xffff, v8;
	_ =	sdelay $0x4  }
0xc2: {  	s26 =	spop (v2sf)  }
0xc3: {  	v8, _, _ =	vpop (xrf0);
	s20 =	sxor.u32 $0x80000000, s26  }
0xc4: {  	v8 =	vadd.s32 s20, v8  }
0xc5: {  	v60 =	vxor.u32 $0x80000000, v8  }
0xc6: {  	(xrf0) =	vmax.scan.msk.u32 $0xffff, v60;
	_ =	sdelay $0x5  }
0xc7: {  	v9, _, _ =	vpop (xrf0)  }
0xc8: {  	(v2sf) =	vpush v9, $0xF;
	_ =	sdelay $0x4  }
0xc9: {  	v61 =	vld [tilespmem:s0+$0x10];
	_ =	sdelay $0x4  }
0xca: {  	(xrf0) =	vadd.scan.msk.s32 $0xffff, v61;
	_ =	sdelay $0x4  }
0xcb: {  	s28 =	spop (v2sf)  }
0xcc: {  	v9, _, _ =	vpop (xrf0);
	s0 =	sxor.u32 $0x80000000, s28  }
0xcd: {  	vm12 =	vgt.s32 v6, $0x3FF;
	v6 =	vor.u32 s19, v1;
	v9 =	vadd.s32 s0, v9  }
0xce: {  	v62 =	vimm.s32 $0x100000;
	s29 =	simm.s32 $0x10;
	v6 =	vnsel vm12, $0x100000, v6;
	v63 =	vxor.u32 $0x80000000, v9  }
0xcf: {  	vm0 =	vlt.s32 v62, v6;
	vm13 =	vgt.s32 v7, $0x3FF;
	v7 =	vor.u32 s29, v1;
	(xrf0) =	vmax.scan.msk.u32 $0xffff, v63  }
0xd0: {  	s30 =	simm.s32 $0x20;
	v6 =	vsel vm0, v62, v6;
	v7 =	vnsel vm13, $0x100000, v7  }
0xd1: {  	s31 =	simm.s32 $0x30;
	vm0 =	vlt.s32 v6, v7;
	vm14 =	vgt.s32 v8, $0x3FF;
	v8 =	vor.u32 s30, v1  }
0xd2: {  	v6 =	vsel vm0, v6, v7;
	v7 =	vnsel vm14, $0x100000, v8;
	v8 =	vor.u32 s31, v1;
	_ =	sdelay $0x1  }
0xd3: {  	vm0 =	vlt.s32 v6, v7;
	vm15 =	vgt.s32 v9, $0x3FF  }
0xd4: {  	p0 =	por $0x1, $0x1;
	v6 =	vsel vm0, v6, v7;
	v7 =	vnsel vm15, $0x100000, v8;
	v8, _, _ =	vpop (xrf0)  }
.Ltmp7:
0xd5: {  	(v2sf) =	vpush v8, $0xF;
	(pc) =	sbr.rel @!p0 .LBB2_10-.Ltmp7, $3  }
0xd6: {  	_ =	sdelay $0x1  }
0xd7: {  	vm0 =	vlt.s32 v6, v7  }
0xd8: {  	s22 =	simm.s32 $0x8060;
	s20 =	simm.s32 $0x0;
	v6 =	vsel vm0, v6, v7  }
.LBB2_9:
0xd9: {  	v7 =	vld [tilespmem:s22+$0xFFFFFFE0];
	s20 =	sadd.s32 $0x4, s20  }
0xda: {  	p0 =	slt.u32 s20, $0x7C;
	_ =	sdelay $0x3  }
0xdb: {  	(xrf0) =	vadd.scan.msk.s32 $0xffff, v7;
	_ =	sdelay $0x4  }
0xdc: {  	s0 =	spop (v2sf)  }
0xdd: {  	v7, _, _ =	vpop (xrf0);
	s0 =	sxor.u32 $0x80000000, s0  }
0xde: {  	s19 =	sadd.s32 $0x40, s19;
	v7 =	vadd.s32 s0, v7  }
0xdf: {  	v8 =	vor.u32 s19, v1;
	vm0 =	vgt.s32 v7, $0x3FF;
	v7 =	vxor.u32 $0x80000000, v7  }
0xe0: {  	v8 =	vnsel vm0, $0x100000, v8;
	(xrf0) =	vmax.scan.msk.u32 $0xffff, v7  }
0xe1: {  	vm0 =	vlt.s32 v6, v8  }
0xe2: {  	v6 =	vsel vm0, v6, v8;
	_ =	sdelay $0x3  }
0xe3: {  	v7, _, _ =	vpop (xrf0)  }
0xe4: {  	(v2sf) =	vpush v7, $0xF;
	_ =	sdelay $0x4  }
0xe5: {  	v7 =	vld [tilespmem:s22+$0xFFFFFFF0];
	_ =	sdelay $0x4  }
0xe6: {  	(xrf0) =	vadd.scan.msk.s32 $0xffff, v7;
	_ =	sdelay $0x4  }
0xe7: {  	s0 =	spop (v2sf)  }
0xe8: {  	s0 =	sxor.u32 $0x80000000, s0;
	v7, _, _ =	vpop (xrf0)  }
0xe9: {  	s23 =	sadd.s32 $0x10, s19;
	v7 =	vadd.s32 s0, v7  }
0xea: {  	v8 =	vor.u32 s23, v1;
	vm0 =	vgt.s32 v7, $0x3FF;
	v7 =	vxor.u32 $0x80000000, v7  }
0xeb: {  	v8 =	vnsel vm0, $0x100000, v8;
	(xrf0) =	vmax.scan.msk.u32 $0xffff, v7  }
0xec: {  	vm0 =	vlt.s32 v6, v8  }
0xed: {  	v6 =	vsel vm0, v6, v8;
	_ =	sdelay $0x3  }
0xee: {  	v7, _, _ =	vpop (xrf0)  }
0xef: {  	(v2sf) =	vpush v7, $0xF;
	_ =	sdelay $0x4  }
0xf0: {  	v7 =	vld [tilespmem:s22+$0x0];
	_ =	sdelay $0x4  }
0xf1: {  	(xrf0) =	vadd.scan.msk.s32 $0xffff, v7;
	_ =	sdelay $0x4  }
0xf2: {  	s0 =	spop (v2sf)  }
0xf3: {  	s0 =	sxor.u32 $0x80000000, s0;
	v7, _, _ =	vpop (xrf0)  }
0xf4: {  	s23 =	sadd.s32 $0x20, s19;
	v7 =	vadd.s32 s0, v7  }
0xf5: {  	v8 =	vor.u32 s23, v1;
	vm0 =	vgt.s32 v7, $0x3FF;
	v7 =	vxor.u32 $0x80000000, v7  }
0xf6: {  	v8 =	vnsel vm0, $0x100000, v8;
	(xrf0) =	vmax.scan.msk.u32 $0xffff, v7  }
0xf7: {  	vm0 =	vlt.s32 v6, v8  }
0xf8: {  	v6 =	vsel vm0, v6, v8;
	_ =	sdelay $0x3  }
0xf9: {  	v7, _, _ =	vpop (xrf0)  }
0xfa: {  	(v2sf) =	vpush v7, $0xF;
	_ =	sdelay $0x4  }
0xfb: {  	v7 =	vld [tilespmem:s22+$0x10];
	_ =	sdelay $0x4  }
0xfc: {  	(xrf0) =	vadd.scan.msk.s32 $0xffff, v7;
	_ =	sdelay $0x4  }
0xfd: {  	s0 =	spop (v2sf)  }
0xfe: {  	s0 =	sxor.u32 $0x80000000, s0;
	v7, _, _ =	vpop (xrf0)  }
0xff: {  	s23 =	sadd.s32 $0x30, s19;
	v7 =	vadd.s32 s0, v7  }
0x100: {  	v8 =	vor.u32 s23, v1;
	vm0 =	vgt.s32 v7, $0x3FF;
	v7 =	vxor.u32 $0x80000000, v7  }
0x101: {  	v8 =	vnsel vm0, $0x100000, v8;
	(xrf0) =	vmax.scan.msk.u32 $0xffff, v7  }
0x102: {  	vm0 =	vlt.s32 v6, v8  }
0x103: {  	v6 =	vsel vm0, v6, v8;
	_ =	sdelay $0x3  }
0x104: {  	v7, _, _ =	vpop (xrf0)  }
.Ltmp8:
0x105: {  	(v2sf) =	vpush v7, $0xF;
	(pc) =	sbr.rel @p0 .LBB2_9-.Ltmp8, $2  }
0x106: {  	_ =	sdelay $0x2  }
0x107: {  	s22 =	sadd.s32 $0x40, s22  }
.LBB2_10:
0x108: {  	v6 =	vxor.u32 $0x80000000, v6  }
0x109: {  	(xrf0) =	vmin.scan.msk.u32 $0xffff, v6;
	_ =	sdelay $0x5  }
0x10a: {  	v6, _, _ =	vpop (xrf0)  }
0x10b: {  	(v2sf) =	vpush v6, $0xF;
	_ =	sdelay $0x8  }
0x10c: {  	s19 =	simm.s32 $0x80  }
0x10d: {  	v6 =	vld [tilespmem:s19+$0xFFFFFF80];
	_ =	sdelay $0x3  }
0x10e: {  	v7 =	vld [tilespmem:s19+$0xFFFFFF90];
	s0 =	spop (v2sf)  }
0x10f: {  	vm0 =	vlt.s32 v6, $0x0;
	v8 =	vandn.u32 $0x7FFFFFFF, v6;
	s0 =	spop (v2sf)  }
0x110: {  	v8 =	vsel vm0, v6, v8;
	s0 =	sxor.u32 $0x80000000, s0  }
0x111: {  	v9 =	vimm.s32 $0x0;
	v10 =	vshrl.u32 v8, $0x15;
	v6 =	vmov s0  }
0x112: {  	vm1 =	vlt.s32 v9, $0x100;
	vm0 =	vle.s32 v10, v6;
	v10 =	vld [tilespmem:s19+$0xFFFFFFA0]  }
0x113: {  	v11 =	vandn.u32 $0x7FFFFFFF, v7;
	vm2 =	vmand vm1, vm0;
	vm0 =	vlt.s32 v7, $0x0  }
0x114: {  	v12 =	vsel vm2, $0x1, v0;
	v7 =	vsel vm0, v7, v11  }
0x115: {  	v11 =	vadd.s32 v12, v9;
	v12 =	vshrl.u32 v7, $0x15  }
0x116: {  	vm0 =	vle.s32 v12, v6;
	vm1 =	vlt.s32 v11, $0x100;
	v12 =	vld [tilespmem:s19+$0xFFFFFFB0]  }
0x117: {  	s2 =	simm.s32 $0x0;
	v46 =	vld [tilespmem:s19+$0xFFFFFFD0];
	vm3 =	vmand vm0, vm1;
	vm0 =	vlt.s32 v10, $0x0;
	v13 =	vandn.u32 $0x7FFFFFFF, v10  }
0x118: {  	s4 =	simm.s32 $0x10;
	v50 =	vor.u32 s2, v1;
	v14 =	vsel vm3, $0x1, v0;
	v10 =	vsel vm0, v10, v13  }
0x119: {  	s20 =	simm.s32 $0x20;
	v49 =	vld [tilespmem:s19+$0xFFFFFFE0];
	v52 =	vor.u32 s4, v1;
	v13 =	vadd.s32 v14, v11;
	v14 =	vshrl.u32 v10, $0x15  }
0x11a: {  	v54 =	vor.u32 s20, v1;
	vm0 =	vle.s32 v14, v6;
	vm1 =	vlt.s32 v13, $0x100;
	v14 =	vld [tilespmem:s19+$0xFFFFFFC0]  }
0x11b: {  	vm0 =	vmand vm0, vm1;
	vm1 =	vlt.s32 v12, $0x0;
	v15 =	vandn.u32 $0x7FFFFFFF, v12  }
0x11c: {  	vm10 =	vlt.s32 v46, $0x0;
	v16 =	vsel vm0, $0x1, v0;
	v12 =	vsel vm1, v12, v15  }
0x11d: {  	v19 =	vandn.u32 $0x7FFFFFFF, v46;
	v15 =	vadd.s32 v16, v13;
	v45 =	vshrl.u32 v12, $0x15  }
0x11e: {  	v51 =	vld [tilespmem:s19+$0xFFFFFFF0];
	vm12 =	vlt.s32 v49, $0x0;
	vm1 =	vle.s32 v45, v6;
	vm4 =	vlt.s32 v15, $0x100  }
0x11f: {  	v53 =	vld [tilespmem:s19+$0x0];
	vm1 =	vmand vm1, vm4;
	vm8 =	vlt.s32 v14, $0x0;
	v17 =	vandn.u32 $0x7FFFFFFF, v14  }
0x120: {  	v22 =	vandn.u32 $0x7FFFFFFF, v49;
	v18 =	vsel vm1, $0x1, v0;
	v14 =	vsel vm8, v14, v17  }
0x121: {  	v9 =	vshll.u32 v9, $0x4;
	v47 =	vadd.s32 v18, v15;
	v48 =	vshrl.u32 v14, $0x15  }
0x122: {  	v55 =	vld [tilespmem:s19+$0x10];
	v9 =	vor.u32 v1, v9;
	vm9 =	vle.s32 v48, v6;
	vm5 =	vlt.s32 v47, $0x100  }
0x123: {  	vm14 =	vlt.s32 v51, $0x0;
	v25 =	vandn.u32 $0x7FFFFFFF, v51;
	vm4 =	vmand vm9, vm5  }
0x124: {  	v28 =	vandn.u32 $0x7FFFFFFF, v53;
	v16 =	vsel vm10, v46, v19;
	v20 =	vsel vm4, $0x1, v0  }
0x125: {  	v11 =	vshll.u32 v11, $0x4;
	v21 =	vshrl.u32 v16, $0x15;
	v20 =	vadd.s32 v20, v47  }
0x126: {  	s22 =	simm.s32 $0x30;
	v11 =	vor.u32 v1, v11;
	vm11 =	vle.s32 v21, v6;
	vm6 =	vlt.s32 v20, $0x100  }
0x127: {  	v57 =	vandn.u32 $0x7FFFFFFF, v55;
	[tilespmem:v9+s12+$0x0] =	vst.idx.msk vm2, v8;
	v8 =	vor.u32 s22, v1;
	vm5 =	vmand vm11, vm6  }
0x128: {  	v13 =	vshll.u32 v13, $0x4;
	v18 =	vsel vm12, v49, v22;
	v23 =	vsel vm5, $0x1, v0  }
0x129: {  	v13 =	vor.u32 v1, v13;
	v24 =	vshrl.u32 v18, $0x15;
	v23 =	vadd.s32 v23, v20  }
0x12a: {  	v21 =	vsel vm14, v51, v25;
	vm13 =	vle.s32 v24, v6;
	vm7 =	vlt.s32 v23, $0x100  }
0x12b: {  	s23 =	simm.s32 $0x40;
	[tilespmem:v11+s12+$0x0] =	vst.idx.msk vm3, v7;
	vm14 =	vlt.s32 v55, $0x0;
	v27 =	vshrl.u32 v21, $0x15;
	vm6 =	vmand vm13, vm7  }
0x12c: {  	[tilespmem:v11+s13+$0x0] =	vst.idx.msk vm3, v52;
	v11 =	vor.u32 s23, v1;
	v19 =	vsel vm14, v55, v57;
	v26 =	vsel vm6, $0x1, v0  }
0x12d: {  	v15 =	vshll.u32 v15, $0x4;
	vm15 =	vle.s32 v27, v6;
	v26 =	vadd.s32 v26, v23  }
0x12e: {  	v60 =	vld [tilespmem:s19+$0x30];
	vm12 =	vlt.s32 v53, $0x0;
	v15 =	vor.u32 v1, v15;
	vm8 =	vlt.s32 v26, $0x100  }
0x12f: {  	v7 =	vld [tilespmem:s19+$0x20];
	v59 =	vshrl.u32 v19, $0x15;
	v17 =	vshll.u32 v47, $0x4;
	vm7 =	vmand vm15, vm8  }
0x130: {  	[tilespmem:v9+s13+$0x0] =	vst.idx.msk vm2, v50;
	v17 =	vor.u32 v1, v17;
	v24 =	vsel vm12, v53, v28;
	v56 =	vsel vm7, $0x1, v0  }
0x131: {  	vm3 =	vle.s32 v59, v6;
	[tilespmem:v13+s12+$0x0] =	vst.idx.msk vm0, v10;
	v29 =	vshrl.u32 v24, $0x15;
	v28 =	vadd.s32 v56, v26  }
0x132: {  	s24 =	simm.s32 $0x50;
	[tilespmem:v13+s13+$0x0] =	vst.idx.msk vm0, v54;
	vm2 =	vle.s32 v29, v6;
	v9 =	vshll.u32 v20, $0x4;
	vm13 =	vlt.s32 v28, $0x100  }
0x133: {  	v13 =	vor.u32 s24, v1;
	v9 =	vor.u32 v1, v9;
	[tilespmem:v15+s12+$0x0] =	vst.idx.msk vm1, v12;
	vm2 =	vmand vm2, vm13  }
0x134: {  	s25 =	simm.s32 $0x60;
	v12 =	vandn.u32 $0x7FFFFFFF, v7;
	[tilespmem:v15+s13+$0x0] =	vst.idx.msk vm1, v8;
	vm1 =	vlt.s32 v60, $0x0;
	v58 =	vsel vm2, $0x1, v0  }
0x135: {  	[tilespmem:v17+s12+$0x0] =	vst.idx.msk vm4, v14;
	v14 =	vor.u32 s25, v1;
	v10 =	vshll.u32 v23, $0x4;
	v20 =	vadd.s32 v58, v28  }
0x136: {  	[tilespmem:v17+s13+$0x0] =	vst.idx.msk vm4, v11;
	v11 =	vandn.u32 $0x7FFFFFFF, v60;
	v10 =	vor.u32 v1, v10;
	vm0 =	vlt.s32 v20, $0x100  }
0x137: {  	v62 =	vsel vm1, v60, v11;
	vm3 =	vmand vm3, vm0;
	vm0 =	vlt.s32 v7, $0x0  }
0x138: {  	v61 =	vshll.u32 v26, $0x4;
	v12 =	vsel vm0, v7, v12;
	v7 =	vsel vm3, $0x1, v0  }
0x139: {  	[tilespmem:v9+s12+$0x0] =	vst.idx.msk vm5, v16;
	v8 =	vor.u32 v1, v61;
	v7 =	vadd.s32 v7, v20;
	v15 =	vshrl.u32 v12, $0x15  }
0x13a: {  	v11 =	vld [tilespmem:s19+$0x40];
	[tilespmem:v9+s13+$0x0] =	vst.idx.msk vm5, v13;
	vm0 =	vle.s32 v15, v6;
	v15 =	vshll.u32 v28, $0x4;
	vm1 =	vlt.s32 v7, $0x100  }
0x13b: {  	s26 =	simm.s32 $0x70;
	v13 =	vshrl.u32 v62, $0x15;
	[tilespmem:v10+s12+$0x0] =	vst.idx.msk vm6, v18;
	v9 =	vor.u32 v1, v15;
	vm15 =	vmand vm0, vm1  }
0x13c: {  	[tilespmem:v10+s13+$0x0] =	vst.idx.msk vm6, v14;
	v14 =	vor.u32 s26, v1;
	vm0 =	vle.s32 v13, v6;
	v13 =	vsel vm15, $0x1, v0  }
0x13d: {  	v15 =	vshll.u32 v20, $0x4;
	v13 =	vadd.s32 v13, v7;
	v7 =	vshll.u32 v7, $0x4  }
0x13e: {  	[tilespmem:v8+s12+$0x0] =	vst.idx.msk vm7, v21;
	v10 =	vor.u32 v1, v15;
	v15 =	vor.u32 v1, v7;
	vm1 =	vlt.s32 v13, $0x100  }
0x13f: {  	s28 =	simm.s32 $0x80;
	[tilespmem:v8+s13+$0x0] =	vst.idx.msk vm7, v14;
	v8 =	vld [tilespmem:s19+$0x50];
	v7 =	vandn.u32 $0x7FFFFFFF, v11;
	vm0 =	vmand vm0, vm1;
	vm1 =	vlt.s32 v11, $0x0  }
0x140: {  	v14 =	vshll.u32 v13, $0x4;
	v7 =	vsel vm1, v11, v7;
	[tilespmem:v9+s12+$0x0] =	vst.idx.msk vm2, v24;
	v11 =	vor.u32 s28, v1  }
0x141: {  	[tilespmem:v9+s13+$0x0] =	vst.idx.msk vm2, v11;
	v9 =	vor.u32 v1, v14;
	v14 =	vsel vm0, $0x1, v0  }
0x142: {  	s29 =	simm.s32 $0x90;
	v14 =	vadd.s32 v14, v13;
	v13 =	vshrl.u32 v7, $0x15  }
0x143: {  	v11 =	vor.u32 s29, v1;
	[tilespmem:v10+s12+$0x0] =	vst.idx.msk vm3, v19;
	vm1 =	vle.s32 v13, v6;
	vm2 =	vlt.s32 v14, $0x100  }
0x144: {  	[tilespmem:v10+s13+$0x0] =	vst.idx.msk vm3, v11;
	v11 =	vandn.u32 $0x7FFFFFFF, v8;
	vm1 =	vmand vm1, vm2;
	vm2 =	vlt.s32 v8, $0x0  }
0x145: {  	s30 =	simm.s32 $0xA0;
	v8 =	vsel vm2, v8, v11;
	v11 =	vld [tilespmem:s19+$0x60]  }
0x146: {  	v63 =	vor.u32 s30, v1;
	v10 =	vshll.u32 v14, $0x4;
	[tilespmem:v15+s12+$0x0] =	vst.idx.msk vm15, v12  }
0x147: {  	s31 =	simm.s32 $0xB0;
	[tilespmem:v15+s13+$0x0] =	vst.idx.msk vm15, v63;
	v10 =	vor.u32 v1, v10;
	v12 =	vsel vm1, $0x1, v0  }
0x148: {  	s20 =	simm.s32 $0xF0;
	s22 =	simm.s32 $0x0;
	v13 =	vor.u32 s31, v1;
	[tilespmem:v9+s12+$0x0] =	vst.idx.msk vm0, v62;
	v12 =	vadd.s32 v12, v14;
	v14 =	vshrl.u32 v8, $0x15  }
.LBB2_11:
0x149: {  	s22 =	sadd.s32 $0x10, s22;
	[tilespmem:v9+s13+$0x0] =	vst.idx.msk vm0, v13;
	vm0 =	vle.s32 v14, v6;
	vm2 =	vlt.s32 v12, $0x100;
	v9 =	vshll.u32 v12, $0x4;
	v13 =	vld [tilespmem:s19+$0x70]  }
0x14a: {  	p0 =	slt.u32 s22, $0x7F0;
	vm2 =	vmand vm0, vm2;
	vm0 =	vlt.s32 v11, $0x0;
	v14 =	vandn.u32 $0x7FFFFFFF, v11  }
0x14b: {  	s0 =	sadd.s32 $0xFFFFFFD0, s20;
	v9 =	vor.u32 v1, v9;
	v15 =	vsel vm2, $0x1, v0;
	v11 =	vsel vm0, v11, v14  }
0x14c: {  	s19 =	sadd.s32 $0x100, s19;
	[tilespmem:v10+s12+$0x0] =	vst.idx.msk vm1, v7;
	v7 =	vor.u32 s0, v1;
	v12 =	vadd.s32 v15, v12;
	v14 =	vshrl.u32 v11, $0x15  }
0x14d: {  	v15 =	vld [tilespmem:s19+$0xFFFFFF80];
	[tilespmem:v10+s13+$0x0] =	vst.idx.msk vm1, v7;
	vm0 =	vle.s32 v14, v6;
	vm1 =	vlt.s32 v12, $0x100;
	v7 =	vshll.u32 v12, $0x4  }
0x14e: {  	vm0 =	vmand vm0, vm1;
	vm1 =	vlt.s32 v13, $0x0;
	v10 =	vandn.u32 $0x7FFFFFFF, v13  }
0x14f: {  	s0 =	sadd.s32 $0xFFFFFFE0, s20;
	v7 =	vor.u32 v1, v7;
	v14 =	vsel vm0, $0x1, v0;
	v10 =	vsel vm1, v13, v10  }
0x150: {  	[tilespmem:v9+s12+$0x0] =	vst.idx.msk vm2, v8;
	v8 =	vor.u32 s0, v1;
	v12 =	vadd.s32 v14, v12;
	v13 =	vshrl.u32 v10, $0x15  }
0x151: {  	v14 =	vld [tilespmem:s19+$0xFFFFFF90];
	[tilespmem:v9+s13+$0x0] =	vst.idx.msk vm2, v8;
	vm1 =	vle.s32 v13, v6;
	vm2 =	vlt.s32 v12, $0x100;
	v8 =	vshll.u32 v12, $0x4  }
0x152: {  	vm3 =	vlt.s32 v15, $0x0;
	v9 =	vandn.u32 $0x7FFFFFFF, v15;
	vm1 =	vmand vm1, vm2  }
0x153: {  	s0 =	sadd.s32 $0xFFFFFFF0, s20;
	v8 =	vor.u32 v1, v8;
	v9 =	vsel vm3, v15, v9;
	v13 =	vsel vm1, $0x1, v0  }
0x154: {  	v15 =	vshrl.u32 v9, $0x15;
	[tilespmem:v7+s12+$0x0] =	vst.idx.msk vm0, v11;
	v11 =	vor.u32 s0, v1;
	v12 =	vadd.s32 v13, v12  }
0x155: {  	vm2 =	vle.s32 v15, v6;
	vm3 =	vlt.s32 v12, $0x100;
	v13 =	vshll.u32 v12, $0x4;
	v15 =	vld [tilespmem:s19+$0xFFFFFFA0];
	[tilespmem:v7+s13+$0x0] =	vst.idx.msk vm0, v11  }
0x156: {  	vm2 =	vmand vm3, vm2;
	vm0 =	vlt.s32 v14, $0x0;
	v7 =	vandn.u32 $0x7FFFFFFF, v14  }
0x157: {  	v11 =	vor.u32 v1, v13;
	v13 =	vsel vm2, $0x1, v0;
	v7 =	vsel vm0, v14, v7  }
0x158: {  	v12 =	vadd.s32 v13, v12;
	v13 =	vshrl.u32 v7, $0x15;
	[tilespmem:v8+s12+$0x0] =	vst.idx.msk vm1, v10;
	v10 =	vor.u32 s20, v1  }
0x159: {  	vm0 =	vle.s32 v13, v6;
	vm3 =	vlt.s32 v12, $0x100;
	v13 =	vshll.u32 v12, $0x4;
	v14 =	vld [tilespmem:s19+$0xFFFFFFB0];
	[tilespmem:v8+s13+$0x0] =	vst.idx.msk vm1, v10  }
0x15a: {  	s20 =	sadd.s32 $0x100, s20;
	vm0 =	vmand vm0, vm3;
	vm1 =	vlt.s32 v15, $0x0;
	v8 =	vandn.u32 $0x7FFFFFFF, v15  }
0x15b: {  	s0 =	sadd.s32 $0xFFFFFF10, s20;
	v10 =	vor.u32 v1, v13;
	v13 =	vsel vm0, $0x1, v0;
	v8 =	vsel vm1, v15, v8  }
0x15c: {  	[tilespmem:v11+s12+$0x0] =	vst.idx.msk vm2, v9;
	v9 =	vor.u32 s0, v1;
	v12 =	vadd.s32 v13, v12;
	v13 =	vshrl.u32 v8, $0x15  }
0x15d: {  	[tilespmem:v11+s13+$0x0] =	vst.idx.msk vm2, v9;
	vm1 =	vle.s32 v13, v6;
	vm2 =	vlt.s32 v12, $0x100;
	v9 =	vshll.u32 v12, $0x4;
	v11 =	vld [tilespmem:s19+$0xFFFFFFC0]  }
0x15e: {  	vm1 =	vmand vm1, vm2;
	vm2 =	vlt.s32 v14, $0x0;
	v13 =	vandn.u32 $0x7FFFFFFF, v14  }
0x15f: {  	s0 =	sadd.s32 $0xFFFFFF20, s20;
	v9 =	vor.u32 v1, v9;
	v15 =	vsel vm1, $0x1, v0;
	v13 =	vsel vm2, v14, v13  }
0x160: {  	[tilespmem:v10+s12+$0x0] =	vst.idx.msk vm0, v7;
	v7 =	vor.u32 s0, v1;
	v12 =	vadd.s32 v15, v12;
	v14 =	vshrl.u32 v13, $0x15  }
0x161: {  	[tilespmem:v10+s13+$0x0] =	vst.idx.msk vm0, v7;
	vm0 =	vle.s32 v14, v6;
	vm2 =	vlt.s32 v12, $0x100;
	v7 =	vshll.u32 v12, $0x4;
	v10 =	vld [tilespmem:s19+$0xFFFFFFD0]  }
0x162: {  	vm0 =	vmand vm0, vm2;
	vm2 =	vlt.s32 v11, $0x0;
	v14 =	vandn.u32 $0x7FFFFFFF, v11  }
0x163: {  	s0 =	sadd.s32 $0xFFFFFF30, s20;
	v7 =	vor.u32 v1, v7;
	v15 =	vsel vm0, $0x1, v0;
	v11 =	vsel vm2, v11, v14  }
0x164: {  	[tilespmem:v9+s12+$0x0] =	vst.idx.msk vm1, v8;
	v8 =	vor.u32 s0, v1;
	v12 =	vadd.s32 v15, v12;
	v14 =	vshrl.u32 v11, $0x15  }
0x165: {  	[tilespmem:v9+s13+$0x0] =	vst.idx.msk vm1, v8;
	vm1 =	vle.s32 v14, v6;
	vm2 =	vlt.s32 v12, $0x100;
	v8 =	vshll.u32 v12, $0x4;
	v9 =	vld [tilespmem:s19+$0xFFFFFFE0]  }
0x166: {  	vm1 =	vmand vm1, vm2;
	vm2 =	vlt.s32 v10, $0x0;
	v14 =	vandn.u32 $0x7FFFFFFF, v10  }
0x167: {  	s0 =	sadd.s32 $0xFFFFFF40, s20;
	v8 =	vor.u32 v1, v8;
	v15 =	vsel vm1, $0x1, v0;
	v10 =	vsel vm2, v10, v14  }
0x168: {  	[tilespmem:v7+s12+$0x0] =	vst.idx.msk vm0, v13;
	v13 =	vor.u32 s0, v1;
	v12 =	vadd.s32 v15, v12;
	v14 =	vshrl.u32 v10, $0x15  }
0x169: {  	[tilespmem:v7+s13+$0x0] =	vst.idx.msk vm0, v13;
	vm0 =	vle.s32 v14, v6;
	vm2 =	vlt.s32 v12, $0x100;
	v7 =	vshll.u32 v12, $0x4;
	v13 =	vld [tilespmem:s19+$0xFFFFFFF0]  }
0x16a: {  	vm0 =	vmand vm0, vm2;
	vm2 =	vlt.s32 v9, $0x0;
	v14 =	vandn.u32 $0x7FFFFFFF, v9  }
0x16b: {  	s0 =	sadd.s32 $0xFFFFFF50, s20;
	v7 =	vor.u32 v1, v7;
	v15 =	vsel vm0, $0x1, v0;
	v9 =	vsel vm2, v9, v14  }
0x16c: {  	[tilespmem:v8+s12+$0x0] =	vst.idx.msk vm1, v11;
	v11 =	vor.u32 s0, v1;
	v12 =	vadd.s32 v15, v12;
	v14 =	vshrl.u32 v9, $0x15  }
0x16d: {  	[tilespmem:v8+s13+$0x0] =	vst.idx.msk vm1, v11;
	vm1 =	vle.s32 v14, v6;
	vm2 =	vlt.s32 v12, $0x100;
	v8 =	vshll.u32 v12, $0x4;
	v11 =	vld [tilespmem:s19+$0x0]  }
0x16e: {  	vm1 =	vmand vm1, vm2;
	vm2 =	vlt.s32 v13, $0x0;
	v14 =	vandn.u32 $0x7FFFFFFF, v13  }
0x16f: {  	s0 =	sadd.s32 $0xFFFFFF60, s20;
	v8 =	vor.u32 v1, v8;
	v15 =	vsel vm1, $0x1, v0;
	v13 =	vsel vm2, v13, v14  }
0x170: {  	[tilespmem:v7+s12+$0x0] =	vst.idx.msk vm0, v10;
	v10 =	vor.u32 s0, v1;
	v12 =	vadd.s32 v15, v12;
	v14 =	vshrl.u32 v13, $0x15  }
0x171: {  	[tilespmem:v7+s13+$0x0] =	vst.idx.msk vm0, v10;
	vm0 =	vle.s32 v14, v6;
	vm2 =	vlt.s32 v12, $0x100;
	v7 =	vshll.u32 v12, $0x4;
	v10 =	vld [tilespmem:s19+$0x10]  }
0x172: {  	vm0 =	vmand vm0, vm2;
	vm2 =	vlt.s32 v11, $0x0;
	v14 =	vandn.u32 $0x7FFFFFFF, v11  }
0x173: {  	s0 =	sadd.s32 $0xFFFFFF70, s20;
	v7 =	vor.u32 v1, v7;
	v15 =	vsel vm0, $0x1, v0;
	v11 =	vsel vm2, v11, v14  }
0x174: {  	[tilespmem:v8+s12+$0x0] =	vst.idx.msk vm1, v9;
	v9 =	vor.u32 s0, v1;
	v12 =	vadd.s32 v15, v12;
	v14 =	vshrl.u32 v11, $0x15  }
0x175: {  	[tilespmem:v8+s13+$0x0] =	vst.idx.msk vm1, v9;
	vm1 =	vle.s32 v14, v6;
	vm2 =	vlt.s32 v12, $0x100;
	v8 =	vshll.u32 v12, $0x4;
	v9 =	vld [tilespmem:s19+$0x20]  }
0x176: {  	vm1 =	vmand vm1, vm2;
	vm2 =	vlt.s32 v10, $0x0;
	v14 =	vandn.u32 $0x7FFFFFFF, v10  }
0x177: {  	s0 =	sadd.s32 $0xFFFFFF80, s20;
	v8 =	vor.u32 v1, v8;
	v15 =	vsel vm1, $0x1, v0;
	v10 =	vsel vm2, v10, v14  }
0x178: {  	[tilespmem:v7+s12+$0x0] =	vst.idx.msk vm0, v13;
	v13 =	vor.u32 s0, v1;
	v12 =	vadd.s32 v15, v12;
	v14 =	vshrl.u32 v10, $0x15  }
0x179: {  	[tilespmem:v7+s13+$0x0] =	vst.idx.msk vm0, v13;
	vm0 =	vle.s32 v14, v6;
	vm2 =	vlt.s32 v12, $0x100;
	v7 =	vshll.u32 v12, $0x4;
	v13 =	vld [tilespmem:s19+$0x30]  }
0x17a: {  	vm0 =	vmand vm0, vm2;
	vm2 =	vlt.s32 v9, $0x0;
	v14 =	vandn.u32 $0x7FFFFFFF, v9  }
0x17b: {  	s0 =	sadd.s32 $0xFFFFFF90, s20;
	v7 =	vor.u32 v1, v7;
	v15 =	vsel vm0, $0x1, v0;
	v14 =	vsel vm2, v9, v14  }
0x17c: {  	v9 =	vor.u32 s0, v1;
	[tilespmem:v8+s12+$0x0] =	vst.idx.msk vm1, v11;
	v11 =	vadd.s32 v15, v12;
	v12 =	vshrl.u32 v14, $0x15  }
0x17d: {  	[tilespmem:v8+s13+$0x0] =	vst.idx.msk vm1, v9;
	vm1 =	vle.s32 v12, v6;
	vm2 =	vlt.s32 v11, $0x100;
	v8 =	vshll.u32 v11, $0x4;
	v12 =	vld [tilespmem:s19+$0x40]  }
0x17e: {  	vm1 =	vmand vm1, vm2;
	vm2 =	vlt.s32 v13, $0x0;
	v9 =	vandn.u32 $0x7FFFFFFF, v13  }
0x17f: {  	s0 =	sadd.s32 $0xFFFFFFA0, s20;
	v8 =	vor.u32 v1, v8;
	v15 =	vsel vm1, $0x1, v0;
	v13 =	vsel vm2, v13, v9  }
0x180: {  	v9 =	vor.u32 s0, v1;
	[tilespmem:v7+s12+$0x0] =	vst.idx.msk vm0, v10;
	v10 =	vadd.s32 v15, v11;
	v11 =	vshrl.u32 v13, $0x15  }
0x181: {  	[tilespmem:v7+s13+$0x0] =	vst.idx.msk vm0, v9;
	vm0 =	vle.s32 v11, v6;
	vm2 =	vlt.s32 v10, $0x100;
	v7 =	vshll.u32 v10, $0x4;
	v15 =	vld [tilespmem:s19+$0x50]  }
0x182: {  	vm0 =	vmand vm0, vm2;
	vm2 =	vlt.s32 v12, $0x0;
	v11 =	vandn.u32 $0x7FFFFFFF, v12  }
0x183: {  	s0 =	sadd.s32 $0xFFFFFFB0, s20;
	v9 =	vor.u32 v1, v7;
	v16 =	vsel vm0, $0x1, v0;
	v7 =	vsel vm2, v12, v11  }
.Ltmp9:
0x184: {  	v11 =	vor.u32 s0, v1;
	[tilespmem:v8+s12+$0x0] =	vst.idx.msk vm1, v14;
	v12 =	vadd.s32 v16, v10;
	v10 =	vshrl.u32 v7, $0x15;
	(pc) =	sbr.rel @p0 .LBB2_11-.Ltmp9, $4  }
0x185: {  	[tilespmem:v8+s13+$0x0] =	vst.idx.msk vm1, v11;
	vm1 =	vle.s32 v10, v6;
	vm2 =	vlt.s32 v12, $0x100;
	v8 =	vshll.u32 v12, $0x4;
	v11 =	vld [tilespmem:s19+$0x60]  }
0x186: {  	vm1 =	vmand vm1, vm2;
	vm2 =	vlt.s32 v15, $0x0;
	v14 =	vandn.u32 $0x7FFFFFFF, v15  }
0x187: {  	s0 =	sadd.s32 $0xFFFFFFC0, s20;
	v10 =	vor.u32 v1, v8;
	v16 =	vsel vm1, $0x1, v0;
	v8 =	vsel vm2, v15, v14  }
0x188: {  	[tilespmem:v9+s12+$0x0] =	vst.idx.msk vm0, v13;
	v13 =	vor.u32 s0, v1;
	v12 =	vadd.s32 v16, v12;
	v14 =	vshrl.u32 v8, $0x15  }
0x189: {  	vm2 =	vle.s32 v14, v6;
	vm3 =	vlt.s32 v12, $0x100;
	v56 =	vld [tilespmem:s19+$0x70]  }
0x18a: {  	vm2 =	vmand vm2, vm3;
	vm11 =	vlt.s32 v11, $0x0;
	v15 =	vandn.u32 $0x7FFFFFFF, v11  }
0x18b: {  	v16 =	vsel vm2, $0x1, v0;
	v11 =	vsel vm11, v11, v15  }
0x18c: {  	v57 =	vadd.s32 v16, v12;
	v58 =	vshrl.u32 v11, $0x15  }
0x18d: {  	v59 =	vshll.u32 v12, $0x4;
	vm12 =	vle.s32 v58, v6;
	vm4 =	vlt.s32 v57, $0x100  }
0x18e: {  	vm3 =	vmand vm12, vm4;
	vm13 =	vlt.s32 v56, $0x0;
	v60 =	vandn.u32 $0x7FFFFFFF, v56  }
0x18f: {  	v12 =	vor.u32 v1, v59;
	v14 =	vsel vm13, v56, v60;
	v61 =	vsel vm3, $0x1, v0  }
0x190: {  	v17 =	vshll.u32 v57, $0x4;
	v15 =	vadd.s32 v61, v57;
	v62 =	vshrl.u32 v14, $0x15  }
0x191: {  	[tilespmem:v9+s13+$0x0] =	vst.idx.msk vm0, v13;
	s0 =	sadd.s32 $0xFFFFFFD0, s20;
	v63 =	vor.u32 v1, v17;
	vm14 =	vle.s32 v62, v6;
	vm15 =	vlt.s32 v15, $0x100  }
0x192: {  	[tilespmem:v10+s12+$0x0] =	vst.idx.msk vm1, v7;
	v6 =	vor.u32 s0, v1;
	v7 =	vshll.u32 v15, $0x4;
	vm0 =	vmand vm14, vm15  }
0x193: {  	s28 =	sadd.s32 $0xFFFFFFE0, s20;
	[tilespmem:v10+s13+$0x0] =	vst.idx.msk vm1, v6;
	v6 =	vor.u32 v1, v7  }
0x194: {  	s19 =	sadd.s32 $0x1, s21;
	[tilespmem:v12+s12+$0x0] =	vst.idx.msk vm2, v8;
	v7 =	vor.u32 s28, v1  }
0x195: {  	s29 =	sadd.s32 $0xFFFFFFF0, s20;
	p0 =	slt.s32 s19, $0x3;
	s22 =	smov.u32 s19;
	[tilespmem:v12+s13+$0x0] =	vst.idx.msk vm2, v7  }
0x196: {  	s22 =	simm.s32 @!p0 $0x3;
	v7 =	vor.u32 s29, v1;
	[tilespmem:v63+s12+$0x0] =	vst.idx.msk vm3, v11  }
0x197: {  	s30 =	sor.u32 s3, s22;
	[tilespmem:v63+s13+$0x0] =	vst.idx.msk vm3, v7  }
0x198: {  	s0 =	sshll.u32 s30, $0x4;
	v7 =	vor.u32 s20, v1;
	[tilespmem:v6+s12+$0x0] =	vst.idx.msk vm0, v14  }
0x199: {  	p0 =	por $0x1, $0x1;
	s31 =	sadd.s32 s0, s5;
	s0 =	simm.s32 $0x0;
	[tilespmem:v6+s13+$0x0] =	vst.idx.msk vm0, v7;
	v6 =	vsel vm0, $0x1, v0  }
0x19a: {  	[tilespmem:s0], [sflag:$0x1] =	stream.strided.gather [hbm4b:s31+s8], $0x8000, s9, s8, $0x38;
	v6 =	vadd.s32 v6, v15;
	[tilespmem:$0xC900] =	vst v63  }
.LBB2_13:
0x19b: {  	s0 =	sshra.s32 s0, $0x2  }
0x19c: {  	[tilespmem:s0+$0xC800] =	vst v0  }
0x19d: {  	[tilespmem:s0+$0xC810] =	vst v0  }
0x19e: {  	p1 =	por p0, p0;
	[tilespmem:s0+$0xC820] =	vst v0  }
.Ltmp10:
0x19f: {  	[tilespmem:s0+$0xC830] =	vst v0;
	(pc) =	sbr.rel @p1 .LBB2_13-.Ltmp10, $4  }
0x1a0: {  	[tilespmem:s0+$0xC840] =	vst v0  }
0x1a1: {  	[tilespmem:s0+$0xC850] =	vst v0  }
0x1a2: {  	[tilespmem:s0+$0xC860] =	vst v0  }
0x1a3: {  	p0 =	por $0x0, $0x0;
	[tilespmem:s0+$0xC870] =	vst v0;
	s0 =	simm.s32 $0x200  }
0x1a4: {  	v6 =	vxor.u32 $0x80000000, v6  }
0x1a5: {  	(xrf0) =	vmax.scan.msk.u32 $0xffff, v6;
	_ =	sdelay $0x5  }
0x1a6: {  	v6, _, _ =	vpop (xrf0)  }
0x1a7: {  	(v2sf) =	vpush v6, $0xF;
	_ =	sdelay $0xe  }
0x1a8: {  	s24 =	spop (v2sf)  }
0x1a9: {  	s20 =	sxor.u32 $0x80000000, s24  }
0x1aa: {  	s0 =	sshra.s32 s20, $0x1F  }
0x1ab: {  	s0 =	sshrl.u32 s0, $0x1E  }
0x1ac: {  	s0 =	sadd.s32 s0, s20  }
0x1ad: {  	s22 =	sand.u32 $0xFFFFFFFC, s0  }
0x1ae: {  	p0 =	slt.s32 s22, $0x1  }
.Ltmp11:
0x1af: {  	_ = 	snop;
	(pc) =	sbr.rel @p0 .LBB2_17-.Ltmp11, $1  }
0x1b0: {  	_ =	sdelay $0x3  }
0x1b1: {  	s0 =	simm.s32 $0x9820  }
0x1b2: {  	v6 =	vld [tilespmem:s0+$0x10]  }
0x1b3: {  	v7 =	vld [tilespmem:s0+$0xFFFFFFF0]  }
0x1b4: {  	p3 =	sgt.s32 s22, $0x4  }
.Ltmp12:
0x1b5: {  	_ = 	snop;
	(pc) =	sbr.rel @!p3 .LBB2_16-.Ltmp12, $4  }
0x1b6: {  	_ = 	snop  }
0x1b7: {  	v6 =	vand.u32 $0xFF, v6  }
0x1b8: {  	v10 =	vld [tilespmem:s0+$0x0];
	v7 =	vand.u32 $0xFF, v7;
	(xrf1) =	vunique.msk.u32 $0xffff, v6  }
0x1b9: {  	p1 =	por $0x0, $0x0;
	p2 =	por $0x0, $0x0;
	v11 =	vld [tilespmem:s0+$0xFFFFFFE0];
	s0 =	simm.s32 $0x9860;
	(xrf1) =	vunique.msk.u32 $0xffff, v7  }
0x1ba: {  	_ =	sdelay $0x2  }
0x1bb: {  	v12 =	vld [tilespmem:s0+$0x10];
	v9 =	vand.u32 $0xFF, v10  }
0x1bc: {  	v13 =	vld [tilespmem:s0+$0xFFFFFFF0];
	v8 =	vand.u32 $0xFF, v11;
	(xrf1) =	vunique.msk.u32 $0xffff, v9  }
0x1bd: {  	(xrf1) =	vunique.msk.u32 $0xffff, v8;
	_ =	sdelay $0x2  }
0x1be: {  	v17 =	vand.u32 $0xFF, v12  }
0x1bf: {  	v14 =	vand.u32 $0xFF, v13;
	(xrf1) =	vunique.msk.u32 $0xffff, v17  }
0x1c0: {  	(xrf1) =	vunique.msk.u32 $0xffff, v14;
	_ =	sdelay $0x2  }
0x1c1: {  	p3 =	sgt.s32 s22, $0x8  }
.Ltmp13:
0x1c2: {  	_ = 	snop;
	(pc) =	sbr.rel @!p3 .LBB2_30-.Ltmp13, $3  }
0x1c3: {  	_ =	sdelay $0x1  }
0x1c4: {  	v10 =	vld [tilespmem:s0+$0x0]  }
0x1c5: {  	s23 =	simm.s32 $0x98A0;
	p1 =	por $0x1, $0x1;
	v11 =	vld [tilespmem:s0+$0xFFFFFFE0]  }
0x1c6: {  	v15 =	vld [tilespmem:s23+$0x10]  }
0x1c7: {  	v16 =	vld [tilespmem:s23+$0xFFFFFFF0];
	_ =	sdelay $0x1  }
0x1c8: {  	v18 =	vand.u32 $0xFF, v10  }
0x1c9: {  	v12 =	vand.u32 $0xFF, v11;
	(xrf1) =	vunique.msk.u32 $0xffff, v18  }
0x1ca: {  	(xrf1) =	vunique.msk.u32 $0xffff, v12;
	v20 =	vand.u32 $0xFF, v15  }
0x1cb: {  	v19 =	vand.u32 $0xFF, v16;
	(xrf1) =	vunique.msk.u32 $0xffff, v20  }
0x1cc: {  	(xrf1) =	vunique.msk.u32 $0xffff, v19  }
0x1cd: {  	p3 =	sgt.s32 s22, $0xC  }
.Ltmp14:
0x1ce: {  	v10 =	vld [tilespmem:s23+$0x0];
	(pc) =	sbr.rel @!p3 .LBB2_32-.Ltmp14, $3  }
0x1cf: {  	_, v13, vm0 =	vpop (xrf1);
	v11 =	vld [tilespmem:s23+$0xFFFFFFE0];
	_ =	sdelay $0x1  }
0x1d0: {  	_, v15, vm1 =	vpop (xrf1)  }
0x1d1: {  	s0 =	simm.s32 $0xC;
	p2 =	por $0x1, $0x1;
	s23 =	simm.s32 $0x98E0;
	v15 =	vadd.s32 v3, v15;
	_, v16, vm2 =	vpop (xrf1)  }
.LBB2_33:
0x1d2: {  	v21 =	vld [tilespmem:s23+$0x10];
	s0 =	sadd.s32 $0x4, s0;
	v22 =	vand.u32 $0xFF, v10;
	v16 =	vadd.s32 v3, v16;
	_, v10, vm3 =	vpop (xrf1);
	v23 =	vmov v12  }
0x1d3: {  	v24 =	vld [tilespmem:s23+$0xFFFFFFF0];
	p3 =	slt.s32 s0, s22;
	v12 =	vand.u32 $0xFF, v11;
	(xrf1) =	vunique.msk.u32 $0xffff, v22;
	v25 =	vadd.s32 v3, v10;
	v10 =	vadd.s32 v3, v13  }
0x1d4: {  	(xrf1) =	vunique.msk.u32 $0xffff, v12;
	[tilespmem:v6+s14+$0x0] =	vst.idx.add.s32.msk vm0, v10;
	v6 =	vmov v17;
	v17 =	vmov v20  }
.Ltmp15:
0x1d5: {  	v10 =	vld [tilespmem:s23+$0x0];
	(pc) =	sbr.rel @p3 .LBB2_33-.Ltmp15, $4  }
0x1d6: {  	v11 =	vld [tilespmem:s23+$0xFFFFFFE0];
	_, v13, vm0 =	vpop (xrf1)  }
0x1d7: {  	v20 =	vand.u32 $0xFF, v21;
	[tilespmem:v7+s14+$0x0] =	vst.idx.add.s32.msk vm1, v15;
	_, v15, vm1 =	vpop (xrf1);
	v7 =	vmov v14;
	v14 =	vmov v19  }
0x1d8: {  	v19 =	vand.u32 $0xFF, v24;
	(xrf1) =	vunique.msk.u32 $0xffff, v20;
	v15 =	vadd.s32 v3, v15;
	[tilespmem:v8+s14+$0x0] =	vst.idx.add.s32.msk vm3, v25;
	v8 =	vmovc v23  }
0x1d9: {  	s23 =	sadd.s32 $0x40, s23;
	(xrf1) =	vunique.msk.u32 $0xffff, v19;
	[tilespmem:v9+s14+$0x0] =	vst.idx.add.s32.msk vm2, v16;
	_, v16, vm2 =	vpop (xrf1);
	v9 =	vmov v18;
	v18 =	vmov v22  }
0x1da: {  	v21 =	vmov v6;
	v24 =	vmov v7;
	v23 =	vmov v9  }
0x1db: {  	v22 =	vmovc v17;
	v6 =	vmovc v20;
	v20 =	vmov v14;
	v7 =	vmov v19;
	v9 =	vmov v18  }
.LBB2_35:
0x1dc: {  	v10 =	vand.u32 $0xFF, v10  }
0x1dd: {  	v11 =	vand.u32 $0xFF, v11;
	(xrf1) =	vunique.msk.u32 $0xffff, v10  }
0x1de: {  	(xrf1) =	vunique.msk.u32 $0xffff, v11;
	_ =	sdelay $0x2  }
0x1df: {  	_, v14, vm3 =	vpop @p2 (xrf1)  }
0x1e0: {  	v13 =	vadd.s32 @p2 v3, v13;
	_ =	sdelay $0x1  }
0x1e1: {  	v18 =	vmov @p1 v22;
	_, v17, vm4 =	vpop @p1 (xrf1)  }
0x1e2: {  	[tilespmem:v21+s14+$0x0] =	vst.idx.add.s32.msk @p2 vm0, v13;
	v18 =	vpsel p1, v18, v0;
	_, v19, vm5 =	vpop @p1 (xrf1);
	vm4 =	vmmov @p1 vm4;
	v13 =	vmov @p1 v20  }
0x1e3: {  	[tilespmem:v24+s14+$0x0] =	vst.idx.add.s32.msk @p2 vm1, v15;
	v14 =	vadd.s32 @p2 v3, v14;
	_, v20, vm0 =	vpop @p1 (xrf1);
	vm5 =	vmmov @p1 vm5;
	v13 =	vpsel p1, v13, v0  }
0x1e4: {  	_, v15, vm1 =	vpop @p1 (xrf1);
	[tilespmem:v8+s14+$0x0] =	vst.idx.add.s32.msk @p2 vm3, v14;
	v14 =	vadd.s32 @p2 v3, v16;
	v16 =	vpsel p1, v17, v0  }
0x1e5: {  	vm0 =	vmmov @p1 vm0;
	v8 =	vmovc @p1 v9;
	v9 =	vpsel p1, v12, v0;
	v16 =	vadd.s32 @p1 v3, v16  }
0x1e6: {  	v8 =	vpsel p1, v8, v0;
	_, v59, vm14 =	vpop (xrf1)  }
0x1e7: {  	[tilespmem:v23+s14+$0x0] =	vst.idx.add.s32.msk @p2 vm2, v14;
	v14 =	vadd.s32 @p1 v3, v19;
	_, v60, vm6 =	vpop (xrf1)  }
0x1e8: {  	[tilespmem:v18+s14+$0x0] =	vst.idx.add.s32.msk @p1 vm4, v16;
	v14 =	vpsel p1, v14, v0;
	_, v61, vm15 =	vpop (xrf1)  }
0x1e9: {  	[tilespmem:v13+s14+$0x0] =	vst.idx.add.s32.msk @p1 vm5, v14;
	v13 =	vpsel p1, v20, v0;
	v14 =	vadd.s32 @p1 v3, v15;
	_, v16, vm4 =	vpop (xrf1)  }
0x1ea: {  	[tilespmem:v9+s14+$0x0] =	vst.idx.add.s32.msk @p1 vm1, v14;
	v9 =	vadd.s32 @p1 v3, v13  }
0x1eb: {  	v62 =	vadd.s32 v3, v59;
	[tilespmem:v8+s14+$0x0] =	vst.idx.add.s32.msk @p1 vm0, v9  }
0x1ec: {  	v63 =	vadd.s32 v3, v60;
	[tilespmem:v6+s14+$0x0] =	vst.idx.add.s32.msk vm14, v62  }
0x1ed: {  	[tilespmem:v7+s14+$0x0] =	vst.idx.add.s32.msk vm6, v63;
	v7 =	vadd.s32 v3, v61  }
0x1ee: {  	v6 =	vadd.s32 v3, v16;
	[tilespmem:v10+s14+$0x0] =	vst.idx.add.s32.msk vm15, v7  }
0x1ef: {  	[tilespmem:v11+s14+$0x0] =	vst.idx.add.s32.msk vm4, v6  }
.LBB2_17:
0x1f0: {  	p1 =	slt.s32 s22, s20  }
.Ltmp16:
0x1f1: {  	_ = 	snop;
	(pc) =	sbr.rel @!p1 .LBB2_18-.Ltmp16, $4  }
0x1f2: {  	_ = 	snop  }
0x1f3: {  	s23 =	ssub.s32 s20, s22  }
0x1f4: {  	s0 =	sshll.u32 s24, $0x6;
	s31 =	sshll.u32 s23, $0x6  }
0x1f5: {  	s24 =	ssub.s32 s0, s31  }
0x1f6: {  	s0 =	sshra.s32 s24, $0x2  }
0x1f7: {  	s25 =	smov.u32 s23;
	s0 =	sadd.s32 $0x9800, s0  }
.LBB2_37:
0x1f8: {  	v6 =	vld [tilespmem:s0+$0x0];
	_ =	sdelay $0x4  }
0x1f9: {  	v6 =	vand.u32 $0xFF, v6  }
0x1fa: {  	(xrf1) =	vunique.msk.u32 $0xffff, v6;
	_ =	sdelay $0xd  }
0x1fb: {  	_, v7, vm0 =	vpop (xrf1)  }
0x1fc: {  	p2 =	seq.s32 s25, $0x1  }
.Ltmp17:
0x1fd: {  	_ = 	snop;
	(pc) =	sbr.rel @!p2 .LBB2_37-.Ltmp17, $3  }
0x1fe: {  	_ =	sdelay $0x1  }
0x1ff: {  	v7 =	vadd.s32 v3, v7  }
0x200: {  	s0 =	sadd.s32 $0x10, s0;
	s25 =	sadd.s32 $0xFFFFFFFF, s25;
	[tilespmem:v6+s14+$0x0] =	vst.idx.add.s32.msk vm0, v7  }
.LBB2_18:
0x201: {  	s26 =	simm.s32 $0xC820  }
0x202: {  	v6 =	vld [tilespmem:s26+$0xFFFFFFE0]  }
0x203: {  	v10 =	vld [tilespmem:s26+$0xFFFFFFF0];
	_ =	sdelay $0x2  }
0x204: {  	v12 =	vld [tilespmem:s26+$0x0]  }
0x205: {  	(xrf0) =	vadd.scan.msk.s32 $0xffff, v6  }
0x206: {  	v13 =	vld [tilespmem:s26+$0x10];
	(xrf0) =	vadd.scan.msk.s32 $0xffff, v10;
	_ =	sdelay $0x2  }
0x207: {  	s25 =	simm.s32 $0xC860;
	(xrf0) =	vadd.scan.msk.s32 $0xffff, v12  }
0x208: {  	v7 =	vld [tilespmem:s25+$0xFFFFFFE0]  }
0x209: {  	(xrf0) =	vadd.scan.msk.s32 $0xffff, v13;
	v8, _, _ =	vpop (xrf0)  }
0x20a: {  	v9 =	vxor.u32 $0x80000000, v8;
	v17, _, _ =	vpop (xrf0)  }
0x20b: {  	v16 =	vld [tilespmem:s25+$0xFFFFFFF0];
	(xrf0) =	vmax.scan.msk.u32 $0xffff, v9;
	v9 =	vxor.u32 $0x80000000, v17  }
0x20c: {  	(xrf0) =	vmax.scan.msk.u32 $0xffff, v9  }
0x20d: {  	v20 =	vld [tilespmem:s25+$0x0];
	v18, _, _ =	vpop (xrf0);
	(xrf0) =	vadd.scan.msk.s32 $0xffff, v7  }
0x20e: {  	v9 =	vxor.u32 $0x80000000, v18  }
0x20f: {  	v21 =	vld [tilespmem:s25+$0x10];
	v22, _, _ =	vpop (xrf0);
	(xrf0) =	vmax.scan.msk.u32 $0xffff, v9  }
0x210: {  	v9 =	vxor.u32 $0x80000000, v22;
	(xrf0) =	vadd.scan.msk.s32 $0xffff, v16  }
0x211: {  	(xrf0) =	vmax.scan.msk.u32 $0xffff, v9;
	v19, _, _ =	vpop (xrf0)  }
0x212: {  	(xrf0) =	vadd.scan.msk.s32 $0xffff, v20;
	v23, _, _ =	vpop (xrf0)  }
0x213: {  	s28 =	simm.s32 $0xC8A0;
	v9, _, _ =	vpop (xrf0)  }
0x214: {  	v11 =	vld [tilespmem:s28+$0xFFFFFFE0];
	(xrf0) =	vadd.scan.msk.s32 $0xffff, v21;
	(v2sf) =	vpush v19, $0xF;
	v14 =	vxor.u32 $0x80000000, v9  }
0x215: {  	v24, _, _ =	vpop (xrf0);
	(xrf0) =	vmax.scan.msk.u32 $0xffff, v14  }
0x216: {  	v15 =	vld [tilespmem:s28+$0xFFFFFFF0];
	(v2sf) =	vpush v23, $0xF;
	v25, _, _ =	vpop (xrf0)  }
0x217: {  	v14 =	vxor.u32 $0x80000000, v25;
	v26, _, _ =	vpop (xrf0)  }
0x218: {  	(v2sf) =	vpush v24, $0xF;
	(xrf0) =	vmax.scan.msk.u32 $0xffff, v14;
	v27, _, _ =	vpop (xrf0)  }
0x219: {  	(xrf0) =	vadd.scan.msk.s32 $0xffff, v11;
	v28 =	vxor.u32 $0x80000000, v27  }
0x21a: {  	v14 =	vld [tilespmem:s28+$0x0];
	(v2sf) =	vpush v26, $0xF;
	v23, _, _ =	vpop (xrf0);
	(xrf0) =	vmax.scan.msk.u32 $0xffff, v28  }
0x21b: {  	v19 =	vsub.s32 v17, v10;
	v17 =	vsub.s32 v22, v13;
	v10 =	vxor.u32 $0x80000000, v23;
	(xrf0) =	vadd.scan.msk.s32 $0xffff, v15;
	v22, _, _ =	vpop (xrf0)  }
0x21c: {  	(xrf0) =	vmax.scan.msk.u32 $0xffff, v10;
	v10 =	vld [tilespmem:s28+$0x10];
	(v2sf) =	vpush v22, $0xF;
	_ =	sdelay $0x2  }
0x21d: {  	s0 =	sadd.s32 s3, s21;
	s29 =	simm.s32 $0x0;
	v18 =	vsub.s32 v18, v12;
	(xrf0) =	vadd.scan.msk.s32 $0xffff, v14  }
0x21e: {  	s30 =	simm.s32 $0x8;
	s31 =	simm.s32 $0xC8E0;
	s21 =	sshll.u32 s0, $0x4;
	v12 =	vsub.s32 v25, v16;
	v13 =	vsub.s32 v27, v20;
	v16 =	vsub.s32 v23, v21;
	v20, _, _ =	vpop (xrf0)  }
.LBB2_19:
0x21f: {  	v21 =	vld [tilespmem:s31+$0xFFFFFFE0];
	s30 =	sadd.s32 $0x4, s30;
	v22, _, _ =	vpop (xrf0);
	(xrf0) =	vadd.scan.msk.s32 $0xffff, v10;
	(v2sf) =	vpush v20, $0xF;
	v20 =	vsub.s32 s29, v6;
	v6 =	vmov v7;
	s0 =	smov.u32 s25;
	s25 =	smov.u32 s28  }
0x220: {  	v7 =	vmov v11;
	s28 =	smov.u32 s31;
	p2 =	slt.u32 s30, $0xC;
	v26 =	vxor.u32 $0x80000000, v22;
	v24, _, _ =	vpop (xrf0);
	v25 =	vadd.s32 v8, v20  }
0x221: {  	v8 =	vmov v9;
	v20 =	vld [tilespmem:s31+$0xFFFFFFF0];
	(xrf0) =	vmax.scan.msk.u32 $0xffff, v26;
	v11, _, _ =	vpop (xrf0);
	(v2sf) =	vpush v24, $0xF;
	[tilespmem:s26+$0xFFFFFFE0] =	vst v25;
	s2 =	spop (v2sf)  }
0x222: {  	v9 =	vmov v22;
	v15 =	vsub.s32 v11, v15;
	v24 =	vxor.u32 $0x80000000, v11;
	v23, _, _ =	vpop (xrf0);
	s2 =	sadd.s32 s2, s29  }
0x223: {  	v22 =	vld [tilespmem:s31+$0x0];
	(xrf0) =	vmax.scan.msk.u32 $0xffff, v24;
	v11, _, _ =	vpop (xrf0);
	(v2sf) =	vpush v23, $0xF;
	s2 =	sadd.s32 $0x80000000, s2;
	s29 =	spop (v2sf);
	v23 =	vmov v10  }
0x224: {  	(xrf0) =	vadd.scan.msk.s32 $0xffff, v21;
	v14 =	vsub.s32 v11, v14;
	v24 =	vxor.u32 $0x80000000, v11;
	v25 =	vadd.s32 s2, v19;
	s2 =	sadd.s32 s29, s2;
	v11 =	vmovc v21  }
.Ltmp18:
0x225: {  	v19 =	vmov v12;
	v12 =	vmov v15;
	v10 =	vld [tilespmem:s31+$0x10];
	(xrf0) =	vmax.scan.msk.u32 $0xffff, v24;
	v21, _, _ =	vpop (xrf0);
	[tilespmem:s26+$0xFFFFFFF0] =	vst v25;
	s2 =	sadd.s32 $0x80000000, s2;
	s29 =	spop (v2sf);
	(pc) =	sbr.rel @p2 .LBB2_19-.Ltmp18, $4  }
0x226: {  	(xrf0) =	vadd.scan.msk.s32 $0xffff, v20;
	v23 =	vsub.s32 v21, v23;
	v21 =	vxor.u32 $0x80000000, v21;
	v24 =	vadd.s32 s2, v18;
	s2 =	sadd.s32 s29, s2;
	v15 =	vmovc v20  }
0x227: {  	v18 =	vmov v13;
	v13 =	vmov v14;
	v20, _, _ =	vpop (xrf0);
	(xrf0) =	vmax.scan.msk.u32 $0xffff, v21;
	[tilespmem:s26+$0x0] =	vst v24;
	s2 =	sadd.s32 $0x80000000, s2;
	s29 =	spop (v2sf)  }
0x228: {  	(xrf0) =	vadd.scan.msk.s32 $0xffff, v22;
	(v2sf) =	vpush v20, $0xF;
	v21 =	vadd.s32 s2, v17;
	s2 =	sadd.s32 s29, s2;
	v14 =	vmovc v22;
	v17 =	vmov v16  }
0x229: {  	s31 =	sadd.s32 $0x40, s31;
	v16 =	vmov v23;
	v20, _, _ =	vpop (xrf0);
	[tilespmem:s26+$0x10] =	vst v21;
	s29 =	sadd.s32 $0x80000000, s2;
	s26 =	smov.u32 s0  }
0x22a: {  	v21, _, _ =	vpop (xrf0)  }
0x22b: {  	(xrf0) =	vadd.scan.msk.s32 $0xffff, v10;
	v22 =	vxor.u32 $0x80000000, v21;
	v23, _, _ =	vpop (xrf0)  }
0x22c: {  	(xrf0) =	vmax.scan.msk.u32 $0xffff, v22;
	v50, _, _ =	vpop (xrf0)  }
0x22d: {  	(v2sf) =	vpush v20, $0xF;
	v51 =	vxor.u32 $0x80000000, v50;
	v24, _, _ =	vpop (xrf0)  }
0x22e: {  	(xrf0) =	vmax.scan.msk.u32 $0xffff, v51;
	v52, _, _ =	vpop (xrf0)  }
0x22f: {  	(v2sf) =	vpush v23, $0xF;
	v53 =	vxor.u32 $0x80000000, v52  }
0x230: {  	(xrf0) =	vmax.scan.msk.u32 $0xffff, v53  }
0x231: {  	(v2sf) =	vpush v24, $0xF;
	v54, _, _ =	vpop (xrf0)  }
0x232: {  	s0 =	spop (v2sf);
	v55, _, _ =	vpop (xrf0)  }
0x233: {  	s0 =	sadd.s32 s0, s29;
	v56 =	vxor.u32 $0x80000000, v54;
	(v2sf) =	vpush v55, $0xF  }
0x234: {  	s0 =	sadd.s32 $0x80000000, s0;
	s2 =	spop (v2sf);
	(xrf0) =	vmax.scan.msk.u32 $0xffff, v56;
	v57, _, _ =	vpop (xrf0)  }
0x235: {  	s2 =	sadd.s32 s2, s0;
	(v2sf) =	vpush v57, $0xF  }
0x236: {  	s2 =	sadd.s32 $0x80000000, s2;
	s30 =	spop (v2sf);
	v58, _, _ =	vpop (xrf0)  }
0x237: {  	s30 =	sadd.s32 s30, s2;
	(v2sf) =	vpush v58, $0xF  }
0x238: {  	s31 =	spop (v2sf);
	s30 =	sadd.s32 $0x80000000, s30  }
0x239: {  	s31 =	sadd.s32 s31, s30  }
0x23a: {  	s31 =	sadd.s32 $0x80000000, s31;
	s1 =	spop (v2sf);
	v59, _, _ =	vpop (xrf0)  }
0x23b: {  	s1 =	sadd.s32 s1, s31;
	(v2sf) =	vpush v59, $0xF  }
0x23c: {  	s1 =	sadd.s32 $0x80000000, s1;
	s4 =	spop (v2sf)  }
0x23d: {  	v6 =	vsub.s32 s29, v6;
	s4 =	sadd.s32 s4, s1  }
0x23e: {  	v6 =	vadd.s32 v8, v6;
	s4 =	sadd.s32 $0x80000000, s4;
	s29 =	spop (v2sf)  }
0x23f: {  	[tilespmem:s26+$0xFFFFFFE0] =	vst v6;
	v60 =	vadd.s32 s0, v19;
	s29 =	sadd.s32 s29, s4  }
0x240: {  	[tilespmem:s26+$0xFFFFFFF0] =	vst v60;
	v6 =	vadd.s32 s2, v18;
	s0 =	sadd.s32 $0x80000000, s29;
	s29 =	spop (v2sf)  }
0x241: {  	[tilespmem:s26+$0x0] =	vst v6;
	v61 =	vadd.s32 s30, v17;
	v7 =	vsub.s32 s31, v7;
	s2 =	sadd.s32 s29, s0  }
0x242: {  	[tilespmem:s26+$0x10] =	vst v61;
	v6 =	vadd.s32 v9, v7;
	s2 =	sadd.s32 $0x80000000, s2;
	s29 =	spop (v2sf)  }
0x243: {  	[tilespmem:s25+$0xFFFFFFE0] =	vst v6;
	v7 =	vadd.s32 s1, v12;
	s30 =	sadd.s32 s29, s2  }
0x244: {  	[tilespmem:s25+$0xFFFFFFF0] =	vst v7;
	v6 =	vadd.s32 s4, v13;
	s1 =	sadd.s32 $0x80000000, s30;
	s31 =	spop (v2sf)  }
0x245: {  	p2 =	sgt.s32 s20, $0x0;
	[tilespmem:s25+$0x0] =	vst v6;
	v7 =	vadd.s32 s0, v16;
	v6 =	vsub.s32 s2, v11;
	s4 =	sadd.s32 s31, s1  }
.Ltmp19:
0x246: {  	v62 =	vsub.s32 v50, v15;
	[tilespmem:s25+$0x10] =	vst v7;
	v6 =	vadd.s32 v21, v6;
	s0 =	sadd.s32 $0x80000000, s4;
	s26 =	spop (v2sf);
	(pc) =	sbr.rel @!p2 .LBB2_24-.Ltmp19, $4  }
0x247: {  	v7 =	vsub.s32 v52, v14;
	[tilespmem:s28+$0xFFFFFFE0] =	vst v6;
	v6 =	vadd.s32 s1, v62;
	s29 =	sadd.s32 s26, s0  }
0x248: {  	v63 =	vsub.s32 v54, v10;
	[tilespmem:s28+$0xFFFFFFF0] =	vst v6;
	v6 =	vadd.s32 s0, v7;
	s30 =	sadd.s32 $0x80000000, s29  }
0x249: {  	[tilespmem:s28+$0x0] =	vst v6;
	v6 =	vadd.s32 s30, v63  }
0x24a: {  	s31 =	spop (v2sf);
	[tilespmem:s28+$0x10] =	vst v6  }
0x24b: {  	p3 =	seq.s32 s20, $0x1  }
.Ltmp20:
0x24c: {  	_ = 	snop;
	(pc) =	sbr.rel @p3 .LBB2_23-.Ltmp20, $4  }
0x24d: {  	s25 =	simm.s32 $0x9800  }
0x24e: {  	v6 =	vld [tilespmem:s25+$0x0]  }
0x24f: {  	s0 =	simm.s32 $0x8800  }
0x250: {  	s26 =	sadd.s32 $0xFFFFFFFF, s20;
	v7 =	vld [tilespmem:s0+$0x0]  }
.LBB2_22:
0x251: {  	p3 =	seq.s32 s26, $0x1;
	_ =	sdelay $0x1  }
0x252: {  	v8 =	vand.u32 $0xFF, v6  }
0x253: {  	(xrf1) =	vunique.msk.u32 $0xffff, v8;
	_ =	sdelay $0x9  }
0x254: {  	v9 =	vld.idx.msk [tilespmem:v8+s14+$0x0], $0xffff;
	_ =	sdelay $0x3  }
0x255: {  	_, v10, vm0 =	vpop (xrf1)  }
0x256: {  	v10 =	vsub.s32 v10, v2  }
0x257: {  	v9 =	vadd.s32 v9, v10;
	v10 =	vadd.s32 $0x1, v10;
	_ =	sdelay $0x4  }
0x258: {  	[tilespmem:v9+s15+$0x0] =	vst.idx.msk $0xffff, v7  }
.Ltmp21:
0x259: {  	[tilespmem:v9+s16+$0x0] =	vst.idx.msk $0xffff, v6;
	(pc) =	sbr.rel @!p3 .LBB2_22-.Ltmp21, $4  }
0x25a: {  	s25 =	sadd.s32 $0x10, s25;
	[tilespmem:v8+s14+$0x0] =	vst.idx.add.s32.msk vm0, v10  }
0x25b: {  	s0 =	sadd.s32 $0x10, s0;
	v6 =	vld [tilespmem:s25+$0x0]  }
0x25c: {  	v7 =	vld [tilespmem:s0+$0x0]  }
0x25d: {  	s26 =	sadd.s32 $0xFFFFFFFF, s26  }
.LBB2_23:
0x25e: {  	_ =	sdelay $0x1  }
0x25f: {  	v8 =	vand.u32 $0xFF, v6  }
0x260: {  	(xrf1) =	vunique.msk.u32 $0xffff, v8;
	_ =	sdelay $0xa  }
0x261: {  	v9 =	vld.idx.msk [tilespmem:v8+s14+$0x0], $0xffff;
	_ =	sdelay $0x2  }
0x262: {  	_, v10, vm0 =	vpop (xrf1)  }
0x263: {  	v10 =	vsub.s32 v10, v2  }
0x264: {  	v9 =	vadd.s32 v9, v10;
	_ =	sdelay $0x4  }
0x265: {  	[tilespmem:v9+s15+$0x0] =	vst.idx.msk $0xffff, v7  }
0x266: {  	v7 =	vadd.s32 $0x1, v10;
	[tilespmem:v9+s16+$0x0] =	vst.idx.msk $0xffff, v6  }
0x267: {  	[tilespmem:v8+s14+$0x0] =	vst.idx.add.s32.msk vm0, v7  }
.LBB2_24:
0x268: {  	s0 =	simm.s32 $0x0;
	p3 =	por $0x1, $0x1  }
.LBB2_25:
0x269: {  	s0 =	sshra.s32 s0, $0x2  }
0x26a: {  	[tilespmem:s0+$0xC800] =	vst v0  }
0x26b: {  	[tilespmem:s0+$0xC810] =	vst v0  }
0x26c: {  	p4 =	por p3, p3;
	[tilespmem:s0+$0xC820] =	vst v0  }
.Ltmp22:
0x26d: {  	[tilespmem:s0+$0xC830] =	vst v0;
	(pc) =	sbr.rel @p4 .LBB2_25-.Ltmp22, $4  }
0x26e: {  	[tilespmem:s0+$0xC840] =	vst v0  }
0x26f: {  	[tilespmem:s0+$0xC850] =	vst v0  }
0x270: {  	[tilespmem:s0+$0xC860] =	vst v0  }
0x271: {  	p3 =	por $0x0, $0x0;
	[tilespmem:s0+$0xC870] =	vst v0;
	s0 =	simm.s32 $0x200  }
.Ltmp23:
0x272: {  	(pc) =	sbr.rel @p0 .LBB2_38-.Ltmp23, $1  }
0x273: {  	_ =	sdelay $0x3  }
0x274: {  	s0 =	simm.s32 $0xB820  }
0x275: {  	p6 =	sgt.s32 s22, $0x4;
	v6 =	vld [tilespmem:s0+$0xFFFFFFE0]  }
.Ltmp24:
0x276: {  	_ = 	snop;
	(pc) =	sbr.rel @!p6 .LBB2_28-.Ltmp24, $4  }
0x277: {  	_ = 	snop  }
0x278: {  	v22 =	vld [tilespmem:s0+$0xFFFFFFF0]  }
0x279: {  	v10 =	vld [tilespmem:s0+$0x10]  }
0x27a: {  	p3 =	por $0x0, $0x0;
	p4 =	por $0x0, $0x0;
	p5 =	por $0x0, $0x0;
	v11 =	vld [tilespmem:s0+$0x0];
	v18 =	vshrl.u32 v6, $0x8  }
0x27b: {  	_ = 	snop  }
0x27c: {  	s0 =	simm.s32 $0xB860  }
0x27d: {  	p6 =	sgt.s32 s22, $0x8;
	v12 =	vld [tilespmem:s0+$0xFFFFFFE0]  }
.Ltmp25:
0x27e: {  	v7 =	vand.u32 $0xFF, v18;
	v6 =	vshrl.u32 v10, $0x8;
	(pc) =	sbr.rel @!p6 .LBB2_51-.Ltmp25, $4  }
0x27f: {  	(xrf1) =	vunique.msk.u32 $0xffff, v7;
	v8 =	vshrl.u32 v11, $0x8;
	v6 =	vand.u32 $0xFF, v6  }
0x280: {  	v14 =	vld [tilespmem:s0+$0xFFFFFFF0];
	v11 =	vshrl.u32 v22, $0x8;
	v9 =	vand.u32 $0xFF, v8;
	(xrf1) =	vunique.msk.u32 $0xffff, v6  }
0x281: {  	v10 =	vld [tilespmem:s0+$0x10];
	v8 =	vand.u32 $0xFF, v11;
	(xrf1) =	vunique.msk.u32 $0xffff, v9  }
0x282: {  	p3 =	por $0x1, $0x1;
	v11 =	vld [tilespmem:s0+$0x0];
	v18 =	vshrl.u32 v12, $0x8;
	(xrf1) =	vunique.msk.u32 $0xffff, v8  }
0x283: {  	_ =	sdelay $0x2  }
0x284: {  	v12 =	vand.u32 $0xFF, v18;
	v10 =	vshrl.u32 v10, $0x8  }
0x285: {  	(xrf1) =	vunique.msk.u32 $0xffff, v12;
	v11 =	vshrl.u32 v11, $0x8;
	v13 =	vand.u32 $0xFF, v10  }
0x286: {  	v14 =	vshrl.u32 v14, $0x8;
	v15 =	vand.u32 $0xFF, v11;
	(xrf1) =	vunique.msk.u32 $0xffff, v13  }
0x287: {  	v16 =	vand.u32 $0xFF, v14;
	(xrf1) =	vunique.msk.u32 $0xffff, v15  }
0x288: {  	(xrf1) =	vunique.msk.u32 $0xffff, v16;
	_ =	sdelay $0x4  }
0x289: {  	s0 =	simm.s32 $0xB8A0  }
0x28a: {  	p6 =	sgt.s32 s22, $0xC;
	v17 =	vld [tilespmem:s0+$0xFFFFFFE0]  }
.Ltmp26:
0x28b: {  	_ = 	snop;
	(pc) =	sbr.rel @!p6 .LBB2_53-.Ltmp26, $4  }
0x28c: {  	_ = 	snop  }
0x28d: {  	v22 =	vld [tilespmem:s0+$0xFFFFFFF0]  }
0x28e: {  	v10 =	vld [tilespmem:s0+$0x10]  }
0x28f: {  	p4 =	por $0x1, $0x1;
	v11 =	vld [tilespmem:s0+$0x0];
	v18 =	vshrl.u32 v17, $0x8;
	_, v14, vm0 =	vpop (xrf1)  }
0x290: {  	_ =	sdelay $0x2  }
0x291: {  	v23 =	vand.u32 $0xFF, v18;
	v17 =	vshrl.u32 v10, $0x8  }
0x292: {  	(xrf1) =	vunique.msk.u32 $0xffff, v23;
	v18 =	vshrl.u32 v11, $0x8;
	v24 =	vand.u32 $0xFF, v17  }
0x293: {  	v25 =	vadd.s32 v3, v14;
	v22 =	vshrl.u32 v22, $0x8;
	v17 =	vand.u32 $0xFF, v18;
	(xrf1) =	vunique.msk.u32 $0xffff, v24  }
0x294: {  	_, v19, vm2 =	vpop (xrf1);
	[tilespmem:v7+s14+$0x0] =	vst.idx.add.s32.msk vm0, v25;
	v25 =	vand.u32 $0xFF, v22;
	(xrf1) =	vunique.msk.u32 $0xffff, v17  }
0x295: {  	s25 =	simm.s32 $0xB8E0;
	_, v20, vm3 =	vpop (xrf1);
	(xrf1) =	vunique.msk.u32 $0xffff, v25  }
0x296: {  	p6 =	sgt.s32 s22, $0x10;
	v21 =	vld [tilespmem:s25+$0xFFFFFFE0];
	v18 =	vadd.s32 v3, v19;
	_, v19, vm1 =	vpop (xrf1)  }
.Ltmp27:
0x297: {  	v10 =	vld [tilespmem:s25+$0x10];
	v22 =	vadd.s32 v3, v20;
	v20 =	vadd.s32 v3, v19;
	v19 =	vmov v8;
	(pc) =	sbr.rel @!p6 .LBB2_55-.Ltmp27, $4  }
0x298: {  	v11 =	vld [tilespmem:s25+$0x0]  }
0x299: {  	v27 =	vld [tilespmem:s25+$0xFFFFFFF0]  }
0x29a: {  	[tilespmem:v6+s14+$0x0] =	vst.idx.add.s32.msk vm2, v18  }
0x29b: {  	s0 =	simm.s32 $0x10;
	p5 =	por $0x1, $0x1;
	v18 =	vshrl.u32 v21, $0x8;
	_, v21, vm2 =	vpop (xrf1);
	[tilespmem:v9+s14+$0x0] =	vst.idx.add.s32.msk vm3, v22  }
.LBB2_56:
0x29c: {  	s0 =	sadd.s32 $0x4, s0;
	v18 =	vand.u32 $0xFF, v18;
	v10 =	vshrl.u32 v10, $0x8;
	s25 =	sadd.s32 $0x40, s25;
	_, v22, vm3 =	vpop (xrf1);
	[tilespmem:v19+s14+$0x0] =	vst.idx.add.s32.msk vm1, v20;
	v26 =	vmov v17  }
0x29d: {  	v19 =	vmov v16;
	v20 =	vld [tilespmem:s25+$0xFFFFFFF0];
	p6 =	slt.s32 s0, s22;
	v11 =	vshrl.u32 v11, $0x8;
	v28 =	vand.u32 $0xFF, v10;
	(xrf1) =	vunique.msk.u32 $0xffff, v18;
	_, v29, vm4 =	vpop (xrf1)  }
0x29e: {  	v27 =	vshrl.u32 v27, $0x8;
	v16 =	vmov v25;
	v30 =	vld [tilespmem:s25+$0xFFFFFFE0];
	v17 =	vand.u32 $0xFF, v11;
	(xrf1) =	vunique.msk.u32 $0xffff, v28;
	_, v31, vm1 =	vpop (xrf1)  }
.Ltmp28:
0x29f: {  	v25 =	vand.u32 $0xFF, v27;
	v10 =	vld [tilespmem:s25+$0x10];
	(xrf1) =	vunique.msk.u32 $0xffff, v17;
	(pc) =	sbr.rel @p6 .LBB2_56-.Ltmp28, $4  }
0x2a0: {  	v33 =	vadd.s32 v3, v21;
	v11 =	vld [tilespmem:s25+$0x0];
	(xrf1) =	vunique.msk.u32 $0xffff, v25  }
0x2a1: {  	v32 =	vadd.s32 v3, v22;
	[tilespmem:v12+s14+$0x0] =	vst.idx.add.s32.msk vm2, v33;
	v12 =	vmov v23;
	v23 =	vmov v18  }
0x2a2: {  	v22 =	vadd.s32 v3, v29;
	[tilespmem:v13+s14+$0x0] =	vst.idx.add.s32.msk vm3, v32;
	v27 =	vmovc v20;
	v13 =	vmov v24;
	v24 =	vmov v28  }
0x2a3: {  	v20 =	vadd.s32 v3, v31;
	v18 =	vshrl.u32 v30, $0x8;
	_, v21, vm2 =	vpop (xrf1);
	[tilespmem:v15+s14+$0x0] =	vst.idx.add.s32.msk vm4, v22;
	v15 =	vmov v26  }
0x2a4: {  	v26 =	vmov v16;
	v28 =	vmov v12  }
0x2a5: {  	v29 =	vmovc v13;
	v22 =	vmovc v27;
	v16 =	vmov v25;
	v12 =	vmov v23;
	v13 =	vmov v24  }
.LBB2_58:
0x2a6: {  	v18 =	vand.u32 $0xFF, v18;
	v10 =	vshrl.u32 v10, $0x8  }
0x2a7: {  	v11 =	vshrl.u32 v11, $0x8;
	v10 =	vand.u32 $0xFF, v10;
	(xrf1) =	vunique.msk.u32 $0xffff, v18  }
0x2a8: {  	v22 =	vshrl.u32 v22, $0x8;
	v11 =	vand.u32 $0xFF, v11;
	(xrf1) =	vunique.msk.u32 $0xffff, v10  }
0x2a9: {  	v22 =	vand.u32 $0xFF, v22;
	(xrf1) =	vunique.msk.u32 $0xffff, v11  }
0x2aa: {  	_, v23, vm3 =	vpop @p4 (xrf1);
	(xrf1) =	vunique.msk.u32 $0xffff, v22  }
0x2ab: {  	_, v24, vm4 =	vpop @p4 (xrf1)  }
0x2ac: {  	_, v25, vm5 =	vpop @p4 (xrf1)  }
0x2ad: {  	_, v27, vm6 =	vpop @p3 (xrf1)  }
0x2ae: {  	v21 =	vadd.s32 @p4 v3, v21;
	vm0 =	vmmov @p3 vm6  }
0x2af: {  	[tilespmem:v19+s14+$0x0] =	vst.idx.add.s32.msk @p5 vm1, v20;
	v19 =	vpsel p4, v26, v0;
	v7 =	vpsel p3, v12, v7  }
0x2b0: {  	v8 =	vpsel p3, v16, v8;
	v23 =	vadd.s32 @p4 v3, v23;
	vm5 =	vmmov @p4 vm5  }
0x2b1: {  	[tilespmem:v28+s14+$0x0] =	vst.idx.add.s32.msk @p4 vm2, v21;
	v21 =	vadd.s32 @p4 v3, v24;
	v16 =	vadd.s32 @p4 v3, v25;
	_, v20, vm1 =	vpop @p3 (xrf1)  }
0x2b2: {  	v14 =	vpsel p3, v27, v14;
	_, v12, vm2 =	vpop @p3 (xrf1);
	[tilespmem:v15+s14+$0x0] =	vst.idx.add.s32.msk @p4 vm4, v21;
	v15 =	vpsel p4, v16, v0  }
0x2b3: {  	v6 =	vpsel p3, v13, v6;
	[tilespmem:v29+s14+$0x0] =	vst.idx.add.s32.msk @p4 vm3, v23;
	v14 =	vadd.s32 @p3 v3, v14;
	_, v13, vm3 =	vpop @p3 (xrf1)  }
0x2b4: {  	v9 =	vpsel p3, v17, v9;
	vm3 =	vmmov @p3 vm3;
	[tilespmem:v7+s14+$0x0] =	vst.idx.add.s32.msk @p3 vm0, v14;
	v7 =	vadd.s32 @p3 v3, v20  }
0x2b5: {  	v8 =	vpsel p3, v8, v0;
	_, v62, vm15 =	vpop (xrf1)  }
0x2b6: {  	[tilespmem:v19+s14+$0x0] =	vst.idx.add.s32.msk @p4 vm5, v15;
	_, v15, vm5 =	vpop (xrf1)  }
0x2b7: {  	_, v14, vm0 =	vpop (xrf1)  }
0x2b8: {  	v12 =	vadd.s32 @p3 v3, v12;
	[tilespmem:v6+s14+$0x0] =	vst.idx.add.s32.msk @p3 vm1, v7;
	v6 =	vadd.s32 @p3 v3, v13;
	_, v7, vm1 =	vpop (xrf1)  }
0x2b9: {  	[tilespmem:v9+s14+$0x0] =	vst.idx.add.s32.msk @p3 vm2, v12;
	v6 =	vpsel p3, v6, v0  }
0x2ba: {  	[tilespmem:v8+s14+$0x0] =	vst.idx.add.s32.msk @p3 vm3, v6;
	v6 =	vadd.s32 v3, v62  }
0x2bb: {  	[tilespmem:v18+s14+$0x0] =	vst.idx.add.s32.msk vm15, v6;
	v6 =	vadd.s32 v3, v15  }
0x2bc: {  	v63 =	vadd.s32 v3, v14;
	[tilespmem:v10+s14+$0x0] =	vst.idx.add.s32.msk vm5, v6  }
0x2bd: {  	v6 =	vadd.s32 v3, v7;
	[tilespmem:v11+s14+$0x0] =	vst.idx.add.s32.msk vm0, v63  }
0x2be: {  	[tilespmem:v22+s14+$0x0] =	vst.idx.add.s32.msk vm1, v6  }
.LBB2_38:
.Ltmp29:
0x2bf: {  	(pc) =	sbr.rel @!p1 .LBB2_39-.Ltmp29, $1  }
0x2c0: {  	_ =	sdelay $0x3  }
0x2c1: {  	s0 =	sshra.s32 s24, $0x2  }
0x2c2: {  	s25 =	smov.u32 s23;
	s0 =	sadd.s32 $0xB800, s0  }
.LBB2_60:
0x2c3: {  	v6 =	vld [tilespmem:s0+$0x0];
	_ =	sdelay $0x4  }
0x2c4: {  	v6 =	vshrl.u32 v6, $0x8  }
0x2c5: {  	v6 =	vand.u32 $0xFF, v6  }
0x2c6: {  	(xrf1) =	vunique.msk.u32 $0xffff, v6;
	_ =	sdelay $0xd  }
0x2c7: {  	_, v7, vm0 =	vpop (xrf1)  }
0x2c8: {  	p3 =	seq.s32 s25, $0x1  }
.Ltmp30:
0x2c9: {  	_ = 	snop;
	(pc) =	sbr.rel @!p3 .LBB2_60-.Ltmp30, $3  }
0x2ca: {  	_ =	sdelay $0x1  }
0x2cb: {  	v7 =	vadd.s32 v3, v7  }
0x2cc: {  	s0 =	sadd.s32 $0x10, s0;
	s25 =	sadd.s32 $0xFFFFFFFF, s25;
	[tilespmem:v6+s14+$0x0] =	vst.idx.add.s32.msk vm0, v7  }
.LBB2_39:
0x2cd: {  	s26 =	simm.s32 $0xC820  }
0x2ce: {  	v6 =	vld [tilespmem:s26+$0xFFFFFFE0]  }
0x2cf: {  	v10 =	vld [tilespmem:s26+$0xFFFFFFF0];
	_ =	sdelay $0x2  }
0x2d0: {  	v12 =	vld [tilespmem:s26+$0x0]  }
0x2d1: {  	(xrf0) =	vadd.scan.msk.s32 $0xffff, v6  }
0x2d2: {  	v13 =	vld [tilespmem:s26+$0x10];
	(xrf0) =	vadd.scan.msk.s32 $0xffff, v10;
	_ =	sdelay $0x2  }
0x2d3: {  	s25 =	simm.s32 $0xC860;
	(xrf0) =	vadd.scan.msk.s32 $0xffff, v12  }
0x2d4: {  	v7 =	vld [tilespmem:s25+$0xFFFFFFE0]  }
0x2d5: {  	(xrf0) =	vadd.scan.msk.s32 $0xffff, v13;
	v8, _, _ =	vpop (xrf0)  }
0x2d6: {  	v9 =	vxor.u32 $0x80000000, v8;
	v17, _, _ =	vpop (xrf0)  }
0x2d7: {  	v16 =	vld [tilespmem:s25+$0xFFFFFFF0];
	(xrf0) =	vmax.scan.msk.u32 $0xffff, v9;
	v9 =	vxor.u32 $0x80000000, v17  }
0x2d8: {  	(xrf0) =	vmax.scan.msk.u32 $0xffff, v9  }
0x2d9: {  	v20 =	vld [tilespmem:s25+$0x0];
	v18, _, _ =	vpop (xrf0);
	(xrf0) =	vadd.scan.msk.s32 $0xffff, v7  }
0x2da: {  	v9 =	vxor.u32 $0x80000000, v18  }
0x2db: {  	v21 =	vld [tilespmem:s25+$0x10];
	v22, _, _ =	vpop (xrf0);
	(xrf0) =	vmax.scan.msk.u32 $0xffff, v9  }
0x2dc: {  	v9 =	vxor.u32 $0x80000000, v22;
	(xrf0) =	vadd.scan.msk.s32 $0xffff, v16  }
0x2dd: {  	(xrf0) =	vmax.scan.msk.u32 $0xffff, v9;
	v19, _, _ =	vpop (xrf0)  }
0x2de: {  	(xrf0) =	vadd.scan.msk.s32 $0xffff, v20;
	v23, _, _ =	vpop (xrf0)  }
0x2df: {  	s28 =	simm.s32 $0xC8A0;
	v9, _, _ =	vpop (xrf0)  }
0x2e0: {  	v11 =	vld [tilespmem:s28+$0xFFFFFFE0];
	(xrf0) =	vadd.scan.msk.s32 $0xffff, v21;
	(v2sf) =	vpush v19, $0xF;
	v14 =	vxor.u32 $0x80000000, v9  }
0x2e1: {  	v24, _, _ =	vpop (xrf0);
	(xrf0) =	vmax.scan.msk.u32 $0xffff, v14  }
0x2e2: {  	v15 =	vld [tilespmem:s28+$0xFFFFFFF0];
	(v2sf) =	vpush v23, $0xF;
	v25, _, _ =	vpop (xrf0)  }
0x2e3: {  	v14 =	vxor.u32 $0x80000000, v25;
	v26, _, _ =	vpop (xrf0)  }
0x2e4: {  	(v2sf) =	vpush v24, $0xF;
	(xrf0) =	vmax.scan.msk.u32 $0xffff, v14;
	v27, _, _ =	vpop (xrf0)  }
0x2e5: {  	(xrf0) =	vadd.scan.msk.s32 $0xffff, v11;
	v28 =	vxor.u32 $0x80000000, v27  }
0x2e6: {  	v14 =	vld [tilespmem:s28+$0x0];
	(v2sf) =	vpush v26, $0xF;
	v23, _, _ =	vpop (xrf0);
	(xrf0) =	vmax.scan.msk.u32 $0xffff, v28  }
0x2e7: {  	v19 =	vsub.s32 v17, v10;
	v17 =	vsub.s32 v22, v13;
	v10 =	vxor.u32 $0x80000000, v23;
	(xrf0) =	vadd.scan.msk.s32 $0xffff, v15;
	v22, _, _ =	vpop (xrf0)  }
0x2e8: {  	(xrf0) =	vmax.scan.msk.u32 $0xffff, v10;
	v10 =	vld [tilespmem:s28+$0x10];
	(v2sf) =	vpush v22, $0xF;
	_ =	sdelay $0x2  }
0x2e9: {  	v18 =	vsub.s32 v18, v12;
	(xrf0) =	vadd.scan.msk.s32 $0xffff, v14  }
0x2ea: {  	s29 =	simm.s32 $0x0;
	s30 =	simm.s32 $0x8;
	s31 =	simm.s32 $0xC8E0;
	v12 =	vsub.s32 v25, v16;
	v13 =	vsub.s32 v27, v20;
	v16 =	vsub.s32 v23, v21;
	v20, _, _ =	vpop (xrf0)  }
.LBB2_40:
0x2eb: {  	v21 =	vld [tilespmem:s31+$0xFFFFFFE0];
	s30 =	sadd.s32 $0x4, s30;
	v22, _, _ =	vpop (xrf0);
	(xrf0) =	vadd.scan.msk.s32 $0xffff, v10;
	(v2sf) =	vpush v20, $0xF;
	v20 =	vsub.s32 s29, v6;
	v6 =	vmov v7;
	s0 =	smov.u32 s25;
	s25 =	smov.u32 s28  }
0x2ec: {  	v7 =	vmov v11;
	s28 =	smov.u32 s31;
	p3 =	slt.u32 s30, $0xC;
	v26 =	vxor.u32 $0x80000000, v22;
	v24, _, _ =	vpop (xrf0);
	v25 =	vadd.s32 v8, v20  }
0x2ed: {  	v8 =	vmov v9;
	v20 =	vld [tilespmem:s31+$0xFFFFFFF0];
	(xrf0) =	vmax.scan.msk.u32 $0xffff, v26;
	v11, _, _ =	vpop (xrf0);
	(v2sf) =	vpush v24, $0xF;
	[tilespmem:s26+$0xFFFFFFE0] =	vst v25;
	s1 =	spop (v2sf)  }
0x2ee: {  	v9 =	vmov v22;
	v15 =	vsub.s32 v11, v15;
	v24 =	vxor.u32 $0x80000000, v11;
	v23, _, _ =	vpop (xrf0);
	s1 =	sadd.s32 s1, s29  }
0x2ef: {  	v22 =	vld [tilespmem:s31+$0x0];
	(xrf0) =	vmax.scan.msk.u32 $0xffff, v24;
	v11, _, _ =	vpop (xrf0);
	(v2sf) =	vpush v23, $0xF;
	s1 =	sadd.s32 $0x80000000, s1;
	s2 =	spop (v2sf);
	v23 =	vmov v10  }
0x2f0: {  	(xrf0) =	vadd.scan.msk.s32 $0xffff, v21;
	v14 =	vsub.s32 v11, v14;
	v24 =	vxor.u32 $0x80000000, v11;
	v25 =	vadd.s32 s1, v19;
	s1 =	sadd.s32 s2, s1;
	v11 =	vmovc v21  }
.Ltmp31:
0x2f1: {  	v19 =	vmov v12;
	v12 =	vmov v15;
	v10 =	vld [tilespmem:s31+$0x10];
	(xrf0) =	vmax.scan.msk.u32 $0xffff, v24;
	v21, _, _ =	vpop (xrf0);
	[tilespmem:s26+$0xFFFFFFF0] =	vst v25;
	s1 =	sadd.s32 $0x80000000, s1;
	s2 =	spop (v2sf);
	(pc) =	sbr.rel @p3 .LBB2_40-.Ltmp31, $4  }
0x2f2: {  	(xrf0) =	vadd.scan.msk.s32 $0xffff, v20;
	v23 =	vsub.s32 v21, v23;
	v21 =	vxor.u32 $0x80000000, v21;
	v24 =	vadd.s32 s1, v18;
	s1 =	sadd.s32 s2, s1;
	v15 =	vmovc v20  }
0x2f3: {  	v18 =	vmov v13;
	v13 =	vmov v14;
	v20, _, _ =	vpop (xrf0);
	(xrf0) =	vmax.scan.msk.u32 $0xffff, v21;
	[tilespmem:s26+$0x0] =	vst v24;
	s1 =	sadd.s32 $0x80000000, s1;
	s2 =	spop (v2sf)  }
0x2f4: {  	(xrf0) =	vadd.scan.msk.s32 $0xffff, v22;
	(v2sf) =	vpush v20, $0xF;
	v21 =	vadd.s32 s1, v17;
	s1 =	sadd.s32 s2, s1;
	v14 =	vmovc v22;
	v17 =	vmov v16  }
0x2f5: {  	s31 =	sadd.s32 $0x40, s31;
	v16 =	vmov v23;
	v20, _, _ =	vpop (xrf0);
	[tilespmem:s26+$0x10] =	vst v21;
	s29 =	sadd.s32 $0x80000000, s1;
	s26 =	smov.u32 s0  }
0x2f6: {  	v21, _, _ =	vpop (xrf0)  }
0x2f7: {  	(xrf0) =	vadd.scan.msk.s32 $0xffff, v10;
	v22 =	vxor.u32 $0x80000000, v21;
	v23, _, _ =	vpop (xrf0)  }
0x2f8: {  	(xrf0) =	vmax.scan.msk.u32 $0xffff, v22;
	v50, _, _ =	vpop (xrf0)  }
0x2f9: {  	(v2sf) =	vpush v20, $0xF;
	v51 =	vxor.u32 $0x80000000, v50;
	v24, _, _ =	vpop (xrf0)  }
0x2fa: {  	(xrf0) =	vmax.scan.msk.u32 $0xffff, v51;
	v52, _, _ =	vpop (xrf0)  }
0x2fb: {  	(v2sf) =	vpush v23, $0xF;
	v53 =	vxor.u32 $0x80000000, v52  }
0x2fc: {  	(xrf0) =	vmax.scan.msk.u32 $0xffff, v53  }
0x2fd: {  	(v2sf) =	vpush v24, $0xF;
	v54, _, _ =	vpop (xrf0)  }
0x2fe: {  	s0 =	spop (v2sf);
	v55, _, _ =	vpop (xrf0)  }
0x2ff: {  	s0 =	sadd.s32 s0, s29;
	v56 =	vxor.u32 $0x80000000, v54;
	(v2sf) =	vpush v55, $0xF  }
0x300: {  	s0 =	sadd.s32 $0x80000000, s0;
	s1 =	spop (v2sf);
	(xrf0) =	vmax.scan.msk.u32 $0xffff, v56;
	v57, _, _ =	vpop (xrf0)  }
0x301: {  	s1 =	sadd.s32 s1, s0;
	(v2sf) =	vpush v57, $0xF  }
0x302: {  	s1 =	sadd.s32 $0x80000000, s1;
	s2 =	spop (v2sf);
	v58, _, _ =	vpop (xrf0)  }
0x303: {  	s2 =	sadd.s32 s2, s1;
	(v2sf) =	vpush v58, $0xF  }
0x304: {  	s4 =	spop (v2sf);
	s2 =	sadd.s32 $0x80000000, s2  }
0x305: {  	s4 =	sadd.s32 s4, s2  }
0x306: {  	s4 =	sadd.s32 $0x80000000, s4;
	s30 =	spop (v2sf);
	v59, _, _ =	vpop (xrf0)  }
0x307: {  	s30 =	sadd.s32 s30, s4;
	(v2sf) =	vpush v59, $0xF  }
0x308: {  	s30 =	sadd.s32 $0x80000000, s30;
	s31 =	spop (v2sf)  }
0x309: {  	v6 =	vsub.s32 s29, v6;
	s31 =	sadd.s32 s31, s30  }
0x30a: {  	v6 =	vadd.s32 v8, v6;
	s29 =	sadd.s32 $0x80000000, s31;
	s31 =	spop (v2sf)  }
0x30b: {  	[tilespmem:s26+$0xFFFFFFE0] =	vst v6;
	v60 =	vadd.s32 s0, v19;
	s31 =	sadd.s32 s31, s29  }
0x30c: {  	[tilespmem:s26+$0xFFFFFFF0] =	vst v60;
	v6 =	vadd.s32 s1, v18;
	s0 =	sadd.s32 $0x80000000, s31;
	s31 =	spop (v2sf)  }
0x30d: {  	[tilespmem:s26+$0x0] =	vst v6;
	v61 =	vadd.s32 s2, v17;
	v7 =	vsub.s32 s4, v7;
	s1 =	sadd.s32 s31, s0  }
0x30e: {  	[tilespmem:s26+$0x10] =	vst v61;
	v6 =	vadd.s32 v9, v7;
	s1 =	sadd.s32 $0x80000000, s1;
	s26 =	spop (v2sf)  }
0x30f: {  	[tilespmem:s25+$0xFFFFFFE0] =	vst v6;
	v7 =	vadd.s32 s30, v12;
	s2 =	sadd.s32 s26, s1  }
0x310: {  	[tilespmem:s25+$0xFFFFFFF0] =	vst v7;
	v6 =	vadd.s32 s29, v13;
	s2 =	sadd.s32 $0x80000000, s2;
	s31 =	spop (v2sf)  }
0x311: {  	[tilespmem:s25+$0x0] =	vst v6;
	v7 =	vadd.s32 s0, v16;
	v6 =	vsub.s32 s1, v11;
	s26 =	sadd.s32 s31, s2  }
.Ltmp32:
0x312: {  	v62 =	vsub.s32 v50, v15;
	[tilespmem:s25+$0x10] =	vst v7;
	v6 =	vadd.s32 v21, v6;
	s0 =	sadd.s32 $0x80000000, s26;
	s29 =	spop (v2sf);
	(pc) =	sbr.rel @!p2 .LBB2_45-.Ltmp32, $4  }
0x313: {  	v7 =	vsub.s32 v52, v14;
	[tilespmem:s28+$0xFFFFFFE0] =	vst v6;
	v6 =	vadd.s32 s2, v62;
	s1 =	sadd.s32 s29, s0  }
0x314: {  	v63 =	vsub.s32 v54, v10;
	[tilespmem:s28+$0xFFFFFFF0] =	vst v6;
	v6 =	vadd.s32 s0, v7;
	s30 =	sadd.s32 $0x80000000, s1  }
0x315: {  	[tilespmem:s28+$0x0] =	vst v6;
	v6 =	vadd.s32 s30, v63  }
0x316: {  	s31 =	spop (v2sf);
	[tilespmem:s28+$0x10] =	vst v6  }
0x317: {  	p3 =	seq.s32 s20, $0x1  }
.Ltmp33:
0x318: {  	_ = 	snop;
	(pc) =	sbr.rel @p3 .LBB2_44-.Ltmp33, $4  }
0x319: {  	s25 =	simm.s32 $0xB800  }
0x31a: {  	v6 =	vld [tilespmem:s25+$0x0]  }
0x31b: {  	s0 =	simm.s32 $0xA800  }
0x31c: {  	s26 =	sadd.s32 $0xFFFFFFFF, s20;
	v7 =	vld [tilespmem:s0+$0x0]  }
.LBB2_43:
0x31d: {  	p3 =	seq.s32 s26, $0x1;
	_ =	sdelay $0x1  }
0x31e: {  	v8 =	vshrl.u32 v6, $0x8  }
0x31f: {  	v8 =	vand.u32 $0xFF, v8  }
0x320: {  	(xrf1) =	vunique.msk.u32 $0xffff, v8;
	_ =	sdelay $0x9  }
0x321: {  	v9 =	vld.idx.msk [tilespmem:v8+s14+$0x0], $0xffff;
	_ =	sdelay $0x3  }
0x322: {  	_, v10, vm0 =	vpop (xrf1)  }
0x323: {  	v10 =	vsub.s32 v10, v2  }
0x324: {  	v9 =	vadd.s32 v9, v10;
	v10 =	vadd.s32 $0x1, v10;
	_ =	sdelay $0x4  }
0x325: {  	[tilespmem:v9+s12+$0x0] =	vst.idx.msk $0xffff, v7  }
.Ltmp34:
0x326: {  	[tilespmem:v9+s13+$0x0] =	vst.idx.msk $0xffff, v6;
	(pc) =	sbr.rel @!p3 .LBB2_43-.Ltmp34, $4  }
0x327: {  	s25 =	sadd.s32 $0x10, s25;
	[tilespmem:v8+s14+$0x0] =	vst.idx.add.s32.msk vm0, v10  }
0x328: {  	s0 =	sadd.s32 $0x10, s0;
	v6 =	vld [tilespmem:s25+$0x0]  }
0x329: {  	v7 =	vld [tilespmem:s0+$0x0]  }
0x32a: {  	s26 =	sadd.s32 $0xFFFFFFFF, s26  }
.LBB2_44:
0x32b: {  	_ =	sdelay $0x1  }
0x32c: {  	v8 =	vshrl.u32 v6, $0x8  }
0x32d: {  	v8 =	vand.u32 $0xFF, v8  }
0x32e: {  	(xrf1) =	vunique.msk.u32 $0xffff, v8;
	_ =	sdelay $0xa  }
0x32f: {  	v9 =	vld.idx.msk [tilespmem:v8+s14+$0x0], $0xffff;
	_ =	sdelay $0x2  }
0x330: {  	_, v10, vm0 =	vpop (xrf1)  }
0x331: {  	v10 =	vsub.s32 v10, v2  }
0x332: {  	v9 =	vadd.s32 v9, v10;
	_ =	sdelay $0x4  }
0x333: {  	[tilespmem:v9+s12+$0x0] =	vst.idx.msk $0xffff, v7  }
0x334: {  	v7 =	vadd.s32 $0x1, v10;
	[tilespmem:v9+s13+$0x0] =	vst.idx.msk $0xffff, v6  }
0x335: {  	[tilespmem:v8+s14+$0x0] =	vst.idx.add.s32.msk vm0, v7  }
.LBB2_45:
0x336: {  	s0 =	simm.s32 $0x0;
	p3 =	por $0x1, $0x1  }
.LBB2_46:
0x337: {  	s0 =	sshra.s32 s0, $0x2  }
0x338: {  	[tilespmem:s0+$0xC800] =	vst v0  }
0x339: {  	[tilespmem:s0+$0xC810] =	vst v0  }
0x33a: {  	p4 =	por p3, p3;
	[tilespmem:s0+$0xC820] =	vst v0  }
.Ltmp35:
0x33b: {  	[tilespmem:s0+$0xC830] =	vst v0;
	(pc) =	sbr.rel @p4 .LBB2_46-.Ltmp35, $4  }
0x33c: {  	[tilespmem:s0+$0xC840] =	vst v0  }
0x33d: {  	[tilespmem:s0+$0xC850] =	vst v0  }
0x33e: {  	[tilespmem:s0+$0xC860] =	vst v0  }
0x33f: {  	p3 =	por $0x0, $0x0;
	[tilespmem:s0+$0xC870] =	vst v0;
	s0 =	simm.s32 $0x200  }
.Ltmp36:
0x340: {  	(pc) =	sbr.rel @p0 .LBB2_61-.Ltmp36, $1  }
0x341: {  	_ =	sdelay $0x3  }
0x342: {  	s0 =	simm.s32 $0x8820  }
0x343: {  	v6 =	vld [tilespmem:s0+$0x10]  }
0x344: {  	v7 =	vld [tilespmem:s0+$0xFFFFFFF0]  }
0x345: {  	p5 =	sgt.s32 s22, $0x4  }
.Ltmp37:
0x346: {  	_ = 	snop;
	(pc) =	sbr.rel @!p5 .LBB2_49-.Ltmp37, $4  }
0x347: {  	_ = 	snop  }
0x348: {  	v6 =	vand.u32 $0xFF, v6  }
0x349: {  	v10 =	vld [tilespmem:s0+$0x0];
	v7 =	vand.u32 $0xFF, v7;
	(xrf1) =	vunique.msk.u32 $0xffff, v6  }
0x34a: {  	p3 =	por $0x0, $0x0;
	p4 =	por $0x0, $0x0;
	v11 =	vld [tilespmem:s0+$0xFFFFFFE0];
	s0 =	simm.s32 $0x8860;
	(xrf1) =	vunique.msk.u32 $0xffff, v7  }
0x34b: {  	_ =	sdelay $0x2  }
0x34c: {  	v12 =	vld [tilespmem:s0+$0x10];
	v9 =	vand.u32 $0xFF, v10  }
0x34d: {  	v13 =	vld [tilespmem:s0+$0xFFFFFFF0];
	v8 =	vand.u32 $0xFF, v11;
	(xrf1) =	vunique.msk.u32 $0xffff, v9  }
0x34e: {  	(xrf1) =	vunique.msk.u32 $0xffff, v8;
	_ =	sdelay $0x2  }
0x34f: {  	v17 =	vand.u32 $0xFF, v12  }
0x350: {  	v14 =	vand.u32 $0xFF, v13;
	(xrf1) =	vunique.msk.u32 $0xffff, v17  }
0x351: {  	(xrf1) =	vunique.msk.u32 $0xffff, v14;
	_ =	sdelay $0x2  }
0x352: {  	p5 =	sgt.s32 s22, $0x8  }
.Ltmp38:
0x353: {  	_ = 	snop;
	(pc) =	sbr.rel @!p5 .LBB2_74-.Ltmp38, $3  }
0x354: {  	_ =	sdelay $0x1  }
0x355: {  	v10 =	vld [tilespmem:s0+$0x0]  }
0x356: {  	s25 =	simm.s32 $0x88A0;
	p3 =	por $0x1, $0x1;
	v11 =	vld [tilespmem:s0+$0xFFFFFFE0]  }
0x357: {  	v15 =	vld [tilespmem:s25+$0x10]  }
0x358: {  	v16 =	vld [tilespmem:s25+$0xFFFFFFF0];
	_ =	sdelay $0x1  }
0x359: {  	v18 =	vand.u32 $0xFF, v10  }
0x35a: {  	v12 =	vand.u32 $0xFF, v11;
	(xrf1) =	vunique.msk.u32 $0xffff, v18  }
0x35b: {  	(xrf1) =	vunique.msk.u32 $0xffff, v12;
	v20 =	vand.u32 $0xFF, v15  }
0x35c: {  	v19 =	vand.u32 $0xFF, v16;
	(xrf1) =	vunique.msk.u32 $0xffff, v20  }
0x35d: {  	(xrf1) =	vunique.msk.u32 $0xffff, v19  }
0x35e: {  	p5 =	sgt.s32 s22, $0xC  }
.Ltmp39:
0x35f: {  	v10 =	vld [tilespmem:s25+$0x0];
	(pc) =	sbr.rel @!p5 .LBB2_76-.Ltmp39, $3  }
0x360: {  	_, v13, vm0 =	vpop (xrf1);
	v11 =	vld [tilespmem:s25+$0xFFFFFFE0];
	_ =	sdelay $0x1  }
0x361: {  	_, v15, vm1 =	vpop (xrf1)  }
0x362: {  	s0 =	simm.s32 $0xC;
	p4 =	por $0x1, $0x1;
	s25 =	simm.s32 $0x88E0;
	v15 =	vadd.s32 v3, v15;
	_, v16, vm2 =	vpop (xrf1)  }
.LBB2_77:
0x363: {  	v21 =	vld [tilespmem:s25+$0x10];
	s0 =	sadd.s32 $0x4, s0;
	v22 =	vand.u32 $0xFF, v10;
	v16 =	vadd.s32 v3, v16;
	_, v10, vm3 =	vpop (xrf1);
	v23 =	vmov v12  }
0x364: {  	v24 =	vld [tilespmem:s25+$0xFFFFFFF0];
	p5 =	slt.s32 s0, s22;
	v12 =	vand.u32 $0xFF, v11;
	(xrf1) =	vunique.msk.u32 $0xffff, v22;
	v25 =	vadd.s32 v3, v10;
	v10 =	vadd.s32 v3, v13  }
0x365: {  	(xrf1) =	vunique.msk.u32 $0xffff, v12;
	[tilespmem:v6+s14+$0x0] =	vst.idx.add.s32.msk vm0, v10;
	v6 =	vmov v17;
	v17 =	vmov v20  }
.Ltmp40:
0x366: {  	v10 =	vld [tilespmem:s25+$0x0];
	(pc) =	sbr.rel @p5 .LBB2_77-.Ltmp40, $4  }
0x367: {  	v11 =	vld [tilespmem:s25+$0xFFFFFFE0];
	_, v13, vm0 =	vpop (xrf1)  }
0x368: {  	v20 =	vand.u32 $0xFF, v21;
	[tilespmem:v7+s14+$0x0] =	vst.idx.add.s32.msk vm1, v15;
	_, v15, vm1 =	vpop (xrf1);
	v7 =	vmov v14;
	v14 =	vmov v19  }
0x369: {  	v19 =	vand.u32 $0xFF, v24;
	(xrf1) =	vunique.msk.u32 $0xffff, v20;
	v15 =	vadd.s32 v3, v15;
	[tilespmem:v8+s14+$0x0] =	vst.idx.add.s32.msk vm3, v25;
	v8 =	vmovc v23  }
0x36a: {  	s25 =	sadd.s32 $0x40, s25;
	(xrf1) =	vunique.msk.u32 $0xffff, v19;
	[tilespmem:v9+s14+$0x0] =	vst.idx.add.s32.msk vm2, v16;
	_, v16, vm2 =	vpop (xrf1);
	v9 =	vmov v18;
	v18 =	vmov v22  }
0x36b: {  	v21 =	vmov v6;
	v24 =	vmov v7;
	v23 =	vmov v9  }
0x36c: {  	v22 =	vmovc v17;
	v6 =	vmovc v20;
	v20 =	vmov v14;
	v7 =	vmov v19;
	v9 =	vmov v18  }
.LBB2_79:
0x36d: {  	v10 =	vand.u32 $0xFF, v10  }
0x36e: {  	v11 =	vand.u32 $0xFF, v11;
	(xrf1) =	vunique.msk.u32 $0xffff, v10  }
0x36f: {  	(xrf1) =	vunique.msk.u32 $0xffff, v11;
	_ =	sdelay $0x2  }
0x370: {  	_, v14, vm3 =	vpop @p4 (xrf1)  }
0x371: {  	v13 =	vadd.s32 @p4 v3, v13;
	_ =	sdelay $0x1  }
0x372: {  	v18 =	vmov @p3 v22;
	_, v17, vm4 =	vpop @p3 (xrf1)  }
0x373: {  	[tilespmem:v21+s14+$0x0] =	vst.idx.add.s32.msk @p4 vm0, v13;
	v18 =	vpsel p3, v18, v0;
	_, v19, vm5 =	vpop @p3 (xrf1);
	vm4 =	vmmov @p3 vm4;
	v13 =	vmov @p3 v20  }
0x374: {  	[tilespmem:v24+s14+$0x0] =	vst.idx.add.s32.msk @p4 vm1, v15;
	v14 =	vadd.s32 @p4 v3, v14;
	_, v20, vm0 =	vpop @p3 (xrf1);
	vm5 =	vmmov @p3 vm5;
	v13 =	vpsel p3, v13, v0  }
0x375: {  	_, v15, vm1 =	vpop @p3 (xrf1);
	[tilespmem:v8+s14+$0x0] =	vst.idx.add.s32.msk @p4 vm3, v14;
	v14 =	vadd.s32 @p4 v3, v16;
	v16 =	vpsel p3, v17, v0  }
0x376: {  	vm0 =	vmmov @p3 vm0;
	v8 =	vmovc @p3 v9;
	v9 =	vpsel p3, v12, v0;
	v16 =	vadd.s32 @p3 v3, v16  }
0x377: {  	v8 =	vpsel p3, v8, v0;
	_, v59, vm14 =	vpop (xrf1)  }
0x378: {  	[tilespmem:v23+s14+$0x0] =	vst.idx.add.s32.msk @p4 vm2, v14;
	v14 =	vadd.s32 @p3 v3, v19;
	_, v60, vm6 =	vpop (xrf1)  }
0x379: {  	[tilespmem:v18+s14+$0x0] =	vst.idx.add.s32.msk @p3 vm4, v16;
	v14 =	vpsel p3, v14, v0;
	_, v61, vm15 =	vpop (xrf1)  }
0x37a: {  	[tilespmem:v13+s14+$0x0] =	vst.idx.add.s32.msk @p3 vm5, v14;
	v13 =	vpsel p3, v20, v0;
	v14 =	vadd.s32 @p3 v3, v15;
	_, v16, vm4 =	vpop (xrf1)  }
0x37b: {  	[tilespmem:v9+s14+$0x0] =	vst.idx.add.s32.msk @p3 vm1, v14;
	v9 =	vadd.s32 @p3 v3, v13  }
0x37c: {  	v62 =	vadd.s32 v3, v59;
	[tilespmem:v8+s14+$0x0] =	vst.idx.add.s32.msk @p3 vm0, v9  }
0x37d: {  	v63 =	vadd.s32 v3, v60;
	[tilespmem:v6+s14+$0x0] =	vst.idx.add.s32.msk vm14, v62  }
0x37e: {  	[tilespmem:v7+s14+$0x0] =	vst.idx.add.s32.msk vm6, v63;
	v7 =	vadd.s32 v3, v61  }
0x37f: {  	v6 =	vadd.s32 v3, v16;
	[tilespmem:v10+s14+$0x0] =	vst.idx.add.s32.msk vm15, v7  }
0x380: {  	[tilespmem:v11+s14+$0x0] =	vst.idx.add.s32.msk vm4, v6  }
.LBB2_61:
.Ltmp41:
0x381: {  	(pc) =	sbr.rel @!p1 .LBB2_62-.Ltmp41, $1  }
0x382: {  	_ =	sdelay $0x3  }
0x383: {  	s0 =	sshra.s32 s24, $0x2  }
0x384: {  	s25 =	smov.u32 s23;
	s0 =	sadd.s32 $0x8800, s0  }
.LBB2_81:
0x385: {  	v6 =	vld [tilespmem:s0+$0x0];
	_ =	sdelay $0x4  }
0x386: {  	v6 =	vand.u32 $0xFF, v6  }
0x387: {  	(xrf1) =	vunique.msk.u32 $0xffff, v6;
	_ =	sdelay $0xd  }
0x388: {  	_, v7, vm0 =	vpop (xrf1)  }
0x389: {  	p3 =	seq.s32 s25, $0x1  }
.Ltmp42:
0x38a: {  	_ = 	snop;
	(pc) =	sbr.rel @!p3 .LBB2_81-.Ltmp42, $3  }
0x38b: {  	_ =	sdelay $0x1  }
0x38c: {  	v7 =	vadd.s32 v3, v7  }
0x38d: {  	s0 =	sadd.s32 $0x10, s0;
	s25 =	sadd.s32 $0xFFFFFFFF, s25;
	[tilespmem:v6+s14+$0x0] =	vst.idx.add.s32.msk vm0, v7  }
.LBB2_62:
0x38e: {  	s26 =	simm.s32 $0xC820  }
0x38f: {  	v6 =	vld [tilespmem:s26+$0xFFFFFFE0]  }
0x390: {  	v10 =	vld [tilespmem:s26+$0xFFFFFFF0];
	_ =	sdelay $0x2  }
0x391: {  	v12 =	vld [tilespmem:s26+$0x0]  }
0x392: {  	(xrf0) =	vadd.scan.msk.s32 $0xffff, v6  }
0x393: {  	v13 =	vld [tilespmem:s26+$0x10];
	(xrf0) =	vadd.scan.msk.s32 $0xffff, v10;
	_ =	sdelay $0x2  }
0x394: {  	s25 =	simm.s32 $0xC860;
	(xrf0) =	vadd.scan.msk.s32 $0xffff, v12  }
0x395: {  	v7 =	vld [tilespmem:s25+$0xFFFFFFE0]  }
0x396: {  	(xrf0) =	vadd.scan.msk.s32 $0xffff, v13;
	v8, _, _ =	vpop (xrf0)  }
0x397: {  	v9 =	vxor.u32 $0x80000000, v8;
	v17, _, _ =	vpop (xrf0)  }
0x398: {  	v16 =	vld [tilespmem:s25+$0xFFFFFFF0];
	(xrf0) =	vmax.scan.msk.u32 $0xffff, v9;
	v9 =	vxor.u32 $0x80000000, v17  }
0x399: {  	(xrf0) =	vmax.scan.msk.u32 $0xffff, v9  }
0x39a: {  	v20 =	vld [tilespmem:s25+$0x0];
	v18, _, _ =	vpop (xrf0);
	(xrf0) =	vadd.scan.msk.s32 $0xffff, v7  }
0x39b: {  	v9 =	vxor.u32 $0x80000000, v18  }
0x39c: {  	v21 =	vld [tilespmem:s25+$0x10];
	v22, _, _ =	vpop (xrf0);
	(xrf0) =	vmax.scan.msk.u32 $0xffff, v9  }
0x39d: {  	v9 =	vxor.u32 $0x80000000, v22;
	(xrf0) =	vadd.scan.msk.s32 $0xffff, v16  }
0x39e: {  	(xrf0) =	vmax.scan.msk.u32 $0xffff, v9;
	v19, _, _ =	vpop (xrf0)  }
0x39f: {  	(xrf0) =	vadd.scan.msk.s32 $0xffff, v20;
	v23, _, _ =	vpop (xrf0)  }
0x3a0: {  	s28 =	simm.s32 $0xC8A0;
	v9, _, _ =	vpop (xrf0)  }
0x3a1: {  	v11 =	vld [tilespmem:s28+$0xFFFFFFE0];
	(xrf0) =	vadd.scan.msk.s32 $0xffff, v21;
	(v2sf) =	vpush v19, $0xF;
	v14 =	vxor.u32 $0x80000000, v9  }
0x3a2: {  	v24, _, _ =	vpop (xrf0);
	(xrf0) =	vmax.scan.msk.u32 $0xffff, v14  }
0x3a3: {  	v15 =	vld [tilespmem:s28+$0xFFFFFFF0];
	(v2sf) =	vpush v23, $0xF;
	v25, _, _ =	vpop (xrf0)  }
0x3a4: {  	v14 =	vxor.u32 $0x80000000, v25;
	v26, _, _ =	vpop (xrf0)  }
0x3a5: {  	(v2sf) =	vpush v24, $0xF;
	(xrf0) =	vmax.scan.msk.u32 $0xffff, v14;
	v27, _, _ =	vpop (xrf0)  }
0x3a6: {  	(xrf0) =	vadd.scan.msk.s32 $0xffff, v11;
	v28 =	vxor.u32 $0x80000000, v27  }
0x3a7: {  	v14 =	vld [tilespmem:s28+$0x0];
	(v2sf) =	vpush v26, $0xF;
	v23, _, _ =	vpop (xrf0);
	(xrf0) =	vmax.scan.msk.u32 $0xffff, v28  }
0x3a8: {  	v19 =	vsub.s32 v17, v10;
	v17 =	vsub.s32 v22, v13;
	v10 =	vxor.u32 $0x80000000, v23;
	(xrf0) =	vadd.scan.msk.s32 $0xffff, v15;
	v22, _, _ =	vpop (xrf0)  }
0x3a9: {  	(xrf0) =	vmax.scan.msk.u32 $0xffff, v10;
	v10 =	vld [tilespmem:s28+$0x10];
	(v2sf) =	vpush v22, $0xF;
	_ =	sdelay $0x2  }
0x3aa: {  	v18 =	vsub.s32 v18, v12;
	(xrf0) =	vadd.scan.msk.s32 $0xffff, v14  }
0x3ab: {  	s29 =	simm.s32 $0x0;
	s30 =	simm.s32 $0x8;
	s31 =	simm.s32 $0xC8E0;
	v12 =	vsub.s32 v25, v16;
	v13 =	vsub.s32 v27, v20;
	v16 =	vsub.s32 v23, v21;
	v20, _, _ =	vpop (xrf0)  }
.LBB2_63:
0x3ac: {  	v21 =	vld [tilespmem:s31+$0xFFFFFFE0];
	s30 =	sadd.s32 $0x4, s30;
	v22, _, _ =	vpop (xrf0);
	(xrf0) =	vadd.scan.msk.s32 $0xffff, v10;
	(v2sf) =	vpush v20, $0xF;
	v20 =	vsub.s32 s29, v6;
	v6 =	vmov v7;
	s0 =	smov.u32 s25;
	s25 =	smov.u32 s28  }
0x3ad: {  	v7 =	vmov v11;
	s28 =	smov.u32 s31;
	p3 =	slt.u32 s30, $0xC;
	v26 =	vxor.u32 $0x80000000, v22;
	v24, _, _ =	vpop (xrf0);
	v25 =	vadd.s32 v8, v20  }
0x3ae: {  	v8 =	vmov v9;
	v20 =	vld [tilespmem:s31+$0xFFFFFFF0];
	(xrf0) =	vmax.scan.msk.u32 $0xffff, v26;
	v11, _, _ =	vpop (xrf0);
	(v2sf) =	vpush v24, $0xF;
	[tilespmem:s26+$0xFFFFFFE0] =	vst v25;
	s1 =	spop (v2sf)  }
0x3af: {  	v9 =	vmov v22;
	v15 =	vsub.s32 v11, v15;
	v24 =	vxor.u32 $0x80000000, v11;
	v23, _, _ =	vpop (xrf0);
	s1 =	sadd.s32 s1, s29  }
0x3b0: {  	v22 =	vld [tilespmem:s31+$0x0];
	(xrf0) =	vmax.scan.msk.u32 $0xffff, v24;
	v11, _, _ =	vpop (xrf0);
	(v2sf) =	vpush v23, $0xF;
	s1 =	sadd.s32 $0x80000000, s1;
	s2 =	spop (v2sf);
	v23 =	vmov v10  }
0x3b1: {  	(xrf0) =	vadd.scan.msk.s32 $0xffff, v21;
	v14 =	vsub.s32 v11, v14;
	v24 =	vxor.u32 $0x80000000, v11;
	v25 =	vadd.s32 s1, v19;
	s1 =	sadd.s32 s2, s1;
	v11 =	vmovc v21  }
.Ltmp43:
0x3b2: {  	v19 =	vmov v12;
	v12 =	vmov v15;
	v10 =	vld [tilespmem:s31+$0x10];
	(xrf0) =	vmax.scan.msk.u32 $0xffff, v24;
	v21, _, _ =	vpop (xrf0);
	[tilespmem:s26+$0xFFFFFFF0] =	vst v25;
	s1 =	sadd.s32 $0x80000000, s1;
	s2 =	spop (v2sf);
	(pc) =	sbr.rel @p3 .LBB2_63-.Ltmp43, $4  }
0x3b3: {  	(xrf0) =	vadd.scan.msk.s32 $0xffff, v20;
	v23 =	vsub.s32 v21, v23;
	v21 =	vxor.u32 $0x80000000, v21;
	v24 =	vadd.s32 s1, v18;
	s1 =	sadd.s32 s2, s1;
	v15 =	vmovc v20  }
0x3b4: {  	v18 =	vmov v13;
	v13 =	vmov v14;
	v20, _, _ =	vpop (xrf0);
	(xrf0) =	vmax.scan.msk.u32 $0xffff, v21;
	[tilespmem:s26+$0x0] =	vst v24;
	s1 =	sadd.s32 $0x80000000, s1;
	s2 =	spop (v2sf)  }
0x3b5: {  	(xrf0) =	vadd.scan.msk.s32 $0xffff, v22;
	(v2sf) =	vpush v20, $0xF;
	v21 =	vadd.s32 s1, v17;
	s1 =	sadd.s32 s2, s1;
	v14 =	vmovc v22;
	v17 =	vmov v16  }
0x3b6: {  	s31 =	sadd.s32 $0x40, s31;
	v16 =	vmov v23;
	v20, _, _ =	vpop (xrf0);
	[tilespmem:s26+$0x10] =	vst v21;
	s29 =	sadd.s32 $0x80000000, s1;
	s26 =	smov.u32 s0  }
0x3b7: {  	v21, _, _ =	vpop (xrf0)  }
0x3b8: {  	(xrf0) =	vadd.scan.msk.s32 $0xffff, v10;
	v22 =	vxor.u32 $0x80000000, v21;
	v23, _, _ =	vpop (xrf0)  }
0x3b9: {  	(xrf0) =	vmax.scan.msk.u32 $0xffff, v22;
	v50, _, _ =	vpop (xrf0)  }
0x3ba: {  	(v2sf) =	vpush v20, $0xF;
	v51 =	vxor.u32 $0x80000000, v50;
	v24, _, _ =	vpop (xrf0)  }
0x3bb: {  	(xrf0) =	vmax.scan.msk.u32 $0xffff, v51;
	v52, _, _ =	vpop (xrf0)  }
0x3bc: {  	(v2sf) =	vpush v23, $0xF;
	v53 =	vxor.u32 $0x80000000, v52  }
0x3bd: {  	(xrf0) =	vmax.scan.msk.u32 $0xffff, v53  }
0x3be: {  	(v2sf) =	vpush v24, $0xF;
	v54, _, _ =	vpop (xrf0)  }
0x3bf: {  	s0 =	spop (v2sf);
	v55, _, _ =	vpop (xrf0)  }
0x3c0: {  	s0 =	sadd.s32 s0, s29;
	v56 =	vxor.u32 $0x80000000, v54;
	(v2sf) =	vpush v55, $0xF  }
0x3c1: {  	s0 =	sadd.s32 $0x80000000, s0;
	s1 =	spop (v2sf);
	(xrf0) =	vmax.scan.msk.u32 $0xffff, v56;
	v57, _, _ =	vpop (xrf0)  }
0x3c2: {  	s1 =	sadd.s32 s1, s0;
	(v2sf) =	vpush v57, $0xF  }
0x3c3: {  	s1 =	sadd.s32 $0x80000000, s1;
	s2 =	spop (v2sf);
	v58, _, _ =	vpop (xrf0)  }
0x3c4: {  	s2 =	sadd.s32 s2, s1;
	(v2sf) =	vpush v58, $0xF  }
0x3c5: {  	s4 =	spop (v2sf);
	s2 =	sadd.s32 $0x80000000, s2  }
0x3c6: {  	s4 =	sadd.s32 s4, s2  }
0x3c7: {  	s4 =	sadd.s32 $0x80000000, s4;
	s30 =	spop (v2sf);
	v59, _, _ =	vpop (xrf0)  }
0x3c8: {  	s30 =	sadd.s32 s30, s4;
	(v2sf) =	vpush v59, $0xF  }
0x3c9: {  	s30 =	sadd.s32 $0x80000000, s30;
	s31 =	spop (v2sf)  }
0x3ca: {  	v6 =	vsub.s32 s29, v6;
	s31 =	sadd.s32 s31, s30  }
0x3cb: {  	v6 =	vadd.s32 v8, v6;
	s29 =	sadd.s32 $0x80000000, s31;
	s31 =	spop (v2sf)  }
0x3cc: {  	[tilespmem:s26+$0xFFFFFFE0] =	vst v6;
	v60 =	vadd.s32 s0, v19;
	s31 =	sadd.s32 s31, s29  }
0x3cd: {  	[tilespmem:s26+$0xFFFFFFF0] =	vst v60;
	v6 =	vadd.s32 s1, v18;
	s0 =	sadd.s32 $0x80000000, s31;
	s31 =	spop (v2sf)  }
0x3ce: {  	[tilespmem:s26+$0x0] =	vst v6;
	v61 =	vadd.s32 s2, v17;
	v7 =	vsub.s32 s4, v7;
	s1 =	sadd.s32 s31, s0  }
0x3cf: {  	[tilespmem:s26+$0x10] =	vst v61;
	v6 =	vadd.s32 v9, v7;
	s1 =	sadd.s32 $0x80000000, s1;
	s26 =	spop (v2sf)  }
0x3d0: {  	[tilespmem:s25+$0xFFFFFFE0] =	vst v6;
	v7 =	vadd.s32 s30, v12;
	s2 =	sadd.s32 s26, s1  }
0x3d1: {  	[tilespmem:s25+$0xFFFFFFF0] =	vst v7;
	v6 =	vadd.s32 s29, v13;
	s2 =	sadd.s32 $0x80000000, s2;
	s31 =	spop (v2sf)  }
0x3d2: {  	[tilespmem:s25+$0x0] =	vst v6;
	v7 =	vadd.s32 s0, v16;
	v6 =	vsub.s32 s1, v11;
	s26 =	sadd.s32 s31, s2  }
.Ltmp44:
0x3d3: {  	v62 =	vsub.s32 v50, v15;
	[tilespmem:s25+$0x10] =	vst v7;
	v6 =	vadd.s32 v21, v6;
	s0 =	sadd.s32 $0x80000000, s26;
	s29 =	spop (v2sf);
	(pc) =	sbr.rel @!p2 .LBB2_68-.Ltmp44, $4  }
0x3d4: {  	v7 =	vsub.s32 v52, v14;
	[tilespmem:s28+$0xFFFFFFE0] =	vst v6;
	v6 =	vadd.s32 s2, v62;
	s1 =	sadd.s32 s29, s0  }
0x3d5: {  	v63 =	vsub.s32 v54, v10;
	[tilespmem:s28+$0xFFFFFFF0] =	vst v6;
	v6 =	vadd.s32 s0, v7;
	s30 =	sadd.s32 $0x80000000, s1  }
0x3d6: {  	[tilespmem:s28+$0x0] =	vst v6;
	v6 =	vadd.s32 s30, v63  }
0x3d7: {  	s31 =	spop (v2sf);
	[tilespmem:s28+$0x10] =	vst v6  }
0x3d8: {  	p3 =	seq.s32 s20, $0x1  }
.Ltmp45:
0x3d9: {  	_ = 	snop;
	(pc) =	sbr.rel @p3 .LBB2_67-.Ltmp45, $4  }
0x3da: {  	s0 =	simm.s32 $0x8800  }
0x3db: {  	v6 =	vld [tilespmem:s0+$0x0]  }
0x3dc: {  	s25 =	simm.s32 $0x9800  }
0x3dd: {  	s26 =	sadd.s32 $0xFFFFFFFF, s20;
	v7 =	vld [tilespmem:s25+$0x0]  }
.LBB2_66:
0x3de: {  	p3 =	seq.s32 s26, $0x1;
	_ =	sdelay $0x1  }
0x3df: {  	v8 =	vand.u32 $0xFF, v6  }
0x3e0: {  	(xrf1) =	vunique.msk.u32 $0xffff, v8;
	_ =	sdelay $0x9  }
0x3e1: {  	v9 =	vld.idx.msk [tilespmem:v8+s14+$0x0], $0xffff;
	_ =	sdelay $0x3  }
0x3e2: {  	_, v10, vm0 =	vpop (xrf1)  }
0x3e3: {  	v10 =	vsub.s32 v10, v2  }
0x3e4: {  	v9 =	vadd.s32 v9, v10;
	v10 =	vadd.s32 $0x1, v10;
	_ =	sdelay $0x4  }
0x3e5: {  	[tilespmem:v9+s15+$0x0] =	vst.idx.msk $0xffff, v6  }
.Ltmp46:
0x3e6: {  	[tilespmem:v9+s16+$0x0] =	vst.idx.msk $0xffff, v7;
	(pc) =	sbr.rel @!p3 .LBB2_66-.Ltmp46, $4  }
0x3e7: {  	s0 =	sadd.s32 $0x10, s0;
	[tilespmem:v8+s14+$0x0] =	vst.idx.add.s32.msk vm0, v10  }
0x3e8: {  	s25 =	sadd.s32 $0x10, s25;
	v6 =	vld [tilespmem:s0+$0x0]  }
0x3e9: {  	v7 =	vld [tilespmem:s25+$0x0]  }
0x3ea: {  	s26 =	sadd.s32 $0xFFFFFFFF, s26  }
.LBB2_67:
0x3eb: {  	_ =	sdelay $0x1  }
0x3ec: {  	v8 =	vand.u32 $0xFF, v6  }
0x3ed: {  	(xrf1) =	vunique.msk.u32 $0xffff, v8;
	_ =	sdelay $0xa  }
0x3ee: {  	v9 =	vld.idx.msk [tilespmem:v8+s14+$0x0], $0xffff;
	_ =	sdelay $0x2  }
0x3ef: {  	_, v10, vm0 =	vpop (xrf1)  }
0x3f0: {  	v10 =	vsub.s32 v10, v2  }
0x3f1: {  	v9 =	vadd.s32 v9, v10;
	_ =	sdelay $0x4  }
0x3f2: {  	[tilespmem:v9+s15+$0x0] =	vst.idx.msk $0xffff, v6  }
0x3f3: {  	v6 =	vadd.s32 $0x1, v10;
	[tilespmem:v9+s16+$0x0] =	vst.idx.msk $0xffff, v7  }
0x3f4: {  	[tilespmem:v8+s14+$0x0] =	vst.idx.add.s32.msk vm0, v6  }
.LBB2_68:
0x3f5: {  	s0 =	simm.s32 $0x0;
	p3 =	por $0x1, $0x1  }
.LBB2_69:
0x3f6: {  	s0 =	sshra.s32 s0, $0x2  }
0x3f7: {  	[tilespmem:s0+$0xC800] =	vst v0  }
0x3f8: {  	[tilespmem:s0+$0xC810] =	vst v0  }
0x3f9: {  	p4 =	por p3, p3;
	[tilespmem:s0+$0xC820] =	vst v0  }
.Ltmp47:
0x3fa: {  	[tilespmem:s0+$0xC830] =	vst v0;
	(pc) =	sbr.rel @p4 .LBB2_69-.Ltmp47, $4  }
0x3fb: {  	[tilespmem:s0+$0xC840] =	vst v0  }
0x3fc: {  	[tilespmem:s0+$0xC850] =	vst v0  }
0x3fd: {  	[tilespmem:s0+$0xC860] =	vst v0  }
0x3fe: {  	p3 =	por $0x0, $0x0;
	[tilespmem:s0+$0xC870] =	vst v0;
	s0 =	simm.s32 $0x200  }
.Ltmp48:
0x3ff: {  	(pc) =	sbr.rel @p0 .LBB2_82-.Ltmp48, $1  }
0x400: {  	_ =	sdelay $0x3  }
0x401: {  	s0 =	simm.s32 $0xA820  }
0x402: {  	p6 =	sgt.s32 s22, $0x4;
	v6 =	vld [tilespmem:s0+$0xFFFFFFE0]  }
.Ltmp49:
0x403: {  	_ = 	snop;
	(pc) =	sbr.rel @!p6 .LBB2_72-.Ltmp49, $4  }
0x404: {  	_ = 	snop  }
0x405: {  	v22 =	vld [tilespmem:s0+$0xFFFFFFF0]  }
0x406: {  	v10 =	vld [tilespmem:s0+$0x10]  }
0x407: {  	p3 =	por $0x0, $0x0;
	p4 =	por $0x0, $0x0;
	p5 =	por $0x0, $0x0;
	v11 =	vld [tilespmem:s0+$0x0];
	v18 =	vshrl.u32 v6, $0x8  }
0x408: {  	_ = 	snop  }
0x409: {  	s0 =	simm.s32 $0xA860  }
0x40a: {  	p6 =	sgt.s32 s22, $0x8;
	v12 =	vld [tilespmem:s0+$0xFFFFFFE0]  }
.Ltmp50:
0x40b: {  	v7 =	vand.u32 $0xFF, v18;
	v6 =	vshrl.u32 v10, $0x8;
	(pc) =	sbr.rel @!p6 .LBB2_95-.Ltmp50, $4  }
0x40c: {  	(xrf1) =	vunique.msk.u32 $0xffff, v7;
	v8 =	vshrl.u32 v11, $0x8;
	v6 =	vand.u32 $0xFF, v6  }
0x40d: {  	v14 =	vld [tilespmem:s0+$0xFFFFFFF0];
	v11 =	vshrl.u32 v22, $0x8;
	v9 =	vand.u32 $0xFF, v8;
	(xrf1) =	vunique.msk.u32 $0xffff, v6  }
0x40e: {  	v10 =	vld [tilespmem:s0+$0x10];
	v8 =	vand.u32 $0xFF, v11;
	(xrf1) =	vunique.msk.u32 $0xffff, v9  }
0x40f: {  	p3 =	por $0x1, $0x1;
	v11 =	vld [tilespmem:s0+$0x0];
	v18 =	vshrl.u32 v12, $0x8;
	(xrf1) =	vunique.msk.u32 $0xffff, v8  }
0x410: {  	_ =	sdelay $0x2  }
0x411: {  	v12 =	vand.u32 $0xFF, v18;
	v10 =	vshrl.u32 v10, $0x8  }
0x412: {  	(xrf1) =	vunique.msk.u32 $0xffff, v12;
	v11 =	vshrl.u32 v11, $0x8;
	v13 =	vand.u32 $0xFF, v10  }
0x413: {  	v14 =	vshrl.u32 v14, $0x8;
	v15 =	vand.u32 $0xFF, v11;
	(xrf1) =	vunique.msk.u32 $0xffff, v13  }
0x414: {  	v16 =	vand.u32 $0xFF, v14;
	(xrf1) =	vunique.msk.u32 $0xffff, v15  }
0x415: {  	(xrf1) =	vunique.msk.u32 $0xffff, v16;
	_ =	sdelay $0x4  }
0x416: {  	s0 =	simm.s32 $0xA8A0  }
0x417: {  	p6 =	sgt.s32 s22, $0xC;
	v17 =	vld [tilespmem:s0+$0xFFFFFFE0]  }
.Ltmp51:
0x418: {  	_ = 	snop;
	(pc) =	sbr.rel @!p6 .LBB2_97-.Ltmp51, $4  }
0x419: {  	_ = 	snop  }
0x41a: {  	v22 =	vld [tilespmem:s0+$0xFFFFFFF0]  }
0x41b: {  	v10 =	vld [tilespmem:s0+$0x10]  }
0x41c: {  	p4 =	por $0x1, $0x1;
	v11 =	vld [tilespmem:s0+$0x0];
	v18 =	vshrl.u32 v17, $0x8;
	_, v14, vm0 =	vpop (xrf1)  }
0x41d: {  	_ =	sdelay $0x2  }
0x41e: {  	v23 =	vand.u32 $0xFF, v18;
	v17 =	vshrl.u32 v10, $0x8  }
0x41f: {  	(xrf1) =	vunique.msk.u32 $0xffff, v23;
	v18 =	vshrl.u32 v11, $0x8;
	v24 =	vand.u32 $0xFF, v17  }
0x420: {  	v25 =	vadd.s32 v3, v14;
	v22 =	vshrl.u32 v22, $0x8;
	v17 =	vand.u32 $0xFF, v18;
	(xrf1) =	vunique.msk.u32 $0xffff, v24  }
0x421: {  	_, v19, vm2 =	vpop (xrf1);
	[tilespmem:v7+s14+$0x0] =	vst.idx.add.s32.msk vm0, v25;
	v25 =	vand.u32 $0xFF, v22;
	(xrf1) =	vunique.msk.u32 $0xffff, v17  }
0x422: {  	s25 =	simm.s32 $0xA8E0;
	_, v20, vm3 =	vpop (xrf1);
	(xrf1) =	vunique.msk.u32 $0xffff, v25  }
0x423: {  	p6 =	sgt.s32 s22, $0x10;
	v21 =	vld [tilespmem:s25+$0xFFFFFFE0];
	v18 =	vadd.s32 v3, v19;
	_, v19, vm1 =	vpop (xrf1)  }
.Ltmp52:
0x424: {  	v10 =	vld [tilespmem:s25+$0x10];
	v22 =	vadd.s32 v3, v20;
	v20 =	vadd.s32 v3, v19;
	v19 =	vmov v8;
	(pc) =	sbr.rel @!p6 .LBB2_99-.Ltmp52, $4  }
0x425: {  	v11 =	vld [tilespmem:s25+$0x0]  }
0x426: {  	v27 =	vld [tilespmem:s25+$0xFFFFFFF0]  }
0x427: {  	[tilespmem:v6+s14+$0x0] =	vst.idx.add.s32.msk vm2, v18  }
0x428: {  	s0 =	simm.s32 $0x10;
	p5 =	por $0x1, $0x1;
	v18 =	vshrl.u32 v21, $0x8;
	_, v21, vm2 =	vpop (xrf1);
	[tilespmem:v9+s14+$0x0] =	vst.idx.add.s32.msk vm3, v22  }
.LBB2_100:
0x429: {  	s0 =	sadd.s32 $0x4, s0;
	v18 =	vand.u32 $0xFF, v18;
	v10 =	vshrl.u32 v10, $0x8;
	s25 =	sadd.s32 $0x40, s25;
	_, v22, vm3 =	vpop (xrf1);
	[tilespmem:v19+s14+$0x0] =	vst.idx.add.s32.msk vm1, v20;
	v26 =	vmov v17  }
0x42a: {  	v19 =	vmov v16;
	v20 =	vld [tilespmem:s25+$0xFFFFFFF0];
	p6 =	slt.s32 s0, s22;
	v11 =	vshrl.u32 v11, $0x8;
	v28 =	vand.u32 $0xFF, v10;
	(xrf1) =	vunique.msk.u32 $0xffff, v18;
	_, v29, vm4 =	vpop (xrf1)  }
0x42b: {  	v27 =	vshrl.u32 v27, $0x8;
	v16 =	vmov v25;
	v30 =	vld [tilespmem:s25+$0xFFFFFFE0];
	v17 =	vand.u32 $0xFF, v11;
	(xrf1) =	vunique.msk.u32 $0xffff, v28;
	_, v31, vm1 =	vpop (xrf1)  }
.Ltmp53:
0x42c: {  	v25 =	vand.u32 $0xFF, v27;
	v10 =	vld [tilespmem:s25+$0x10];
	(xrf1) =	vunique.msk.u32 $0xffff, v17;
	(pc) =	sbr.rel @p6 .LBB2_100-.Ltmp53, $4  }
0x42d: {  	v33 =	vadd.s32 v3, v21;
	v11 =	vld [tilespmem:s25+$0x0];
	(xrf1) =	vunique.msk.u32 $0xffff, v25  }
0x42e: {  	v32 =	vadd.s32 v3, v22;
	[tilespmem:v12+s14+$0x0] =	vst.idx.add.s32.msk vm2, v33;
	v12 =	vmov v23;
	v23 =	vmov v18  }
0x42f: {  	v22 =	vadd.s32 v3, v29;
	[tilespmem:v13+s14+$0x0] =	vst.idx.add.s32.msk vm3, v32;
	v27 =	vmovc v20;
	v13 =	vmov v24;
	v24 =	vmov v28  }
0x430: {  	v20 =	vadd.s32 v3, v31;
	v18 =	vshrl.u32 v30, $0x8;
	_, v21, vm2 =	vpop (xrf1);
	[tilespmem:v15+s14+$0x0] =	vst.idx.add.s32.msk vm4, v22;
	v15 =	vmov v26  }
0x431: {  	v26 =	vmov v16;
	v28 =	vmov v12  }
0x432: {  	v29 =	vmovc v13;
	v22 =	vmovc v27;
	v16 =	vmov v25;
	v12 =	vmov v23;
	v13 =	vmov v24  }
.LBB2_102:
0x433: {  	v18 =	vand.u32 $0xFF, v18;
	v10 =	vshrl.u32 v10, $0x8  }
0x434: {  	v11 =	vshrl.u32 v11, $0x8;
	v10 =	vand.u32 $0xFF, v10;
	(xrf1) =	vunique.msk.u32 $0xffff, v18  }
0x435: {  	v22 =	vshrl.u32 v22, $0x8;
	v11 =	vand.u32 $0xFF, v11;
	(xrf1) =	vunique.msk.u32 $0xffff, v10  }
0x436: {  	v22 =	vand.u32 $0xFF, v22;
	(xrf1) =	vunique.msk.u32 $0xffff, v11  }
0x437: {  	_, v23, vm3 =	vpop @p4 (xrf1);
	(xrf1) =	vunique.msk.u32 $0xffff, v22  }
0x438: {  	_, v24, vm4 =	vpop @p4 (xrf1)  }
0x439: {  	_, v25, vm5 =	vpop @p4 (xrf1)  }
0x43a: {  	_, v27, vm6 =	vpop @p3 (xrf1)  }
0x43b: {  	v21 =	vadd.s32 @p4 v3, v21;
	vm0 =	vmmov @p3 vm6  }
0x43c: {  	[tilespmem:v19+s14+$0x0] =	vst.idx.add.s32.msk @p5 vm1, v20;
	v19 =	vpsel p4, v26, v0;
	v7 =	vpsel p3, v12, v7  }
0x43d: {  	v8 =	vpsel p3, v16, v8;
	v23 =	vadd.s32 @p4 v3, v23;
	vm5 =	vmmov @p4 vm5  }
0x43e: {  	[tilespmem:v28+s14+$0x0] =	vst.idx.add.s32.msk @p4 vm2, v21;
	v21 =	vadd.s32 @p4 v3, v24;
	v16 =	vadd.s32 @p4 v3, v25;
	_, v20, vm1 =	vpop @p3 (xrf1)  }
0x43f: {  	v14 =	vpsel p3, v27, v14;
	_, v12, vm2 =	vpop @p3 (xrf1);
	[tilespmem:v15+s14+$0x0] =	vst.idx.add.s32.msk @p4 vm4, v21;
	v15 =	vpsel p4, v16, v0  }
0x440: {  	v6 =	vpsel p3, v13, v6;
	[tilespmem:v29+s14+$0x0] =	vst.idx.add.s32.msk @p4 vm3, v23;
	v14 =	vadd.s32 @p3 v3, v14;
	_, v13, vm3 =	vpop @p3 (xrf1)  }
0x441: {  	v9 =	vpsel p3, v17, v9;
	vm3 =	vmmov @p3 vm3;
	[tilespmem:v7+s14+$0x0] =	vst.idx.add.s32.msk @p3 vm0, v14;
	v7 =	vadd.s32 @p3 v3, v20  }
0x442: {  	v8 =	vpsel p3, v8, v0;
	_, v62, vm15 =	vpop (xrf1)  }
0x443: {  	[tilespmem:v19+s14+$0x0] =	vst.idx.add.s32.msk @p4 vm5, v15;
	_, v15, vm5 =	vpop (xrf1)  }
0x444: {  	_, v14, vm0 =	vpop (xrf1)  }
0x445: {  	v12 =	vadd.s32 @p3 v3, v12;
	[tilespmem:v6+s14+$0x0] =	vst.idx.add.s32.msk @p3 vm1, v7;
	v6 =	vadd.s32 @p3 v3, v13;
	_, v7, vm1 =	vpop (xrf1)  }
0x446: {  	[tilespmem:v9+s14+$0x0] =	vst.idx.add.s32.msk @p3 vm2, v12;
	v6 =	vpsel p3, v6, v0  }
0x447: {  	[tilespmem:v8+s14+$0x0] =	vst.idx.add.s32.msk @p3 vm3, v6;
	v6 =	vadd.s32 v3, v62  }
0x448: {  	[tilespmem:v18+s14+$0x0] =	vst.idx.add.s32.msk vm15, v6;
	v6 =	vadd.s32 v3, v15  }
0x449: {  	v63 =	vadd.s32 v3, v14;
	[tilespmem:v10+s14+$0x0] =	vst.idx.add.s32.msk vm5, v6  }
0x44a: {  	v6 =	vadd.s32 v3, v7;
	[tilespmem:v11+s14+$0x0] =	vst.idx.add.s32.msk vm0, v63  }
0x44b: {  	[tilespmem:v22+s14+$0x0] =	vst.idx.add.s32.msk vm1, v6  }
.LBB2_82:
.Ltmp54:
0x44c: {  	(pc) =	sbr.rel @!p1 .LBB2_83-.Ltmp54, $1  }
0x44d: {  	_ =	sdelay $0x3  }
0x44e: {  	s0 =	sshra.s32 s24, $0x2  }
0x44f: {  	s25 =	smov.u32 s23;
	s0 =	sadd.s32 $0xA800, s0  }
.LBB2_104:
0x450: {  	v6 =	vld [tilespmem:s0+$0x0];
	_ =	sdelay $0x4  }
0x451: {  	v6 =	vshrl.u32 v6, $0x8  }
0x452: {  	v6 =	vand.u32 $0xFF, v6  }
0x453: {  	(xrf1) =	vunique.msk.u32 $0xffff, v6;
	_ =	sdelay $0xd  }
0x454: {  	_, v7, vm0 =	vpop (xrf1)  }
0x455: {  	p3 =	seq.s32 s25, $0x1  }
.Ltmp55:
0x456: {  	_ = 	snop;
	(pc) =	sbr.rel @!p3 .LBB2_104-.Ltmp55, $3  }
0x457: {  	_ =	sdelay $0x1  }
0x458: {  	v7 =	vadd.s32 v3, v7  }
0x459: {  	s0 =	sadd.s32 $0x10, s0;
	s25 =	sadd.s32 $0xFFFFFFFF, s25;
	[tilespmem:v6+s14+$0x0] =	vst.idx.add.s32.msk vm0, v7  }
.LBB2_83:
0x45a: {  	s26 =	simm.s32 $0xC820  }
0x45b: {  	v6 =	vld [tilespmem:s26+$0xFFFFFFE0]  }
0x45c: {  	v10 =	vld [tilespmem:s26+$0xFFFFFFF0];
	_ =	sdelay $0x2  }
0x45d: {  	v12 =	vld [tilespmem:s26+$0x0]  }
0x45e: {  	(xrf0) =	vadd.scan.msk.s32 $0xffff, v6  }
0x45f: {  	v13 =	vld [tilespmem:s26+$0x10];
	(xrf0) =	vadd.scan.msk.s32 $0xffff, v10;
	_ =	sdelay $0x2  }
0x460: {  	s25 =	simm.s32 $0xC860;
	(xrf0) =	vadd.scan.msk.s32 $0xffff, v12  }
0x461: {  	v7 =	vld [tilespmem:s25+$0xFFFFFFE0]  }
0x462: {  	(xrf0) =	vadd.scan.msk.s32 $0xffff, v13;
	v8, _, _ =	vpop (xrf0)  }
0x463: {  	v9 =	vxor.u32 $0x80000000, v8;
	v17, _, _ =	vpop (xrf0)  }
0x464: {  	v16 =	vld [tilespmem:s25+$0xFFFFFFF0];
	(xrf0) =	vmax.scan.msk.u32 $0xffff, v9;
	v9 =	vxor.u32 $0x80000000, v17  }
0x465: {  	(xrf0) =	vmax.scan.msk.u32 $0xffff, v9  }
0x466: {  	v20 =	vld [tilespmem:s25+$0x0];
	v18, _, _ =	vpop (xrf0);
	(xrf0) =	vadd.scan.msk.s32 $0xffff, v7  }
0x467: {  	v9 =	vxor.u32 $0x80000000, v18  }
0x468: {  	v21 =	vld [tilespmem:s25+$0x10];
	v22, _, _ =	vpop (xrf0);
	(xrf0) =	vmax.scan.msk.u32 $0xffff, v9  }
0x469: {  	v9 =	vxor.u32 $0x80000000, v22;
	(xrf0) =	vadd.scan.msk.s32 $0xffff, v16  }
0x46a: {  	(xrf0) =	vmax.scan.msk.u32 $0xffff, v9;
	v19, _, _ =	vpop (xrf0)  }
0x46b: {  	(xrf0) =	vadd.scan.msk.s32 $0xffff, v20;
	v23, _, _ =	vpop (xrf0)  }
0x46c: {  	s28 =	simm.s32 $0xC8A0;
	v9, _, _ =	vpop (xrf0)  }
0x46d: {  	v11 =	vld [tilespmem:s28+$0xFFFFFFE0];
	(xrf0) =	vadd.scan.msk.s32 $0xffff, v21;
	(v2sf) =	vpush v19, $0xF;
	v14 =	vxor.u32 $0x80000000, v9  }
0x46e: {  	v24, _, _ =	vpop (xrf0);
	(xrf0) =	vmax.scan.msk.u32 $0xffff, v14  }
0x46f: {  	v15 =	vld [tilespmem:s28+$0xFFFFFFF0];
	(v2sf) =	vpush v23, $0xF;
	v25, _, _ =	vpop (xrf0)  }
0x470: {  	v14 =	vxor.u32 $0x80000000, v25;
	v26, _, _ =	vpop (xrf0)  }
0x471: {  	(v2sf) =	vpush v24, $0xF;
	(xrf0) =	vmax.scan.msk.u32 $0xffff, v14;
	v27, _, _ =	vpop (xrf0)  }
0x472: {  	(xrf0) =	vadd.scan.msk.s32 $0xffff, v11;
	v28 =	vxor.u32 $0x80000000, v27  }
0x473: {  	v14 =	vld [tilespmem:s28+$0x0];
	(v2sf) =	vpush v26, $0xF;
	v23, _, _ =	vpop (xrf0);
	(xrf0) =	vmax.scan.msk.u32 $0xffff, v28  }
0x474: {  	v19 =	vsub.s32 v17, v10;
	v17 =	vsub.s32 v22, v13;
	v10 =	vxor.u32 $0x80000000, v23;
	(xrf0) =	vadd.scan.msk.s32 $0xffff, v15;
	v22, _, _ =	vpop (xrf0)  }
0x475: {  	(xrf0) =	vmax.scan.msk.u32 $0xffff, v10;
	v10 =	vld [tilespmem:s28+$0x10];
	(v2sf) =	vpush v22, $0xF;
	_ =	sdelay $0x2  }
0x476: {  	v18 =	vsub.s32 v18, v12;
	(xrf0) =	vadd.scan.msk.s32 $0xffff, v14  }
0x477: {  	s29 =	simm.s32 $0x0;
	s30 =	simm.s32 $0x8;
	s31 =	simm.s32 $0xC8E0;
	v12 =	vsub.s32 v25, v16;
	v13 =	vsub.s32 v27, v20;
	v16 =	vsub.s32 v23, v21;
	v20, _, _ =	vpop (xrf0)  }
.LBB2_84:
0x478: {  	v21 =	vld [tilespmem:s31+$0xFFFFFFE0];
	s30 =	sadd.s32 $0x4, s30;
	v22, _, _ =	vpop (xrf0);
	(xrf0) =	vadd.scan.msk.s32 $0xffff, v10;
	(v2sf) =	vpush v20, $0xF;
	v20 =	vsub.s32 s29, v6;
	v6 =	vmov v7;
	s0 =	smov.u32 s25;
	s25 =	smov.u32 s28  }
0x479: {  	v7 =	vmov v11;
	s28 =	smov.u32 s31;
	p3 =	slt.u32 s30, $0xC;
	v26 =	vxor.u32 $0x80000000, v22;
	v24, _, _ =	vpop (xrf0);
	v25 =	vadd.s32 v8, v20  }
0x47a: {  	v8 =	vmov v9;
	v20 =	vld [tilespmem:s31+$0xFFFFFFF0];
	(xrf0) =	vmax.scan.msk.u32 $0xffff, v26;
	v11, _, _ =	vpop (xrf0);
	(v2sf) =	vpush v24, $0xF;
	[tilespmem:s26+$0xFFFFFFE0] =	vst v25;
	s1 =	spop (v2sf)  }
0x47b: {  	v9 =	vmov v22;
	v15 =	vsub.s32 v11, v15;
	v24 =	vxor.u32 $0x80000000, v11;
	v23, _, _ =	vpop (xrf0);
	s1 =	sadd.s32 s1, s29  }
0x47c: {  	v22 =	vld [tilespmem:s31+$0x0];
	(xrf0) =	vmax.scan.msk.u32 $0xffff, v24;
	v11, _, _ =	vpop (xrf0);
	(v2sf) =	vpush v23, $0xF;
	s1 =	sadd.s32 $0x80000000, s1;
	s2 =	spop (v2sf);
	v23 =	vmov v10  }
0x47d: {  	(xrf0) =	vadd.scan.msk.s32 $0xffff, v21;
	v14 =	vsub.s32 v11, v14;
	v24 =	vxor.u32 $0x80000000, v11;
	v25 =	vadd.s32 s1, v19;
	s1 =	sadd.s32 s2, s1;
	v11 =	vmovc v21  }
.Ltmp56:
0x47e: {  	v19 =	vmov v12;
	v12 =	vmov v15;
	v10 =	vld [tilespmem:s31+$0x10];
	(xrf0) =	vmax.scan.msk.u32 $0xffff, v24;
	v21, _, _ =	vpop (xrf0);
	[tilespmem:s26+$0xFFFFFFF0] =	vst v25;
	s1 =	sadd.s32 $0x80000000, s1;
	s2 =	spop (v2sf);
	(pc) =	sbr.rel @p3 .LBB2_84-.Ltmp56, $4  }
0x47f: {  	(xrf0) =	vadd.scan.msk.s32 $0xffff, v20;
	v23 =	vsub.s32 v21, v23;
	v21 =	vxor.u32 $0x80000000, v21;
	v24 =	vadd.s32 s1, v18;
	s1 =	sadd.s32 s2, s1;
	v15 =	vmovc v20  }
0x480: {  	v18 =	vmov v13;
	v13 =	vmov v14;
	v20, _, _ =	vpop (xrf0);
	(xrf0) =	vmax.scan.msk.u32 $0xffff, v21;
	[tilespmem:s26+$0x0] =	vst v24;
	s1 =	sadd.s32 $0x80000000, s1;
	s2 =	spop (v2sf)  }
0x481: {  	(xrf0) =	vadd.scan.msk.s32 $0xffff, v22;
	(v2sf) =	vpush v20, $0xF;
	v21 =	vadd.s32 s1, v17;
	s1 =	sadd.s32 s2, s1;
	v14 =	vmovc v22;
	v17 =	vmov v16  }
0x482: {  	s31 =	sadd.s32 $0x40, s31;
	v16 =	vmov v23;
	v20, _, _ =	vpop (xrf0);
	[tilespmem:s26+$0x10] =	vst v21;
	s29 =	sadd.s32 $0x80000000, s1;
	s26 =	smov.u32 s0  }
0x483: {  	v21, _, _ =	vpop (xrf0)  }
0x484: {  	(xrf0) =	vadd.scan.msk.s32 $0xffff, v10;
	v22 =	vxor.u32 $0x80000000, v21;
	v23, _, _ =	vpop (xrf0)  }
0x485: {  	(xrf0) =	vmax.scan.msk.u32 $0xffff, v22;
	v50, _, _ =	vpop (xrf0)  }
0x486: {  	(v2sf) =	vpush v20, $0xF;
	v51 =	vxor.u32 $0x80000000, v50;
	v24, _, _ =	vpop (xrf0)  }
0x487: {  	(xrf0) =	vmax.scan.msk.u32 $0xffff, v51;
	v52, _, _ =	vpop (xrf0)  }
0x488: {  	(v2sf) =	vpush v23, $0xF;
	v53 =	vxor.u32 $0x80000000, v52  }
0x489: {  	(xrf0) =	vmax.scan.msk.u32 $0xffff, v53  }
0x48a: {  	(v2sf) =	vpush v24, $0xF;
	v54, _, _ =	vpop (xrf0)  }
0x48b: {  	s0 =	spop (v2sf);
	v55, _, _ =	vpop (xrf0)  }
0x48c: {  	s0 =	sadd.s32 s0, s29;
	v56 =	vxor.u32 $0x80000000, v54;
	(v2sf) =	vpush v55, $0xF  }
0x48d: {  	s0 =	sadd.s32 $0x80000000, s0;
	s1 =	spop (v2sf);
	(xrf0) =	vmax.scan.msk.u32 $0xffff, v56;
	v57, _, _ =	vpop (xrf0)  }
0x48e: {  	s1 =	sadd.s32 s1, s0;
	(v2sf) =	vpush v57, $0xF  }
0x48f: {  	s1 =	sadd.s32 $0x80000000, s1;
	s2 =	spop (v2sf);
	v58, _, _ =	vpop (xrf0)  }
0x490: {  	s2 =	sadd.s32 s2, s1;
	(v2sf) =	vpush v58, $0xF  }
0x491: {  	s4 =	spop (v2sf);
	s2 =	sadd.s32 $0x80000000, s2  }
0x492: {  	s4 =	sadd.s32 s4, s2  }
0x493: {  	s4 =	sadd.s32 $0x80000000, s4;
	s30 =	spop (v2sf);
	v59, _, _ =	vpop (xrf0)  }
0x494: {  	s30 =	sadd.s32 s30, s4;
	(v2sf) =	vpush v59, $0xF  }
0x495: {  	s30 =	sadd.s32 $0x80000000, s30;
	s31 =	spop (v2sf)  }
0x496: {  	v6 =	vsub.s32 s29, v6;
	s31 =	sadd.s32 s31, s30  }
0x497: {  	v6 =	vadd.s32 v8, v6;
	s29 =	sadd.s32 $0x80000000, s31;
	s31 =	spop (v2sf)  }
0x498: {  	[tilespmem:s26+$0xFFFFFFE0] =	vst v6;
	v60 =	vadd.s32 s0, v19;
	s31 =	sadd.s32 s31, s29  }
0x499: {  	[tilespmem:s26+$0xFFFFFFF0] =	vst v60;
	v6 =	vadd.s32 s1, v18;
	s0 =	sadd.s32 $0x80000000, s31;
	s31 =	spop (v2sf)  }
0x49a: {  	[tilespmem:s26+$0x0] =	vst v6;
	v61 =	vadd.s32 s2, v17;
	v7 =	vsub.s32 s4, v7;
	s1 =	sadd.s32 s31, s0  }
0x49b: {  	[tilespmem:s26+$0x10] =	vst v61;
	v6 =	vadd.s32 v9, v7;
	s1 =	sadd.s32 $0x80000000, s1;
	s26 =	spop (v2sf)  }
0x49c: {  	[tilespmem:s25+$0xFFFFFFE0] =	vst v6;
	v7 =	vadd.s32 s30, v12;
	s2 =	sadd.s32 s26, s1  }
0x49d: {  	[tilespmem:s25+$0xFFFFFFF0] =	vst v7;
	v6 =	vadd.s32 s29, v13;
	s2 =	sadd.s32 $0x80000000, s2;
	s31 =	spop (v2sf)  }
0x49e: {  	[tilespmem:s25+$0x0] =	vst v6;
	v7 =	vadd.s32 s0, v16;
	v6 =	vsub.s32 s1, v11;
	s26 =	sadd.s32 s31, s2  }
.Ltmp57:
0x49f: {  	v62 =	vsub.s32 v50, v15;
	[tilespmem:s25+$0x10] =	vst v7;
	v6 =	vadd.s32 v21, v6;
	s0 =	sadd.s32 $0x80000000, s26;
	s29 =	spop (v2sf);
	(pc) =	sbr.rel @!p2 .LBB2_89-.Ltmp57, $4  }
0x4a0: {  	v7 =	vsub.s32 v52, v14;
	[tilespmem:s28+$0xFFFFFFE0] =	vst v6;
	v6 =	vadd.s32 s2, v62;
	s1 =	sadd.s32 s29, s0  }
0x4a1: {  	v63 =	vsub.s32 v54, v10;
	[tilespmem:s28+$0xFFFFFFF0] =	vst v6;
	v6 =	vadd.s32 s0, v7;
	s30 =	sadd.s32 $0x80000000, s1  }
0x4a2: {  	[tilespmem:s28+$0x0] =	vst v6;
	v6 =	vadd.s32 s30, v63  }
0x4a3: {  	s31 =	spop (v2sf);
	[tilespmem:s28+$0x10] =	vst v6  }
0x4a4: {  	p3 =	seq.s32 s20, $0x1  }
.Ltmp58:
0x4a5: {  	_ = 	snop;
	(pc) =	sbr.rel @p3 .LBB2_88-.Ltmp58, $4  }
0x4a6: {  	s0 =	simm.s32 $0xA800  }
0x4a7: {  	v6 =	vld [tilespmem:s0+$0x0]  }
0x4a8: {  	s25 =	simm.s32 $0xB800  }
0x4a9: {  	s26 =	sadd.s32 $0xFFFFFFFF, s20;
	v7 =	vld [tilespmem:s25+$0x0]  }
.LBB2_87:
0x4aa: {  	p3 =	seq.s32 s26, $0x1;
	_ =	sdelay $0x1  }
0x4ab: {  	v8 =	vshrl.u32 v6, $0x8  }
0x4ac: {  	v8 =	vand.u32 $0xFF, v8  }
0x4ad: {  	(xrf1) =	vunique.msk.u32 $0xffff, v8;
	_ =	sdelay $0x9  }
0x4ae: {  	v9 =	vld.idx.msk [tilespmem:v8+s14+$0x0], $0xffff;
	_ =	sdelay $0x3  }
0x4af: {  	_, v10, vm0 =	vpop (xrf1)  }
0x4b0: {  	v10 =	vsub.s32 v10, v2  }
0x4b1: {  	v9 =	vadd.s32 v9, v10;
	v10 =	vadd.s32 $0x1, v10;
	_ =	sdelay $0x4  }
0x4b2: {  	[tilespmem:v9+s12+$0x0] =	vst.idx.msk $0xffff, v6  }
.Ltmp59:
0x4b3: {  	[tilespmem:v9+s13+$0x0] =	vst.idx.msk $0xffff, v7;
	(pc) =	sbr.rel @!p3 .LBB2_87-.Ltmp59, $4  }
0x4b4: {  	s0 =	sadd.s32 $0x10, s0;
	[tilespmem:v8+s14+$0x0] =	vst.idx.add.s32.msk vm0, v10  }
0x4b5: {  	s25 =	sadd.s32 $0x10, s25;
	v6 =	vld [tilespmem:s0+$0x0]  }
0x4b6: {  	v7 =	vld [tilespmem:s25+$0x0]  }
0x4b7: {  	s26 =	sadd.s32 $0xFFFFFFFF, s26  }
.LBB2_88:
0x4b8: {  	_ =	sdelay $0x1  }
0x4b9: {  	v8 =	vshrl.u32 v6, $0x8  }
0x4ba: {  	v8 =	vand.u32 $0xFF, v8  }
0x4bb: {  	(xrf1) =	vunique.msk.u32 $0xffff, v8;
	_ =	sdelay $0xa  }
0x4bc: {  	v9 =	vld.idx.msk [tilespmem:v8+s14+$0x0], $0xffff;
	_ =	sdelay $0x2  }
0x4bd: {  	_, v10, vm0 =	vpop (xrf1)  }
0x4be: {  	v10 =	vsub.s32 v10, v2  }
0x4bf: {  	v9 =	vadd.s32 v9, v10;
	_ =	sdelay $0x4  }
0x4c0: {  	[tilespmem:v9+s12+$0x0] =	vst.idx.msk $0xffff, v6  }
0x4c1: {  	v6 =	vadd.s32 $0x1, v10;
	[tilespmem:v9+s13+$0x0] =	vst.idx.msk $0xffff, v7  }
0x4c2: {  	[tilespmem:v8+s14+$0x0] =	vst.idx.add.s32.msk vm0, v6  }
.LBB2_89:
0x4c3: {  	s0 =	simm.s32 $0x0;
	p3 =	por $0x1, $0x1  }
.LBB2_90:
0x4c4: {  	s0 =	sshra.s32 s0, $0x2  }
0x4c5: {  	[tilespmem:s0+$0xC800] =	vst v0  }
0x4c6: {  	[tilespmem:s0+$0xC810] =	vst v0  }
0x4c7: {  	p4 =	por p3, p3;
	[tilespmem:s0+$0xC820] =	vst v0  }
.Ltmp60:
0x4c8: {  	[tilespmem:s0+$0xC830] =	vst v0;
	(pc) =	sbr.rel @p4 .LBB2_90-.Ltmp60, $4  }
0x4c9: {  	[tilespmem:s0+$0xC840] =	vst v0  }
0x4ca: {  	[tilespmem:s0+$0xC850] =	vst v0  }
0x4cb: {  	[tilespmem:s0+$0xC860] =	vst v0  }
0x4cc: {  	p3 =	por $0x0, $0x0;
	[tilespmem:s0+$0xC870] =	vst v0;
	s0 =	simm.s32 $0x200  }
.Ltmp61:
0x4cd: {  	(pc) =	sbr.rel @p0 .LBB2_105-.Ltmp61, $1  }
0x4ce: {  	_ =	sdelay $0x3  }
0x4cf: {  	s0 =	simm.s32 $0x8820  }
0x4d0: {  	p6 =	sgt.s32 s22, $0x4;
	v6 =	vld [tilespmem:s0+$0xFFFFFFE0]  }
.Ltmp62:
0x4d1: {  	_ = 	snop;
	(pc) =	sbr.rel @!p6 .LBB2_93-.Ltmp62, $4  }
0x4d2: {  	_ = 	snop  }
0x4d3: {  	v22 =	vld [tilespmem:s0+$0xFFFFFFF0]  }
0x4d4: {  	v10 =	vld [tilespmem:s0+$0x10]  }
0x4d5: {  	p3 =	por $0x0, $0x0;
	p4 =	por $0x0, $0x0;
	p5 =	por $0x0, $0x0;
	v11 =	vld [tilespmem:s0+$0x0];
	v18 =	vshrl.u32 v6, $0x10  }
0x4d6: {  	_ = 	snop  }
0x4d7: {  	s0 =	simm.s32 $0x8860  }
0x4d8: {  	p6 =	sgt.s32 s22, $0x8;
	v12 =	vld [tilespmem:s0+$0xFFFFFFE0]  }
.Ltmp63:
0x4d9: {  	v7 =	vand.u32 $0xFF, v18;
	v6 =	vshrl.u32 v10, $0x10;
	(pc) =	sbr.rel @!p6 .LBB2_118-.Ltmp63, $4  }
0x4da: {  	(xrf1) =	vunique.msk.u32 $0xffff, v7;
	v8 =	vshrl.u32 v11, $0x10;
	v6 =	vand.u32 $0xFF, v6  }
0x4db: {  	v14 =	vld [tilespmem:s0+$0xFFFFFFF0];
	v11 =	vshrl.u32 v22, $0x10;
	v9 =	vand.u32 $0xFF, v8;
	(xrf1) =	vunique.msk.u32 $0xffff, v6  }
0x4dc: {  	v10 =	vld [tilespmem:s0+$0x10];
	v8 =	vand.u32 $0xFF, v11;
	(xrf1) =	vunique.msk.u32 $0xffff, v9  }
0x4dd: {  	p3 =	por $0x1, $0x1;
	v11 =	vld [tilespmem:s0+$0x0];
	v18 =	vshrl.u32 v12, $0x10;
	(xrf1) =	vunique.msk.u32 $0xffff, v8  }
0x4de: {  	_ =	sdelay $0x2  }
0x4df: {  	v12 =	vand.u32 $0xFF, v18;
	v10 =	vshrl.u32 v10, $0x10  }
0x4e0: {  	(xrf1) =	vunique.msk.u32 $0xffff, v12;
	v11 =	vshrl.u32 v11, $0x10;
	v13 =	vand.u32 $0xFF, v10  }
0x4e1: {  	v14 =	vshrl.u32 v14, $0x10;
	v15 =	vand.u32 $0xFF, v11;
	(xrf1) =	vunique.msk.u32 $0xffff, v13  }
0x4e2: {  	v16 =	vand.u32 $0xFF, v14;
	(xrf1) =	vunique.msk.u32 $0xffff, v15  }
0x4e3: {  	(xrf1) =	vunique.msk.u32 $0xffff, v16;
	_ =	sdelay $0x4  }
0x4e4: {  	s0 =	simm.s32 $0x88A0  }
0x4e5: {  	p6 =	sgt.s32 s22, $0xC;
	v17 =	vld [tilespmem:s0+$0xFFFFFFE0]  }
.Ltmp64:
0x4e6: {  	_ = 	snop;
	(pc) =	sbr.rel @!p6 .LBB2_120-.Ltmp64, $4  }
0x4e7: {  	_ = 	snop  }
0x4e8: {  	v22 =	vld [tilespmem:s0+$0xFFFFFFF0]  }
0x4e9: {  	v10 =	vld [tilespmem:s0+$0x10]  }
0x4ea: {  	p4 =	por $0x1, $0x1;
	v11 =	vld [tilespmem:s0+$0x0];
	v18 =	vshrl.u32 v17, $0x10;
	_, v14, vm0 =	vpop (xrf1)  }
0x4eb: {  	_ =	sdelay $0x2  }
0x4ec: {  	v23 =	vand.u32 $0xFF, v18;
	v17 =	vshrl.u32 v10, $0x10  }
0x4ed: {  	(xrf1) =	vunique.msk.u32 $0xffff, v23;
	v18 =	vshrl.u32 v11, $0x10;
	v24 =	vand.u32 $0xFF, v17  }
0x4ee: {  	v25 =	vadd.s32 v3, v14;
	v22 =	vshrl.u32 v22, $0x10;
	v17 =	vand.u32 $0xFF, v18;
	(xrf1) =	vunique.msk.u32 $0xffff, v24  }
0x4ef: {  	_, v19, vm2 =	vpop (xrf1);
	[tilespmem:v7+s14+$0x0] =	vst.idx.add.s32.msk vm0, v25;
	v25 =	vand.u32 $0xFF, v22;
	(xrf1) =	vunique.msk.u32 $0xffff, v17  }
0x4f0: {  	s25 =	simm.s32 $0x88E0;
	_, v20, vm3 =	vpop (xrf1);
	(xrf1) =	vunique.msk.u32 $0xffff, v25  }
0x4f1: {  	p6 =	sgt.s32 s22, $0x10;
	v21 =	vld [tilespmem:s25+$0xFFFFFFE0];
	v18 =	vadd.s32 v3, v19;
	_, v19, vm1 =	vpop (xrf1)  }
.Ltmp65:
0x4f2: {  	v10 =	vld [tilespmem:s25+$0x10];
	v22 =	vadd.s32 v3, v20;
	v20 =	vadd.s32 v3, v19;
	v19 =	vmov v8;
	(pc) =	sbr.rel @!p6 .LBB2_122-.Ltmp65, $4  }
0x4f3: {  	v11 =	vld [tilespmem:s25+$0x0]  }
0x4f4: {  	v27 =	vld [tilespmem:s25+$0xFFFFFFF0]  }
0x4f5: {  	[tilespmem:v6+s14+$0x0] =	vst.idx.add.s32.msk vm2, v18  }
0x4f6: {  	s0 =	simm.s32 $0x10;
	p5 =	por $0x1, $0x1;
	v18 =	vshrl.u32 v21, $0x10;
	_, v21, vm2 =	vpop (xrf1);
	[tilespmem:v9+s14+$0x0] =	vst.idx.add.s32.msk vm3, v22  }
.LBB2_123:
0x4f7: {  	s0 =	sadd.s32 $0x4, s0;
	v18 =	vand.u32 $0xFF, v18;
	v10 =	vshrl.u32 v10, $0x10;
	s25 =	sadd.s32 $0x40, s25;
	_, v22, vm3 =	vpop (xrf1);
	[tilespmem:v19+s14+$0x0] =	vst.idx.add.s32.msk vm1, v20;
	v26 =	vmov v17  }
0x4f8: {  	v19 =	vmov v16;
	v20 =	vld [tilespmem:s25+$0xFFFFFFF0];
	p6 =	slt.s32 s0, s22;
	v11 =	vshrl.u32 v11, $0x10;
	v28 =	vand.u32 $0xFF, v10;
	(xrf1) =	vunique.msk.u32 $0xffff, v18;
	_, v29, vm4 =	vpop (xrf1)  }
0x4f9: {  	v27 =	vshrl.u32 v27, $0x10;
	v16 =	vmov v25;
	v30 =	vld [tilespmem:s25+$0xFFFFFFE0];
	v17 =	vand.u32 $0xFF, v11;
	(xrf1) =	vunique.msk.u32 $0xffff, v28;
	_, v31, vm1 =	vpop (xrf1)  }
.Ltmp66:
0x4fa: {  	v25 =	vand.u32 $0xFF, v27;
	v10 =	vld [tilespmem:s25+$0x10];
	(xrf1) =	vunique.msk.u32 $0xffff, v17;
	(pc) =	sbr.rel @p6 .LBB2_123-.Ltmp66, $4  }
0x4fb: {  	v33 =	vadd.s32 v3, v21;
	v11 =	vld [tilespmem:s25+$0x0];
	(xrf1) =	vunique.msk.u32 $0xffff, v25  }
0x4fc: {  	v32 =	vadd.s32 v3, v22;
	[tilespmem:v12+s14+$0x0] =	vst.idx.add.s32.msk vm2, v33;
	v12 =	vmov v23;
	v23 =	vmov v18  }
0x4fd: {  	v22 =	vadd.s32 v3, v29;
	[tilespmem:v13+s14+$0x0] =	vst.idx.add.s32.msk vm3, v32;
	v27 =	vmovc v20;
	v13 =	vmov v24;
	v24 =	vmov v28  }
0x4fe: {  	v20 =	vadd.s32 v3, v31;
	v18 =	vshrl.u32 v30, $0x10;
	_, v21, vm2 =	vpop (xrf1);
	[tilespmem:v15+s14+$0x0] =	vst.idx.add.s32.msk vm4, v22;
	v15 =	vmov v26  }
0x4ff: {  	v26 =	vmov v16;
	v28 =	vmov v12  }
0x500: {  	v29 =	vmovc v13;
	v22 =	vmovc v27;
	v16 =	vmov v25;
	v12 =	vmov v23;
	v13 =	vmov v24  }
.LBB2_125:
0x501: {  	v18 =	vand.u32 $0xFF, v18;
	v10 =	vshrl.u32 v10, $0x10  }
0x502: {  	v11 =	vshrl.u32 v11, $0x10;
	v10 =	vand.u32 $0xFF, v10;
	(xrf1) =	vunique.msk.u32 $0xffff, v18  }
0x503: {  	v22 =	vshrl.u32 v22, $0x10;
	v11 =	vand.u32 $0xFF, v11;
	(xrf1) =	vunique.msk.u32 $0xffff, v10  }
0x504: {  	v22 =	vand.u32 $0xFF, v22;
	(xrf1) =	vunique.msk.u32 $0xffff, v11  }
0x505: {  	_, v23, vm3 =	vpop @p4 (xrf1);
	(xrf1) =	vunique.msk.u32 $0xffff, v22  }
0x506: {  	_, v24, vm4 =	vpop @p4 (xrf1)  }
0x507: {  	_, v25, vm5 =	vpop @p4 (xrf1)  }
0x508: {  	_, v27, vm6 =	vpop @p3 (xrf1)  }
0x509: {  	v21 =	vadd.s32 @p4 v3, v21;
	vm0 =	vmmov @p3 vm6  }
0x50a: {  	[tilespmem:v19+s14+$0x0] =	vst.idx.add.s32.msk @p5 vm1, v20;
	v19 =	vpsel p4, v26, v0;
	v7 =	vpsel p3, v12, v7  }
0x50b: {  	v8 =	vpsel p3, v16, v8;
	v23 =	vadd.s32 @p4 v3, v23;
	vm5 =	vmmov @p4 vm5  }
0x50c: {  	[tilespmem:v28+s14+$0x0] =	vst.idx.add.s32.msk @p4 vm2, v21;
	v21 =	vadd.s32 @p4 v3, v24;
	v16 =	vadd.s32 @p4 v3, v25;
	_, v20, vm1 =	vpop @p3 (xrf1)  }
0x50d: {  	v14 =	vpsel p3, v27, v14;
	_, v12, vm2 =	vpop @p3 (xrf1);
	[tilespmem:v15+s14+$0x0] =	vst.idx.add.s32.msk @p4 vm4, v21;
	v15 =	vpsel p4, v16, v0  }
0x50e: {  	v6 =	vpsel p3, v13, v6;
	[tilespmem:v29+s14+$0x0] =	vst.idx.add.s32.msk @p4 vm3, v23;
	v14 =	vadd.s32 @p3 v3, v14;
	_, v13, vm3 =	vpop @p3 (xrf1)  }
0x50f: {  	v9 =	vpsel p3, v17, v9;
	vm3 =	vmmov @p3 vm3;
	[tilespmem:v7+s14+$0x0] =	vst.idx.add.s32.msk @p3 vm0, v14;
	v7 =	vadd.s32 @p3 v3, v20  }
0x510: {  	v8 =	vpsel p3, v8, v0;
	_, v62, vm15 =	vpop (xrf1)  }
0x511: {  	[tilespmem:v19+s14+$0x0] =	vst.idx.add.s32.msk @p4 vm5, v15;
	_, v15, vm5 =	vpop (xrf1)  }
0x512: {  	_, v14, vm0 =	vpop (xrf1)  }
0x513: {  	v12 =	vadd.s32 @p3 v3, v12;
	[tilespmem:v6+s14+$0x0] =	vst.idx.add.s32.msk @p3 vm1, v7;
	v6 =	vadd.s32 @p3 v3, v13;
	_, v7, vm1 =	vpop (xrf1)  }
0x514: {  	[tilespmem:v9+s14+$0x0] =	vst.idx.add.s32.msk @p3 vm2, v12;
	v6 =	vpsel p3, v6, v0  }
0x515: {  	[tilespmem:v8+s14+$0x0] =	vst.idx.add.s32.msk @p3 vm3, v6;
	v6 =	vadd.s32 v3, v62  }
0x516: {  	[tilespmem:v18+s14+$0x0] =	vst.idx.add.s32.msk vm15, v6;
	v6 =	vadd.s32 v3, v15  }
0x517: {  	v63 =	vadd.s32 v3, v14;
	[tilespmem:v10+s14+$0x0] =	vst.idx.add.s32.msk vm5, v6  }
0x518: {  	v6 =	vadd.s32 v3, v7;
	[tilespmem:v11+s14+$0x0] =	vst.idx.add.s32.msk vm0, v63  }
0x519: {  	[tilespmem:v22+s14+$0x0] =	vst.idx.add.s32.msk vm1, v6  }
.LBB2_105:
.Ltmp67:
0x51a: {  	(pc) =	sbr.rel @!p1 .LBB2_106-.Ltmp67, $1  }
0x51b: {  	_ =	sdelay $0x3  }
0x51c: {  	s0 =	sshra.s32 s24, $0x2  }
0x51d: {  	s25 =	smov.u32 s23;
	s0 =	sadd.s32 $0x8800, s0  }
.LBB2_127:
0x51e: {  	v6 =	vld [tilespmem:s0+$0x0];
	_ =	sdelay $0x4  }
0x51f: {  	v6 =	vshrl.u32 v6, $0x10  }
0x520: {  	v6 =	vand.u32 $0xFF, v6  }
0x521: {  	(xrf1) =	vunique.msk.u32 $0xffff, v6;
	_ =	sdelay $0xd  }
0x522: {  	_, v7, vm0 =	vpop (xrf1)  }
0x523: {  	p3 =	seq.s32 s25, $0x1  }
.Ltmp68:
0x524: {  	_ = 	snop;
	(pc) =	sbr.rel @!p3 .LBB2_127-.Ltmp68, $3  }
0x525: {  	_ =	sdelay $0x1  }
0x526: {  	v7 =	vadd.s32 v3, v7  }
0x527: {  	s0 =	sadd.s32 $0x10, s0;
	s25 =	sadd.s32 $0xFFFFFFFF, s25;
	[tilespmem:v6+s14+$0x0] =	vst.idx.add.s32.msk vm0, v7  }
.LBB2_106:
0x528: {  	s26 =	simm.s32 $0xC820  }
0x529: {  	v6 =	vld [tilespmem:s26+$0xFFFFFFE0]  }
0x52a: {  	v10 =	vld [tilespmem:s26+$0xFFFFFFF0];
	_ =	sdelay $0x2  }
0x52b: {  	v12 =	vld [tilespmem:s26+$0x0]  }
0x52c: {  	(xrf0) =	vadd.scan.msk.s32 $0xffff, v6  }
0x52d: {  	v13 =	vld [tilespmem:s26+$0x10];
	(xrf0) =	vadd.scan.msk.s32 $0xffff, v10;
	_ =	sdelay $0x2  }
0x52e: {  	s25 =	simm.s32 $0xC860;
	(xrf0) =	vadd.scan.msk.s32 $0xffff, v12  }
0x52f: {  	v7 =	vld [tilespmem:s25+$0xFFFFFFE0]  }
0x530: {  	(xrf0) =	vadd.scan.msk.s32 $0xffff, v13;
	v8, _, _ =	vpop (xrf0)  }
0x531: {  	v9 =	vxor.u32 $0x80000000, v8;
	v17, _, _ =	vpop (xrf0)  }
0x532: {  	v16 =	vld [tilespmem:s25+$0xFFFFFFF0];
	(xrf0) =	vmax.scan.msk.u32 $0xffff, v9;
	v9 =	vxor.u32 $0x80000000, v17  }
0x533: {  	(xrf0) =	vmax.scan.msk.u32 $0xffff, v9  }
0x534: {  	v20 =	vld [tilespmem:s25+$0x0];
	v18, _, _ =	vpop (xrf0);
	(xrf0) =	vadd.scan.msk.s32 $0xffff, v7  }
0x535: {  	v9 =	vxor.u32 $0x80000000, v18  }
0x536: {  	v21 =	vld [tilespmem:s25+$0x10];
	v22, _, _ =	vpop (xrf0);
	(xrf0) =	vmax.scan.msk.u32 $0xffff, v9  }
0x537: {  	v9 =	vxor.u32 $0x80000000, v22;
	(xrf0) =	vadd.scan.msk.s32 $0xffff, v16  }
0x538: {  	(xrf0) =	vmax.scan.msk.u32 $0xffff, v9;
	v19, _, _ =	vpop (xrf0)  }
0x539: {  	(xrf0) =	vadd.scan.msk.s32 $0xffff, v20;
	v23, _, _ =	vpop (xrf0)  }
0x53a: {  	s28 =	simm.s32 $0xC8A0;
	v9, _, _ =	vpop (xrf0)  }
0x53b: {  	v11 =	vld [tilespmem:s28+$0xFFFFFFE0];
	(xrf0) =	vadd.scan.msk.s32 $0xffff, v21;
	(v2sf) =	vpush v19, $0xF;
	v14 =	vxor.u32 $0x80000000, v9  }
0x53c: {  	v24, _, _ =	vpop (xrf0);
	(xrf0) =	vmax.scan.msk.u32 $0xffff, v14  }
0x53d: {  	v15 =	vld [tilespmem:s28+$0xFFFFFFF0];
	(v2sf) =	vpush v23, $0xF;
	v25, _, _ =	vpop (xrf0)  }
0x53e: {  	v14 =	vxor.u32 $0x80000000, v25;
	v26, _, _ =	vpop (xrf0)  }
0x53f: {  	(v2sf) =	vpush v24, $0xF;
	(xrf0) =	vmax.scan.msk.u32 $0xffff, v14;
	v27, _, _ =	vpop (xrf0)  }
0x540: {  	(xrf0) =	vadd.scan.msk.s32 $0xffff, v11;
	v28 =	vxor.u32 $0x80000000, v27  }
0x541: {  	v14 =	vld [tilespmem:s28+$0x0];
	(v2sf) =	vpush v26, $0xF;
	v23, _, _ =	vpop (xrf0);
	(xrf0) =	vmax.scan.msk.u32 $0xffff, v28  }
0x542: {  	v19 =	vsub.s32 v17, v10;
	v17 =	vsub.s32 v22, v13;
	v10 =	vxor.u32 $0x80000000, v23;
	(xrf0) =	vadd.scan.msk.s32 $0xffff, v15;
	v22, _, _ =	vpop (xrf0)  }
0x543: {  	(xrf0) =	vmax.scan.msk.u32 $0xffff, v10;
	v10 =	vld [tilespmem:s28+$0x10];
	(v2sf) =	vpush v22, $0xF;
	_ =	sdelay $0x2  }
0x544: {  	v18 =	vsub.s32 v18, v12;
	(xrf0) =	vadd.scan.msk.s32 $0xffff, v14  }
0x545: {  	s29 =	simm.s32 $0x0;
	s30 =	simm.s32 $0x8;
	s31 =	simm.s32 $0xC8E0;
	v12 =	vsub.s32 v25, v16;
	v13 =	vsub.s32 v27, v20;
	v16 =	vsub.s32 v23, v21;
	v20, _, _ =	vpop (xrf0)  }
.LBB2_107:
0x546: {  	v21 =	vld [tilespmem:s31+$0xFFFFFFE0];
	s30 =	sadd.s32 $0x4, s30;
	v22, _, _ =	vpop (xrf0);
	(xrf0) =	vadd.scan.msk.s32 $0xffff, v10;
	(v2sf) =	vpush v20, $0xF;
	v20 =	vsub.s32 s29, v6;
	v6 =	vmov v7;
	s0 =	smov.u32 s25;
	s25 =	smov.u32 s28  }
0x547: {  	v7 =	vmov v11;
	s28 =	smov.u32 s31;
	p3 =	slt.u32 s30, $0xC;
	v26 =	vxor.u32 $0x80000000, v22;
	v24, _, _ =	vpop (xrf0);
	v25 =	vadd.s32 v8, v20  }
0x548: {  	v8 =	vmov v9;
	v20 =	vld [tilespmem:s31+$0xFFFFFFF0];
	(xrf0) =	vmax.scan.msk.u32 $0xffff, v26;
	v11, _, _ =	vpop (xrf0);
	(v2sf) =	vpush v24, $0xF;
	[tilespmem:s26+$0xFFFFFFE0] =	vst v25;
	s1 =	spop (v2sf)  }
0x549: {  	v9 =	vmov v22;
	v15 =	vsub.s32 v11, v15;
	v24 =	vxor.u32 $0x80000000, v11;
	v23, _, _ =	vpop (xrf0);
	s1 =	sadd.s32 s1, s29  }
0x54a: {  	v22 =	vld [tilespmem:s31+$0x0];
	(xrf0) =	vmax.scan.msk.u32 $0xffff, v24;
	v11, _, _ =	vpop (xrf0);
	(v2sf) =	vpush v23, $0xF;
	s1 =	sadd.s32 $0x80000000, s1;
	s2 =	spop (v2sf);
	v23 =	vmov v10  }
0x54b: {  	(xrf0) =	vadd.scan.msk.s32 $0xffff, v21;
	v14 =	vsub.s32 v11, v14;
	v24 =	vxor.u32 $0x80000000, v11;
	v25 =	vadd.s32 s1, v19;
	s1 =	sadd.s32 s2, s1;
	v11 =	vmovc v21  }
.Ltmp69:
0x54c: {  	v19 =	vmov v12;
	v12 =	vmov v15;
	v10 =	vld [tilespmem:s31+$0x10];
	(xrf0) =	vmax.scan.msk.u32 $0xffff, v24;
	v21, _, _ =	vpop (xrf0);
	[tilespmem:s26+$0xFFFFFFF0] =	vst v25;
	s1 =	sadd.s32 $0x80000000, s1;
	s2 =	spop (v2sf);
	(pc) =	sbr.rel @p3 .LBB2_107-.Ltmp69, $4  }
0x54d: {  	(xrf0) =	vadd.scan.msk.s32 $0xffff, v20;
	v23 =	vsub.s32 v21, v23;
	v21 =	vxor.u32 $0x80000000, v21;
	v24 =	vadd.s32 s1, v18;
	s1 =	sadd.s32 s2, s1;
	v15 =	vmovc v20  }
0x54e: {  	v18 =	vmov v13;
	v13 =	vmov v14;
	v20, _, _ =	vpop (xrf0);
	(xrf0) =	vmax.scan.msk.u32 $0xffff, v21;
	[tilespmem:s26+$0x0] =	vst v24;
	s1 =	sadd.s32 $0x80000000, s1;
	s2 =	spop (v2sf)  }
0x54f: {  	(xrf0) =	vadd.scan.msk.s32 $0xffff, v22;
	(v2sf) =	vpush v20, $0xF;
	v21 =	vadd.s32 s1, v17;
	s1 =	sadd.s32 s2, s1;
	v14 =	vmovc v22;
	v17 =	vmov v16  }
0x550: {  	s31 =	sadd.s32 $0x40, s31;
	v16 =	vmov v23;
	v20, _, _ =	vpop (xrf0);
	[tilespmem:s26+$0x10] =	vst v21;
	s29 =	sadd.s32 $0x80000000, s1;
	s26 =	smov.u32 s0  }
0x551: {  	v21, _, _ =	vpop (xrf0)  }
0x552: {  	(xrf0) =	vadd.scan.msk.s32 $0xffff, v10;
	v22 =	vxor.u32 $0x80000000, v21;
	v23, _, _ =	vpop (xrf0)  }
0x553: {  	(xrf0) =	vmax.scan.msk.u32 $0xffff, v22;
	v50, _, _ =	vpop (xrf0)  }
0x554: {  	(v2sf) =	vpush v20, $0xF;
	v51 =	vxor.u32 $0x80000000, v50;
	v24, _, _ =	vpop (xrf0)  }
0x555: {  	(xrf0) =	vmax.scan.msk.u32 $0xffff, v51;
	v52, _, _ =	vpop (xrf0)  }
0x556: {  	(v2sf) =	vpush v23, $0xF;
	v53 =	vxor.u32 $0x80000000, v52  }
0x557: {  	(xrf0) =	vmax.scan.msk.u32 $0xffff, v53  }
0x558: {  	(v2sf) =	vpush v24, $0xF;
	v54, _, _ =	vpop (xrf0)  }
0x559: {  	s0 =	spop (v2sf);
	v55, _, _ =	vpop (xrf0)  }
0x55a: {  	s0 =	sadd.s32 s0, s29;
	v56 =	vxor.u32 $0x80000000, v54;
	(v2sf) =	vpush v55, $0xF  }
0x55b: {  	s0 =	sadd.s32 $0x80000000, s0;
	s1 =	spop (v2sf);
	(xrf0) =	vmax.scan.msk.u32 $0xffff, v56;
	v57, _, _ =	vpop (xrf0)  }
0x55c: {  	s1 =	sadd.s32 s1, s0;
	(v2sf) =	vpush v57, $0xF  }
0x55d: {  	s1 =	sadd.s32 $0x80000000, s1;
	s2 =	spop (v2sf);
	v58, _, _ =	vpop (xrf0)  }
0x55e: {  	s2 =	sadd.s32 s2, s1;
	(v2sf) =	vpush v58, $0xF  }
0x55f: {  	s4 =	spop (v2sf);
	s2 =	sadd.s32 $0x80000000, s2  }
0x560: {  	s4 =	sadd.s32 s4, s2  }
0x561: {  	s4 =	sadd.s32 $0x80000000, s4;
	s30 =	spop (v2sf);
	v59, _, _ =	vpop (xrf0)  }
0x562: {  	s30 =	sadd.s32 s30, s4;
	(v2sf) =	vpush v59, $0xF  }
0x563: {  	s30 =	sadd.s32 $0x80000000, s30;
	s31 =	spop (v2sf)  }
0x564: {  	v6 =	vsub.s32 s29, v6;
	s31 =	sadd.s32 s31, s30  }
0x565: {  	v6 =	vadd.s32 v8, v6;
	s29 =	sadd.s32 $0x80000000, s31;
	s31 =	spop (v2sf)  }
0x566: {  	[tilespmem:s26+$0xFFFFFFE0] =	vst v6;
	v60 =	vadd.s32 s0, v19;
	s31 =	sadd.s32 s31, s29  }
0x567: {  	[tilespmem:s26+$0xFFFFFFF0] =	vst v60;
	v6 =	vadd.s32 s1, v18;
	s0 =	sadd.s32 $0x80000000, s31;
	s31 =	spop (v2sf)  }
0x568: {  	[tilespmem:s26+$0x0] =	vst v6;
	v61 =	vadd.s32 s2, v17;
	v7 =	vsub.s32 s4, v7;
	s1 =	sadd.s32 s31, s0  }
0x569: {  	[tilespmem:s26+$0x10] =	vst v61;
	v6 =	vadd.s32 v9, v7;
	s1 =	sadd.s32 $0x80000000, s1;
	s26 =	spop (v2sf)  }
0x56a: {  	[tilespmem:s25+$0xFFFFFFE0] =	vst v6;
	v7 =	vadd.s32 s30, v12;
	s2 =	sadd.s32 s26, s1  }
0x56b: {  	[tilespmem:s25+$0xFFFFFFF0] =	vst v7;
	v6 =	vadd.s32 s29, v13;
	s2 =	sadd.s32 $0x80000000, s2;
	s31 =	spop (v2sf)  }
0x56c: {  	[tilespmem:s25+$0x0] =	vst v6;
	v7 =	vadd.s32 s0, v16;
	v6 =	vsub.s32 s1, v11;
	s26 =	sadd.s32 s31, s2  }
.Ltmp70:
0x56d: {  	v62 =	vsub.s32 v50, v15;
	[tilespmem:s25+$0x10] =	vst v7;
	v6 =	vadd.s32 v21, v6;
	s0 =	sadd.s32 $0x80000000, s26;
	s29 =	spop (v2sf);
	(pc) =	sbr.rel @!p2 .LBB2_112-.Ltmp70, $4  }
0x56e: {  	v7 =	vsub.s32 v52, v14;
	[tilespmem:s28+$0xFFFFFFE0] =	vst v6;
	v6 =	vadd.s32 s2, v62;
	s1 =	sadd.s32 s29, s0  }
0x56f: {  	v63 =	vsub.s32 v54, v10;
	[tilespmem:s28+$0xFFFFFFF0] =	vst v6;
	v6 =	vadd.s32 s0, v7;
	s30 =	sadd.s32 $0x80000000, s1  }
0x570: {  	[tilespmem:s28+$0x0] =	vst v6;
	v6 =	vadd.s32 s30, v63  }
0x571: {  	s31 =	spop (v2sf);
	[tilespmem:s28+$0x10] =	vst v6  }
0x572: {  	p3 =	seq.s32 s20, $0x1  }
.Ltmp71:
0x573: {  	_ = 	snop;
	(pc) =	sbr.rel @p3 .LBB2_111-.Ltmp71, $4  }
0x574: {  	s0 =	simm.s32 $0x8800  }
0x575: {  	v6 =	vld [tilespmem:s0+$0x0]  }
0x576: {  	s25 =	simm.s32 $0x9800  }
0x577: {  	s26 =	sadd.s32 $0xFFFFFFFF, s20;
	v7 =	vld [tilespmem:s25+$0x0]  }
.LBB2_110:
0x578: {  	p3 =	seq.s32 s26, $0x1;
	_ =	sdelay $0x1  }
0x579: {  	v8 =	vshrl.u32 v6, $0x10  }
0x57a: {  	v8 =	vand.u32 $0xFF, v8  }
0x57b: {  	(xrf1) =	vunique.msk.u32 $0xffff, v8;
	_ =	sdelay $0x9  }
0x57c: {  	v9 =	vld.idx.msk [tilespmem:v8+s14+$0x0], $0xffff;
	_ =	sdelay $0x3  }
0x57d: {  	_, v10, vm0 =	vpop (xrf1)  }
0x57e: {  	v10 =	vsub.s32 v10, v2  }
0x57f: {  	v9 =	vadd.s32 v9, v10;
	v10 =	vadd.s32 $0x1, v10;
	_ =	sdelay $0x4  }
0x580: {  	[tilespmem:v9+s15+$0x0] =	vst.idx.msk $0xffff, v6  }
.Ltmp72:
0x581: {  	[tilespmem:v9+s16+$0x0] =	vst.idx.msk $0xffff, v7;
	(pc) =	sbr.rel @!p3 .LBB2_110-.Ltmp72, $4  }
0x582: {  	s0 =	sadd.s32 $0x10, s0;
	[tilespmem:v8+s14+$0x0] =	vst.idx.add.s32.msk vm0, v10  }
0x583: {  	s25 =	sadd.s32 $0x10, s25;
	v6 =	vld [tilespmem:s0+$0x0]  }
0x584: {  	v7 =	vld [tilespmem:s25+$0x0]  }
0x585: {  	s26 =	sadd.s32 $0xFFFFFFFF, s26  }
.LBB2_111:
0x586: {  	_ =	sdelay $0x1  }
0x587: {  	v8 =	vshrl.u32 v6, $0x10  }
0x588: {  	v8 =	vand.u32 $0xFF, v8  }
0x589: {  	(xrf1) =	vunique.msk.u32 $0xffff, v8;
	_ =	sdelay $0xa  }
0x58a: {  	v9 =	vld.idx.msk [tilespmem:v8+s14+$0x0], $0xffff;
	_ =	sdelay $0x2  }
0x58b: {  	_, v10, vm0 =	vpop (xrf1)  }
0x58c: {  	v10 =	vsub.s32 v10, v2  }
0x58d: {  	v9 =	vadd.s32 v9, v10;
	_ =	sdelay $0x4  }
0x58e: {  	[tilespmem:v9+s15+$0x0] =	vst.idx.msk $0xffff, v6  }
0x58f: {  	v6 =	vadd.s32 $0x1, v10;
	[tilespmem:v9+s16+$0x0] =	vst.idx.msk $0xffff, v7  }
0x590: {  	[tilespmem:v8+s14+$0x0] =	vst.idx.add.s32.msk vm0, v6  }
.LBB2_112:
0x591: {  	s0 =	simm.s32 $0x0;
	p3 =	por $0x1, $0x1  }
.LBB2_113:
0x592: {  	s0 =	sshra.s32 s0, $0x2  }
0x593: {  	[tilespmem:s0+$0xC800] =	vst v0  }
0x594: {  	[tilespmem:s0+$0xC810] =	vst v0  }
0x595: {  	p4 =	por p3, p3;
	[tilespmem:s0+$0xC820] =	vst v0  }
.Ltmp73:
0x596: {  	[tilespmem:s0+$0xC830] =	vst v0;
	(pc) =	sbr.rel @p4 .LBB2_113-.Ltmp73, $4  }
0x597: {  	[tilespmem:s0+$0xC840] =	vst v0  }
0x598: {  	[tilespmem:s0+$0xC850] =	vst v0  }
0x599: {  	[tilespmem:s0+$0xC860] =	vst v0  }
0x59a: {  	p3 =	por $0x0, $0x0;
	[tilespmem:s0+$0xC870] =	vst v0;
	s0 =	simm.s32 $0x200  }
.Ltmp74:
0x59b: {  	(pc) =	sbr.rel @p0 .LBB2_128-.Ltmp74, $1  }
0x59c: {  	_ =	sdelay $0x3  }
0x59d: {  	s0 =	simm.s32 $0xA820  }
0x59e: {  	v6 =	vld [tilespmem:s0+$0x10]  }
0x59f: {  	v7 =	vld [tilespmem:s0+$0xFFFFFFF0]  }
0x5a0: {  	p4 =	sgt.s32 s22, $0x4  }
.Ltmp75:
0x5a1: {  	_ = 	snop;
	(pc) =	sbr.rel @!p4 .LBB2_116-.Ltmp75, $4  }
0x5a2: {  	_ = 	snop  }
0x5a3: {  	v6 =	vshrl.u32 v6, $0x18  }
0x5a4: {  	v10 =	vld [tilespmem:s0+$0x0];
	v7 =	vshrl.u32 v7, $0x18;
	(xrf1) =	vunique.msk.u32 $0xffff, v6  }
0x5a5: {  	p0 =	por $0x0, $0x0;
	p3 =	por $0x0, $0x0;
	v11 =	vld [tilespmem:s0+$0xFFFFFFE0];
	s0 =	simm.s32 $0xA860;
	(xrf1) =	vunique.msk.u32 $0xffff, v7  }
0x5a6: {  	_ =	sdelay $0x2  }
0x5a7: {  	v12 =	vld [tilespmem:s0+$0x10];
	v9 =	vshrl.u32 v10, $0x18  }
0x5a8: {  	v13 =	vld [tilespmem:s0+$0xFFFFFFF0];
	v8 =	vshrl.u32 v11, $0x18;
	(xrf1) =	vunique.msk.u32 $0xffff, v9  }
0x5a9: {  	(xrf1) =	vunique.msk.u32 $0xffff, v8;
	_ =	sdelay $0x2  }
0x5aa: {  	v17 =	vshrl.u32 v12, $0x18  }
0x5ab: {  	v14 =	vshrl.u32 v13, $0x18;
	(xrf1) =	vunique.msk.u32 $0xffff, v17  }
0x5ac: {  	(xrf1) =	vunique.msk.u32 $0xffff, v14;
	_ =	sdelay $0x2  }
0x5ad: {  	p4 =	sgt.s32 s22, $0x8  }
.Ltmp76:
0x5ae: {  	_ = 	snop;
	(pc) =	sbr.rel @!p4 .LBB2_139-.Ltmp76, $3  }
0x5af: {  	_ =	sdelay $0x1  }
0x5b0: {  	v10 =	vld [tilespmem:s0+$0x0]  }
0x5b1: {  	s25 =	simm.s32 $0xA8A0;
	p0 =	por $0x1, $0x1;
	v11 =	vld [tilespmem:s0+$0xFFFFFFE0]  }
0x5b2: {  	v15 =	vld [tilespmem:s25+$0x10]  }
0x5b3: {  	v16 =	vld [tilespmem:s25+$0xFFFFFFF0];
	_ =	sdelay $0x1  }
0x5b4: {  	v18 =	vshrl.u32 v10, $0x18  }
0x5b5: {  	v12 =	vshrl.u32 v11, $0x18;
	(xrf1) =	vunique.msk.u32 $0xffff, v18  }
0x5b6: {  	(xrf1) =	vunique.msk.u32 $0xffff, v12;
	v20 =	vshrl.u32 v15, $0x18  }
0x5b7: {  	v19 =	vshrl.u32 v16, $0x18;
	(xrf1) =	vunique.msk.u32 $0xffff, v20  }
0x5b8: {  	(xrf1) =	vunique.msk.u32 $0xffff, v19  }
0x5b9: {  	p4 =	sgt.s32 s22, $0xC  }
.Ltmp77:
0x5ba: {  	v10 =	vld [tilespmem:s25+$0x0];
	(pc) =	sbr.rel @!p4 .LBB2_141-.Ltmp77, $3  }
0x5bb: {  	_, v13, vm0 =	vpop (xrf1);
	v11 =	vld [tilespmem:s25+$0xFFFFFFE0];
	_ =	sdelay $0x1  }
0x5bc: {  	_, v15, vm1 =	vpop (xrf1)  }
0x5bd: {  	s0 =	simm.s32 $0xC;
	p3 =	por $0x1, $0x1;
	s25 =	simm.s32 $0xA8E0;
	v15 =	vadd.s32 v3, v15;
	_, v16, vm2 =	vpop (xrf1)  }
.LBB2_142:
0x5be: {  	v21 =	vld [tilespmem:s25+$0x10];
	s0 =	sadd.s32 $0x4, s0;
	v22 =	vshrl.u32 v10, $0x18;
	v16 =	vadd.s32 v3, v16;
	_, v10, vm3 =	vpop (xrf1);
	v23 =	vmov v12  }
0x5bf: {  	v24 =	vld [tilespmem:s25+$0xFFFFFFF0];
	p4 =	slt.s32 s0, s22;
	v12 =	vshrl.u32 v11, $0x18;
	(xrf1) =	vunique.msk.u32 $0xffff, v22;
	v25 =	vadd.s32 v3, v10;
	v10 =	vadd.s32 v3, v13  }
0x5c0: {  	(xrf1) =	vunique.msk.u32 $0xffff, v12;
	[tilespmem:v6+s14+$0x0] =	vst.idx.add.s32.msk vm0, v10;
	v6 =	vmov v17;
	v17 =	vmov v20  }
.Ltmp78:
0x5c1: {  	v10 =	vld [tilespmem:s25+$0x0];
	(pc) =	sbr.rel @p4 .LBB2_142-.Ltmp78, $4  }
0x5c2: {  	v11 =	vld [tilespmem:s25+$0xFFFFFFE0];
	_, v13, vm0 =	vpop (xrf1)  }
0x5c3: {  	v20 =	vshrl.u32 v21, $0x18;
	[tilespmem:v7+s14+$0x0] =	vst.idx.add.s32.msk vm1, v15;
	_, v15, vm1 =	vpop (xrf1);
	v7 =	vmov v14;
	v14 =	vmov v19  }
0x5c4: {  	v19 =	vshrl.u32 v24, $0x18;
	(xrf1) =	vunique.msk.u32 $0xffff, v20;
	v15 =	vadd.s32 v3, v15;
	[tilespmem:v8+s14+$0x0] =	vst.idx.add.s32.msk vm3, v25;
	v8 =	vmovc v23  }
0x5c5: {  	s25 =	sadd.s32 $0x40, s25;
	(xrf1) =	vunique.msk.u32 $0xffff, v19;
	[tilespmem:v9+s14+$0x0] =	vst.idx.add.s32.msk vm2, v16;
	_, v16, vm2 =	vpop (xrf1);
	v9 =	vmov v18;
	v18 =	vmov v22  }
0x5c6: {  	v21 =	vmov v6;
	v24 =	vmov v7;
	v23 =	vmov v9  }
0x5c7: {  	v22 =	vmovc v17;
	v6 =	vmovc v20;
	v20 =	vmov v14;
	v7 =	vmov v19;
	v9 =	vmov v18  }
.LBB2_144:
0x5c8: {  	v10 =	vshrl.u32 v10, $0x18  }
0x5c9: {  	v11 =	vshrl.u32 v11, $0x18;
	(xrf1) =	vunique.msk.u32 $0xffff, v10  }
0x5ca: {  	(xrf1) =	vunique.msk.u32 $0xffff, v11;
	_ =	sdelay $0x2  }
0x5cb: {  	_, v14, vm3 =	vpop @p3 (xrf1)  }
0x5cc: {  	v13 =	vadd.s32 @p3 v3, v13;
	_ =	sdelay $0x1  }
0x5cd: {  	v18 =	vmov @p0 v22;
	_, v17, vm4 =	vpop @p0 (xrf1)  }
0x5ce: {  	[tilespmem:v21+s14+$0x0] =	vst.idx.add.s32.msk @p3 vm0, v13;
	v18 =	vpsel p0, v18, v0;
	_, v19, vm5 =	vpop @p0 (xrf1);
	vm4 =	vmmov @p0 vm4;
	v13 =	vmov @p0 v20  }
0x5cf: {  	[tilespmem:v24+s14+$0x0] =	vst.idx.add.s32.msk @p3 vm1, v15;
	v14 =	vadd.s32 @p3 v3, v14;
	_, v20, vm0 =	vpop @p0 (xrf1);
	vm5 =	vmmov @p0 vm5;
	v13 =	vpsel p0, v13, v0  }
0x5d0: {  	_, v15, vm1 =	vpop @p0 (xrf1);
	[tilespmem:v8+s14+$0x0] =	vst.idx.add.s32.msk @p3 vm3, v14;
	v14 =	vadd.s32 @p3 v3, v16;
	v16 =	vpsel p0, v17, v0  }
0x5d1: {  	vm0 =	vmmov @p0 vm0;
	v8 =	vmovc @p0 v9;
	v9 =	vpsel p0, v12, v0;
	v16 =	vadd.s32 @p0 v3, v16  }
0x5d2: {  	v8 =	vpsel p0, v8, v0;
	_, v59, vm14 =	vpop (xrf1)  }
0x5d3: {  	[tilespmem:v23+s14+$0x0] =	vst.idx.add.s32.msk @p3 vm2, v14;
	v14 =	vadd.s32 @p0 v3, v19;
	_, v60, vm6 =	vpop (xrf1)  }
0x5d4: {  	[tilespmem:v18+s14+$0x0] =	vst.idx.add.s32.msk @p0 vm4, v16;
	v14 =	vpsel p0, v14, v0;
	_, v61, vm15 =	vpop (xrf1)  }
0x5d5: {  	[tilespmem:v13+s14+$0x0] =	vst.idx.add.s32.msk @p0 vm5, v14;
	v13 =	vpsel p0, v20, v0;
	v14 =	vadd.s32 @p0 v3, v15;
	_, v16, vm4 =	vpop (xrf1)  }
0x5d6: {  	[tilespmem:v9+s14+$0x0] =	vst.idx.add.s32.msk @p0 vm1, v14;
	v9 =	vadd.s32 @p0 v3, v13  }
0x5d7: {  	v62 =	vadd.s32 v3, v59;
	[tilespmem:v8+s14+$0x0] =	vst.idx.add.s32.msk @p0 vm0, v9  }
0x5d8: {  	v63 =	vadd.s32 v3, v60;
	[tilespmem:v6+s14+$0x0] =	vst.idx.add.s32.msk vm14, v62  }
0x5d9: {  	[tilespmem:v7+s14+$0x0] =	vst.idx.add.s32.msk vm6, v63;
	v7 =	vadd.s32 v3, v61  }
0x5da: {  	v6 =	vadd.s32 v3, v16;
	[tilespmem:v10+s14+$0x0] =	vst.idx.add.s32.msk vm15, v7  }
0x5db: {  	[tilespmem:v11+s14+$0x0] =	vst.idx.add.s32.msk vm4, v6  }
.LBB2_128:
.Ltmp79:
0x5dc: {  	(pc) =	sbr.rel @!p1 .LBB2_129-.Ltmp79, $1  }
0x5dd: {  	_ =	sdelay $0x3  }
0x5de: {  	s0 =	sshra.s32 s24, $0x2  }
0x5df: {  	s0 =	sadd.s32 $0xA800, s0  }
.LBB2_146:
0x5e0: {  	v6 =	vld [tilespmem:s0+$0x0];
	_ =	sdelay $0x4  }
0x5e1: {  	v6 =	vshrl.u32 v6, $0x18  }
0x5e2: {  	(xrf1) =	vunique.msk.u32 $0xffff, v6;
	_ =	sdelay $0xd  }
0x5e3: {  	_, v7, vm0 =	vpop (xrf1)  }
0x5e4: {  	p0 =	seq.s32 s23, $0x1  }
.Ltmp80:
0x5e5: {  	_ = 	snop;
	(pc) =	sbr.rel @!p0 .LBB2_146-.Ltmp80, $3  }
0x5e6: {  	_ =	sdelay $0x1  }
0x5e7: {  	v7 =	vadd.s32 v3, v7  }
0x5e8: {  	s0 =	sadd.s32 $0x10, s0;
	s23 =	sadd.s32 $0xFFFFFFFF, s23;
	[tilespmem:v6+s14+$0x0] =	vst.idx.add.s32.msk vm0, v7  }
.LBB2_129:
0x5e9: {  	s23 =	simm.s32 $0xC820  }
0x5ea: {  	v6 =	vld [tilespmem:s23+$0xFFFFFFE0]  }
0x5eb: {  	v10 =	vld [tilespmem:s23+$0xFFFFFFF0];
	_ =	sdelay $0x2  }
0x5ec: {  	v12 =	vld [tilespmem:s23+$0x0]  }
0x5ed: {  	(xrf0) =	vadd.scan.msk.s32 $0xffff, v6  }
0x5ee: {  	v13 =	vld [tilespmem:s23+$0x10];
	(xrf0) =	vadd.scan.msk.s32 $0xffff, v10;
	_ =	sdelay $0x2  }
0x5ef: {  	s22 =	simm.s32 $0xC860;
	(xrf0) =	vadd.scan.msk.s32 $0xffff, v12  }
0x5f0: {  	v7 =	vld [tilespmem:s22+$0xFFFFFFE0]  }
0x5f1: {  	(xrf0) =	vadd.scan.msk.s32 $0xffff, v13;
	v8, _, _ =	vpop (xrf0)  }
0x5f2: {  	v9 =	vxor.u32 $0x80000000, v8;
	v17, _, _ =	vpop (xrf0)  }
0x5f3: {  	v16 =	vld [tilespmem:s22+$0xFFFFFFF0];
	(xrf0) =	vmax.scan.msk.u32 $0xffff, v9;
	v9 =	vxor.u32 $0x80000000, v17  }
0x5f4: {  	(xrf0) =	vmax.scan.msk.u32 $0xffff, v9  }
0x5f5: {  	v20 =	vld [tilespmem:s22+$0x0];
	v18, _, _ =	vpop (xrf0);
	(xrf0) =	vadd.scan.msk.s32 $0xffff, v7  }
0x5f6: {  	v9 =	vxor.u32 $0x80000000, v18  }
0x5f7: {  	v21 =	vld [tilespmem:s22+$0x10];
	v22, _, _ =	vpop (xrf0);
	(xrf0) =	vmax.scan.msk.u32 $0xffff, v9  }
0x5f8: {  	v9 =	vxor.u32 $0x80000000, v22;
	(xrf0) =	vadd.scan.msk.s32 $0xffff, v16  }
0x5f9: {  	(xrf0) =	vmax.scan.msk.u32 $0xffff, v9;
	v19, _, _ =	vpop (xrf0)  }
0x5fa: {  	(xrf0) =	vadd.scan.msk.s32 $0xffff, v20;
	v23, _, _ =	vpop (xrf0)  }
0x5fb: {  	s24 =	simm.s32 $0xC8A0;
	v9, _, _ =	vpop (xrf0)  }
0x5fc: {  	v11 =	vld [tilespmem:s24+$0xFFFFFFE0];
	(xrf0) =	vadd.scan.msk.s32 $0xffff, v21;
	(v2sf) =	vpush v19, $0xF;
	v14 =	vxor.u32 $0x80000000, v9  }
0x5fd: {  	v24, _, _ =	vpop (xrf0);
	(xrf0) =	vmax.scan.msk.u32 $0xffff, v14  }
0x5fe: {  	v15 =	vld [tilespmem:s24+$0xFFFFFFF0];
	(v2sf) =	vpush v23, $0xF;
	v25, _, _ =	vpop (xrf0)  }
0x5ff: {  	v14 =	vxor.u32 $0x80000000, v25;
	v26, _, _ =	vpop (xrf0)  }
0x600: {  	(v2sf) =	vpush v24, $0xF;
	(xrf0) =	vmax.scan.msk.u32 $0xffff, v14;
	v27, _, _ =	vpop (xrf0)  }
0x601: {  	(xrf0) =	vadd.scan.msk.s32 $0xffff, v11;
	v28 =	vxor.u32 $0x80000000, v27  }
0x602: {  	v14 =	vld [tilespmem:s24+$0x0];
	(v2sf) =	vpush v26, $0xF;
	v23, _, _ =	vpop (xrf0);
	(xrf0) =	vmax.scan.msk.u32 $0xffff, v28  }
0x603: {  	v19 =	vsub.s32 v17, v10;
	v17 =	vsub.s32 v22, v13;
	v10 =	vxor.u32 $0x80000000, v23;
	(xrf0) =	vadd.scan.msk.s32 $0xffff, v15;
	v22, _, _ =	vpop (xrf0)  }
0x604: {  	(xrf0) =	vmax.scan.msk.u32 $0xffff, v10;
	v10 =	vld [tilespmem:s24+$0x10];
	(v2sf) =	vpush v22, $0xF;
	_ =	sdelay $0x2  }
0x605: {  	v18 =	vsub.s32 v18, v12;
	(xrf0) =	vadd.scan.msk.s32 $0xffff, v14  }
0x606: {  	s25 =	simm.s32 $0x0;
	s26 =	simm.s32 $0x8;
	s28 =	simm.s32 $0xC8E0;
	v12 =	vsub.s32 v25, v16;
	v13 =	vsub.s32 v27, v20;
	v16 =	vsub.s32 v23, v21;
	v20, _, _ =	vpop (xrf0)  }
.LBB2_130:
0x607: {  	v21 =	vld [tilespmem:s28+$0xFFFFFFE0];
	s26 =	sadd.s32 $0x4, s26;
	v22, _, _ =	vpop (xrf0);
	(xrf0) =	vadd.scan.msk.s32 $0xffff, v10;
	(v2sf) =	vpush v20, $0xF;
	v20 =	vsub.s32 s25, v6;
	v6 =	vmov v7;
	s0 =	smov.u32 s22;
	s22 =	smov.u32 s24  }
0x608: {  	v7 =	vmov v11;
	s24 =	smov.u32 s28;
	p0 =	slt.u32 s26, $0xC;
	v26 =	vxor.u32 $0x80000000, v22;
	v24, _, _ =	vpop (xrf0);
	v25 =	vadd.s32 v8, v20  }
0x609: {  	v8 =	vmov v9;
	v20 =	vld [tilespmem:s28+$0xFFFFFFF0];
	(xrf0) =	vmax.scan.msk.u32 $0xffff, v26;
	v11, _, _ =	vpop (xrf0);
	(v2sf) =	vpush v24, $0xF;
	[tilespmem:s23+$0xFFFFFFE0] =	vst v25;
	s1 =	spop (v2sf)  }
0x60a: {  	v9 =	vmov v22;
	v15 =	vsub.s32 v11, v15;
	v24 =	vxor.u32 $0x80000000, v11;
	v23, _, _ =	vpop (xrf0);
	s1 =	sadd.s32 s1, s25  }
0x60b: {  	v22 =	vld [tilespmem:s28+$0x0];
	(xrf0) =	vmax.scan.msk.u32 $0xffff, v24;
	v11, _, _ =	vpop (xrf0);
	(v2sf) =	vpush v23, $0xF;
	s1 =	sadd.s32 $0x80000000, s1;
	s2 =	spop (v2sf);
	v23 =	vmov v10  }
0x60c: {  	(xrf0) =	vadd.scan.msk.s32 $0xffff, v21;
	v14 =	vsub.s32 v11, v14;
	v24 =	vxor.u32 $0x80000000, v11;
	v25 =	vadd.s32 s1, v19;
	s1 =	sadd.s32 s2, s1;
	v11 =	vmovc v21  }
.Ltmp81:
0x60d: {  	v19 =	vmov v12;
	v12 =	vmov v15;
	v10 =	vld [tilespmem:s28+$0x10];
	(xrf0) =	vmax.scan.msk.u32 $0xffff, v24;
	v21, _, _ =	vpop (xrf0);
	[tilespmem:s23+$0xFFFFFFF0] =	vst v25;
	s1 =	sadd.s32 $0x80000000, s1;
	s2 =	spop (v2sf);
	(pc) =	sbr.rel @p0 .LBB2_130-.Ltmp81, $4  }
0x60e: {  	(xrf0) =	vadd.scan.msk.s32 $0xffff, v20;
	v23 =	vsub.s32 v21, v23;
	v21 =	vxor.u32 $0x80000000, v21;
	v24 =	vadd.s32 s1, v18;
	s1 =	sadd.s32 s2, s1;
	v15 =	vmovc v20  }
0x60f: {  	v18 =	vmov v13;
	v13 =	vmov v14;
	v20, _, _ =	vpop (xrf0);
	(xrf0) =	vmax.scan.msk.u32 $0xffff, v21;
	[tilespmem:s23+$0x0] =	vst v24;
	s1 =	sadd.s32 $0x80000000, s1;
	s2 =	spop (v2sf)  }
0x610: {  	(xrf0) =	vadd.scan.msk.s32 $0xffff, v22;
	(v2sf) =	vpush v20, $0xF;
	v21 =	vadd.s32 s1, v17;
	s1 =	sadd.s32 s2, s1;
	v14 =	vmovc v22;
	v17 =	vmov v16  }
0x611: {  	s28 =	sadd.s32 $0x40, s28;
	v16 =	vmov v23;
	v20, _, _ =	vpop (xrf0);
	[tilespmem:s23+$0x10] =	vst v21;
	s25 =	sadd.s32 $0x80000000, s1;
	s23 =	smov.u32 s0  }
0x612: {  	v21, _, _ =	vpop (xrf0)  }
0x613: {  	(xrf0) =	vadd.scan.msk.s32 $0xffff, v10;
	v22 =	vxor.u32 $0x80000000, v21;
	v23, _, _ =	vpop (xrf0)  }
0x614: {  	(xrf0) =	vmax.scan.msk.u32 $0xffff, v22;
	v50, _, _ =	vpop (xrf0)  }
0x615: {  	(v2sf) =	vpush v20, $0xF;
	v51 =	vxor.u32 $0x80000000, v50;
	v24, _, _ =	vpop (xrf0)  }
0x616: {  	(xrf0) =	vmax.scan.msk.u32 $0xffff, v51;
	v52, _, _ =	vpop (xrf0)  }
0x617: {  	(v2sf) =	vpush v23, $0xF;
	v53 =	vxor.u32 $0x80000000, v52  }
0x618: {  	(xrf0) =	vmax.scan.msk.u32 $0xffff, v53  }
0x619: {  	(v2sf) =	vpush v24, $0xF;
	v54, _, _ =	vpop (xrf0)  }
0x61a: {  	s0 =	spop (v2sf);
	v55, _, _ =	vpop (xrf0)  }
0x61b: {  	s0 =	sadd.s32 s0, s25;
	v56 =	vxor.u32 $0x80000000, v54;
	(v2sf) =	vpush v55, $0xF  }
0x61c: {  	s0 =	sadd.s32 $0x80000000, s0;
	s1 =	spop (v2sf);
	(xrf0) =	vmax.scan.msk.u32 $0xffff, v56;
	v57, _, _ =	vpop (xrf0)  }
0x61d: {  	s1 =	sadd.s32 s1, s0;
	(v2sf) =	vpush v57, $0xF  }
0x61e: {  	s1 =	sadd.s32 $0x80000000, s1;
	s2 =	spop (v2sf);
	v58, _, _ =	vpop (xrf0)  }
0x61f: {  	s2 =	sadd.s32 s2, s1;
	(v2sf) =	vpush v58, $0xF  }
0x620: {  	s4 =	spop (v2sf);
	s2 =	sadd.s32 $0x80000000, s2  }
0x621: {  	s4 =	sadd.s32 s4, s2  }
0x622: {  	s4 =	sadd.s32 $0x80000000, s4;
	s26 =	spop (v2sf);
	v59, _, _ =	vpop (xrf0)  }
0x623: {  	s26 =	sadd.s32 s26, s4;
	(v2sf) =	vpush v59, $0xF  }
0x624: {  	s26 =	sadd.s32 $0x80000000, s26;
	s28 =	spop (v2sf)  }
0x625: {  	v6 =	vsub.s32 s25, v6;
	s28 =	sadd.s32 s28, s26  }
0x626: {  	v6 =	vadd.s32 v8, v6;
	s25 =	sadd.s32 $0x80000000, s28;
	s29 =	spop (v2sf)  }
0x627: {  	[tilespmem:s23+$0xFFFFFFE0] =	vst v6;
	v60 =	vadd.s32 s0, v19;
	s30 =	sadd.s32 s29, s25  }
0x628: {  	[tilespmem:s23+$0xFFFFFFF0] =	vst v60;
	v6 =	vadd.s32 s1, v18;
	s0 =	sadd.s32 $0x80000000, s30;
	s31 =	spop (v2sf)  }
0x629: {  	[tilespmem:s23+$0x0] =	vst v6;
	v61 =	vadd.s32 s2, v17;
	v7 =	vsub.s32 s4, v7;
	s1 =	sadd.s32 s31, s0  }
0x62a: {  	[tilespmem:s23+$0x10] =	vst v61;
	v6 =	vadd.s32 v9, v7;
	s1 =	sadd.s32 $0x80000000, s1;
	s23 =	spop (v2sf)  }
0x62b: {  	[tilespmem:s22+$0xFFFFFFE0] =	vst v6;
	v7 =	vadd.s32 s26, v12;
	s2 =	sadd.s32 s23, s1  }
0x62c: {  	[tilespmem:s22+$0xFFFFFFF0] =	vst v7;
	v6 =	vadd.s32 s25, v13;
	s2 =	sadd.s32 $0x80000000, s2;
	s26 =	spop (v2sf)  }
0x62d: {  	[tilespmem:s22+$0x0] =	vst v6;
	v7 =	vadd.s32 s0, v16;
	v6 =	vsub.s32 s1, v11;
	s28 =	sadd.s32 s26, s2  }
.Ltmp82:
0x62e: {  	v62 =	vsub.s32 v50, v15;
	[tilespmem:s22+$0x10] =	vst v7;
	v6 =	vadd.s32 v21, v6;
	s0 =	sadd.s32 $0x80000000, s28;
	s29 =	spop (v2sf);
	(pc) =	sbr.rel @!p2 .LBB2_135-.Ltmp82, $4  }
0x62f: {  	v7 =	vsub.s32 v52, v14;
	[tilespmem:s24+$0xFFFFFFE0] =	vst v6;
	v6 =	vadd.s32 s2, v62;
	s1 =	sadd.s32 s29, s0  }
0x630: {  	v63 =	vsub.s32 v54, v10;
	[tilespmem:s24+$0xFFFFFFF0] =	vst v6;
	v6 =	vadd.s32 s0, v7;
	s30 =	sadd.s32 $0x80000000, s1  }
0x631: {  	[tilespmem:s24+$0x0] =	vst v6;
	v6 =	vadd.s32 s30, v63  }
0x632: {  	s31 =	spop (v2sf);
	[tilespmem:s24+$0x10] =	vst v6  }
0x633: {  	s0 =	simm.s32 $0xA800;
	p0 =	sne.s32 s20, $0x1  }
.Ltmp83:
0x634: {  	v6 =	vld [tilespmem:s0+$0x0];
	(pc) =	sbr.rel @!p0 .LBB2_134-.Ltmp83, $3  }
0x635: {  	_ =	sdelay $0x1  }
0x636: {  	s22 =	simm.s32 $0xB800  }
0x637: {  	s20 =	sadd.s32 $0xFFFFFFFF, s20;
	v7 =	vld [tilespmem:s22+$0x0]  }
.LBB2_133:
0x638: {  	p0 =	sne.s32 s20, $0x1;
	_ =	sdelay $0x1  }
0x639: {  	v8 =	vshrl.u32 v6, $0x18  }
0x63a: {  	(xrf1) =	vunique.msk.u32 $0xffff, v8;
	_ =	sdelay $0x9  }
0x63b: {  	v9 =	vld.idx.msk [tilespmem:v8+s14+$0x0], $0xffff;
	_ =	sdelay $0x3  }
0x63c: {  	_, v10, vm0 =	vpop (xrf1)  }
0x63d: {  	v10 =	vsub.s32 v10, v2  }
0x63e: {  	v9 =	vadd.s32 v9, v10;
	v10 =	vadd.s32 $0x1, v10;
	_ =	sdelay $0x4  }
0x63f: {  	[tilespmem:v9+s12+$0x0] =	vst.idx.msk $0xffff, v6  }
.Ltmp84:
0x640: {  	[tilespmem:v9+s13+$0x0] =	vst.idx.msk $0xffff, v7;
	(pc) =	sbr.rel @p0 .LBB2_133-.Ltmp84, $4  }
0x641: {  	s0 =	sadd.s32 $0x10, s0;
	[tilespmem:v8+s14+$0x0] =	vst.idx.add.s32.msk vm0, v10  }
0x642: {  	s22 =	sadd.s32 $0x10, s22;
	v6 =	vld [tilespmem:s0+$0x0]  }
0x643: {  	v7 =	vld [tilespmem:s22+$0x0]  }
0x644: {  	s20 =	sadd.s32 $0xFFFFFFFF, s20  }
.Ltmp85:
0x645: {  	_ = 	snop;
	(pc) =	sbr.rel .LBB2_134-.Ltmp85, $1  }
0x646: {  	_ =	sdelay $0x3  }
.LBB2_16:
.Ltmp86:
0x647: {  	(pc) =	sbr.rel .LBB2_35-.Ltmp86, $2  }
0x648: {  	_ =	sdelay $0x2  }
0x649: {  	_ = 	snop  }
.LBB2_28:
.Ltmp87:
0x64a: {  	(pc) =	sbr.rel .LBB2_58-.Ltmp87, $2  }
0x64b: {  	_ =	sdelay $0x2  }
0x64c: {  	_ = 	snop  }
.LBB2_49:
.Ltmp88:
0x64d: {  	(pc) =	sbr.rel .LBB2_79-.Ltmp88, $2  }
0x64e: {  	_ =	sdelay $0x2  }
0x64f: {  	_ = 	snop  }
.LBB2_72:
.Ltmp89:
0x650: {  	(pc) =	sbr.rel .LBB2_102-.Ltmp89, $2  }
0x651: {  	_ =	sdelay $0x2  }
0x652: {  	_ = 	snop  }
.LBB2_93:
.Ltmp90:
0x653: {  	(pc) =	sbr.rel .LBB2_125-.Ltmp90, $2  }
0x654: {  	_ =	sdelay $0x2  }
0x655: {  	_ = 	snop  }
.LBB2_116:
.Ltmp91:
0x656: {  	(pc) =	sbr.rel .LBB2_144-.Ltmp91, $2  }
0x657: {  	_ =	sdelay $0x2  }
0x658: {  	_ = 	snop  }
.LBB2_30:
.Ltmp92:
0x659: {  	(pc) =	sbr.rel .LBB2_35-.Ltmp92, $2  }
0x65a: {  	_ =	sdelay $0x2  }
0x65b: {  	v12 =	vmovc v8;
	v22 =	vmovc v6;
	v20 =	vmov v7;
	v6 =	vmov v17;
	v7 =	vmov v14  }
.LBB2_51:
.Ltmp93:
0x65c: {  	(pc) =	sbr.rel .LBB2_58-.Ltmp93, $2  }
0x65d: {  	_ =	sdelay $0x2  }
0x65e: {  	v17 =	vmovc v9;
	v16 =	vmovc v8;
	v12 =	vmov v7;
	v13 =	vmov v6;
	v22 =	vmov v14  }
.LBB2_74:
.Ltmp94:
0x65f: {  	(pc) =	sbr.rel .LBB2_79-.Ltmp94, $2  }
0x660: {  	_ =	sdelay $0x2  }
0x661: {  	v12 =	vmovc v8;
	v22 =	vmovc v6;
	v20 =	vmov v7;
	v6 =	vmov v17;
	v7 =	vmov v14  }
.LBB2_95:
.Ltmp95:
0x662: {  	(pc) =	sbr.rel .LBB2_102-.Ltmp95, $2  }
0x663: {  	_ =	sdelay $0x2  }
0x664: {  	v17 =	vmovc v9;
	v16 =	vmovc v8;
	v12 =	vmov v7;
	v13 =	vmov v6;
	v22 =	vmov v14  }
.LBB2_118:
.Ltmp96:
0x665: {  	(pc) =	sbr.rel .LBB2_125-.Ltmp96, $2  }
0x666: {  	_ =	sdelay $0x2  }
0x667: {  	v17 =	vmovc v9;
	v16 =	vmovc v8;
	v12 =	vmov v7;
	v13 =	vmov v6;
	v22 =	vmov v14  }
.LBB2_139:
.Ltmp97:
0x668: {  	(pc) =	sbr.rel .LBB2_144-.Ltmp97, $2  }
0x669: {  	_ =	sdelay $0x2  }
0x66a: {  	v12 =	vmovc v8;
	v22 =	vmovc v6;
	v20 =	vmov v7;
	v6 =	vmov v17;
	v7 =	vmov v14  }
.LBB2_32:
.Ltmp98:
0x66b: {  	(pc) =	sbr.rel .LBB2_35-.Ltmp98, $3  }
0x66c: {  	_ =	sdelay $0x1  }
0x66d: {  	v21 =	vmov v6;
	v24 =	vmov v7;
	v23 =	vmov v9  }
0x66e: {  	v22 =	vmovc v17;
	v6 =	vmovc v20;
	v20 =	vmov v14;
	v7 =	vmov v19;
	v9 =	vmov v18  }
.LBB2_53:
.Ltmp99:
0x66f: {  	(pc) =	sbr.rel .LBB2_58-.Ltmp99, $3  }
0x670: {  	_ =	sdelay $0x1  }
0x671: {  	v17 =	vmov v15;
	v26 =	vmov v8  }
0x672: {  	v21 =	vmovc v14;
	vm2 =	vmmov vm0;
	v28 =	vmovc v7;
	v29 =	vmov v6;
	v15 =	vmov v9  }
.LBB2_76:
.Ltmp100:
0x673: {  	(pc) =	sbr.rel .LBB2_79-.Ltmp100, $3  }
0x674: {  	_ =	sdelay $0x1  }
0x675: {  	v21 =	vmov v6;
	v24 =	vmov v7;
	v23 =	vmov v9  }
0x676: {  	v22 =	vmovc v17;
	v6 =	vmovc v20;
	v20 =	vmov v14;
	v7 =	vmov v19;
	v9 =	vmov v18  }
.LBB2_97:
.Ltmp101:
0x677: {  	(pc) =	sbr.rel .LBB2_102-.Ltmp101, $3  }
0x678: {  	_ =	sdelay $0x1  }
0x679: {  	v17 =	vmov v15;
	v26 =	vmov v8  }
0x67a: {  	v21 =	vmovc v14;
	vm2 =	vmmov vm0;
	v28 =	vmovc v7;
	v29 =	vmov v6;
	v15 =	vmov v9  }
.LBB2_120:
.Ltmp102:
0x67b: {  	(pc) =	sbr.rel .LBB2_125-.Ltmp102, $3  }
0x67c: {  	_ =	sdelay $0x1  }
0x67d: {  	v17 =	vmov v15;
	v26 =	vmov v8  }
0x67e: {  	v21 =	vmovc v14;
	vm2 =	vmmov vm0;
	v28 =	vmovc v7;
	v29 =	vmov v6;
	v15 =	vmov v9  }
.LBB2_141:
.Ltmp103:
0x67f: {  	(pc) =	sbr.rel .LBB2_144-.Ltmp103, $3  }
0x680: {  	_ =	sdelay $0x1  }
0x681: {  	v21 =	vmov v6;
	v24 =	vmov v7;
	v23 =	vmov v9  }
0x682: {  	v22 =	vmovc v17;
	v6 =	vmovc v20;
	v20 =	vmov v14;
	v7 =	vmov v19;
	v9 =	vmov v18  }
.LBB2_55:
.Ltmp104:
0x683: {  	(pc) =	sbr.rel .LBB2_58-.Ltmp104, $3  }
0x684: {  	_ =	sdelay $0x1  }
0x685: {  	v26 =	vmov v16;
	v28 =	vmov v12;
	v29 =	vmov v13  }
0x686: {  	v19 =	vmovc v8;
	v16 =	vmovc v25;
	v12 =	vmov v23;
	v13 =	vmov v24;
	v22 =	vmov v27  }
.LBB2_99:
.Ltmp105:
0x687: {  	(pc) =	sbr.rel .LBB2_102-.Ltmp105, $3  }
0x688: {  	_ =	sdelay $0x1  }
0x689: {  	v26 =	vmov v16;
	v28 =	vmov v12;
	v29 =	vmov v13  }
0x68a: {  	v19 =	vmovc v8;
	v16 =	vmovc v25;
	v12 =	vmov v23;
	v13 =	vmov v24;
	v22 =	vmov v27  }
.LBB2_122:
.Ltmp106:
0x68b: {  	(pc) =	sbr.rel .LBB2_125-.Ltmp106, $3  }
0x68c: {  	_ =	sdelay $0x1  }
0x68d: {  	v26 =	vmov v16;
	v28 =	vmov v12;
	v29 =	vmov v13  }
0x68e: {  	v19 =	vmovc v8;
	v16 =	vmovc v25;
	v12 =	vmov v23;
	v13 =	vmov v24;
	v22 =	vmov v27  }
.LBB2_137:
0x68f: {  	_ =	sfence.sel $0x180000  }
0x690: {  	[bflag:$0x0] =	sbarrier.arrive $0xFFFF  }
0x691: {  	_ =	strace $0x90000047  }
0x692: {  	s0 =	stileid.u32;
	[bflag:$0x2] =	sbarrier.arrive $0xFFFF  }
0x693: {  	p0 =	sne.s32 s0, $0x0;
	s0 =	rddreg [dreg:$0x2]  }
0x694: {  	s0 =	sadd.s32 @!p0 $0x100000, s0  }
0x695: {  	[sflag:s0] =	ssyncadd.tile.s32 @!p0 $0x1;
	_ =	shalt  }
.Lfunc_end2:
_tile_overlayer_lowered:
.L_overlay_start_2:
0x696: {  	(tag) =	ssettag $0x2  }
0x697: {  	s0 =	rddreg [dreg:$0x0];
	s2 =	stileid.u32  }
0x698: {  	s1 =	rddreg [dreg:$0x1];
	p0 =	sne.s32 s2, $0x0  }
0x699: {  	s3 =	rddreg [dreg:$0x2];
	[bflag:$0x3] =	sbarrier.arrive $0xFFFF;
	s2 =	simm.s32 @!p0 $0x1C02  }
0x69a: {  	[timem:s3], [sflag:s2] =	dma.local @!p0 [hbm:s0], s1  }
0x69b: {  	s0 =	simm.s32 @!p0 $0x2  }
0x69c: {  	_ =	swait.ge @!p0 [sflag:s0], s1  }
0x69d: {  	s1 =	ssub.s32 @!p0 $0x0, s1;
	[sflag:s0] =	ssyncset.done @!p0 $0x0  }
0x69e: {  	[sflag:s0] =	ssyncadd.s32 @!p0 s1  }
0x69f: {  	[bflag:$0x3] =	sbarrier.arrive $0xFFFF  }
0x6a0: {  	_ =	shalt  }

</sc_bundles>
